<compile_context>
chip_gen: v7x
topology: tpu7x:2x2x1
jax: 0.10.2.dev20260603
libtpu: 0.0.44.dev20260713+nightly
codegen_flags: <defaults>
</compile_context>

<pallas_src>
import dataclasses
import functools

import jax
import jax.numpy as jnp
from jax import lax
from jax.experimental import pallas as pl
from jax.experimental.pallas import tpu as pltpu
from jax.experimental.pallas import tpu_sc as plsc

N = 10000
D = 128
E = 320000

NC = 2
NS = 16
L = 16
EPC = E // NC
EPT = EPC // NS
CH = 80
NCHUNK = EPT // CH
NBUF = 3
NGROUP = NCHUNK // NBUF
NRING = NGROUP * NBUF
N_PAD = 10112
RPT = N_PAD // NS
RBLOCKS = [(k, min(128, RPT - k)) for k in range(0, RPT, 128)]
CROWS = 640


def _ln_relu_body(x_ref, g_ref, b_ref, h_ref):
    x = x_ref[...]
    m = jnp.mean(x, axis=1, keepdims=True)
    d = x - m
    v = jnp.mean(d * d, axis=1, keepdims=True)
    h = d * lax.rsqrt(v + 1e-5) * g_ref[...] + b_ref[...]
    h_ref[...] = jnp.maximum(h, 0.0)


def _ln_relu(x, gamma, beta):
    blk = 1000
    return pl.pallas_call(
        _ln_relu_body,
        grid=(N // blk,),
        in_specs=[
            pl.BlockSpec((blk, D), lambda i: (i, 0)),
            pl.BlockSpec((1, D), lambda i: (0, 0)),
            pl.BlockSpec((1, D), lambda i: (0, 0)),
        ],
        out_specs=pl.BlockSpec((blk, D), lambda i: (i, 0)),
        out_shape=jax.ShapeDtypeStruct((N, D), jnp.float32),
    )(x, gamma.reshape(1, D), beta.reshape(1, D))


_sc_mesh = plsc.VectorSubcoreMesh(core_axis_name="c", subcore_axis_name="s")

_sc_params = pltpu.CompilerParams(
    needs_layout_passes=False,
    use_tc_tiling_on_sc=False,
)


@functools.partial(
    pl.kernel,
    out_type=(
        jax.ShapeDtypeStruct((NC, N_PAD, D), jnp.float32),
        jax.ShapeDtypeStruct((NC, CROWS, L), jnp.float32),
    ),
    mesh=_sc_mesh,
    compiler_params=_sc_params,
    scratch_types=[
        pltpu.VMEM((CROWS, L), jnp.float32),
        pltpu.VMEM((5, 128), jnp.int32),
        pltpu.VMEM_SHARED((N_PAD, D), jnp.float32),
        pltpu.VMEM_SHARED((CROWS, L), jnp.float32),
    ] + [pltpu.VMEM((CH, D), jnp.float32)] * NBUF
      + [pltpu.VMEM((CH,), jnp.int32)] * NBUF
      + [pltpu.VMEM((CH,), jnp.int32)] * NBUF
      + [pltpu.SemaphoreType.DMA] * (4 * NBUF),
)
def _sc_aggregate(h_hbm, src_hbm, dst_hbm, aggr_out, cnt_out,
                  cnt_l, rowid_v,
                  aggr_sh, cnt_sh, *rest):
    rows = rest[:NBUF]
    srcs = rest[NBUF:2 * NBUF]
    dsts = rest[2 * NBUF:3 * NBUF]
    gsem = rest[3 * NBUF:4 * NBUF]
    ssem = rest[4 * NBUF:5 * NBUF]
    isem = rest[5 * NBUF:6 * NBUF]
    dsem = rest[6 * NBUF:]
    c = lax.axis_index("c")
    s = lax.axis_index("s")

    @pl.loop(0, CH)
    def _(i):
        @pl.loop(0, D, step=L)
        def _(j):
            rows[0][i, pl.ds(j, L)] = jnp.zeros((L,), jnp.float32)

    @pl.loop(0, CROWS)
    def _(i):
        cnt_l[i, pl.ds(0, L)] = jnp.zeros((L,), jnp.float32)

    for k in range(5):
        for j in range(8):
            rowid_v[k, pl.ds(j * L, L)] = (
                lax.iota(jnp.int32, L) + (k * 128 + j * L)
            )

    sems = rest[3 * NBUF:]
    zdescs = []
    for z, k in enumerate(range(0, RPT, CH)):
        nb = min(CH, RPT - k)
        d = pltpu.make_async_copy(rows[0].at[pl.ds(0, nb)],
                                  aggr_sh.at[pl.ds(s * RPT + k, nb)],
                                  sems[z])
        d.start()
        zdescs.append(d)
    for d in zdescs:
        d.wait()

    @pl.when(s == 0)
    def _():
        zc = []
        for z, k in enumerate(range(0, CROWS, 128)):
            d = pltpu.make_async_copy(cnt_l.at[pl.ds(k, 128)],
                                      cnt_sh.at[pl.ds(k, 128)], sems[z])
            d.start()
            zc.append(d)
        for d in zc:
            d.wait()

    plsc.subcore_barrier()

    wid = c * NS + s
    e0 = wid * EPT

    def src_desc(i, b):
        return pltpu.make_async_copy(
            src_hbm.at[pl.ds(e0 + i * CH, CH)], srcs[b], isem[b])

    def dst_desc(i, b):
        return pltpu.make_async_copy(
            dst_hbm.at[pl.ds(e0 + i * CH, CH)], dsts[b], dsem[b])

    def gather_desc(b):
        return pltpu.make_async_copy(
            h_hbm.at[srcs[b].at[pl.ds(0, CH)]], rows[b], gsem[b])

    def scatter_desc(b):
        return pltpu.make_async_copy(
            rows[b], aggr_sh.at[dsts[b].at[pl.ds(0, CH)]], ssem[b])

    def count_update(b):
        for j in range(CH // L):
            dv = dsts[b][pl.ds(j * L, L)]
            row = lax.shift_right_logical(dv, 4)
            col = lax.bitwise_and(dv, 15)
            plsc.addupdate_scatter(cnt_l, [row, col],
                                   jnp.full((L,), 1.0, jnp.float32))

    for b in range(NBUF):
        src_desc(b, b).start()
        dst_desc(b, b).start()
    for b in range(NBUF):
        src_desc(b, b).wait()
        gather_desc(b).start()

    @pl.loop(0, NGROUP)
    def _(g):
        for b in range(NBUF):
            i = g * NBUF + b
            gather_desc(b).wait()

            @pl.when(g < NGROUP - 1)
            def _():
                src_desc(i + NBUF, b).start()

            dst_desc(i, b).wait()
            scatter_desc(b).start(add=True)
            count_update(b)
        for b in range(NBUF):
            i = g * NBUF + b
            scatter_desc(b).wait()

            @pl.when(g < NGROUP - 1)
            def _():
                dst_desc(i + NBUF, b).start()
                src_desc(i + NBUF, b).wait()
                gather_desc(b).start()

    for i in range(NRING, NCHUNK):
        pltpu.sync_copy(src_hbm.at[pl.ds(e0 + i * CH, CH)], srcs[0])
        pltpu.sync_copy(dst_hbm.at[pl.ds(e0 + i * CH, CH)], dsts[0])
        pltpu.sync_copy(h_hbm.at[srcs[0].at[pl.ds(0, CH)]], rows[0])
        pltpu.sync_copy(rows[0], aggr_sh.at[dsts[0].at[pl.ds(0, CH)]], add=True)
        count_update(0)

    plsc.subcore_barrier()

    mdescs = []
    for k in range(5):
        d = pltpu.make_async_copy(cnt_l.at[pl.ds(k * 128, 128)],
                                  cnt_sh.at[rowid_v.at[k]], sems[k])
        d.start(add=True)
        mdescs.append(d)
    for d in mdescs:
        d.wait()

    plsc.subcore_barrier()

    wdescs = []
    for z, (k, nb) in enumerate(RBLOCKS):
        r0 = s * RPT + k
        d = pltpu.make_async_copy(aggr_sh.at[pl.ds(r0, nb)],
                                  aggr_out.at[c, pl.ds(r0, nb)], sems[z])
        d.start()
        wdescs.append(d)

    @pl.when(s == 0)
    def _():
        d = pltpu.make_async_copy(cnt_sh, cnt_out.at[c], sems[len(RBLOCKS)])
        d.start()
        d.wait()

    for d in wdescs:
        d.wait()


def _combine_body(a0_ref, a1_ref, c0_ref, c1_ref, h_ref, wl_ref, bl_ref,
                  wr_ref, o_ref):
    aggr = a0_ref[...] + a1_ref[...]
    cnt = jnp.maximum(c0_ref[...] + c1_ref[...], 1.0)
    mean = aggr / cnt
    dims = (((1,), (1,)), ((), ()))
    o_ref[...] = (
        lax.dot_general(mean, wl_ref[...], dims,
                        preferred_element_type=jnp.float32)
        + bl_ref[...]
        + lax.dot_general(h_ref[...], wr_ref[...], dims,
                          preferred_element_type=jnp.float32)
    )


def _combine(a0, a1, c0, c1, h, W_l, b_l, W_r):
    blk = 1000
    return pl.pallas_call(
        _combine_body,
        grid=(N // blk,),
        in_specs=[
            pl.BlockSpec((blk, D), lambda i: (i, 0)),
            pl.BlockSpec((blk, D), lambda i: (i, 0)),
            pl.BlockSpec((blk, 1), lambda i: (i, 0)),
            pl.BlockSpec((blk, 1), lambda i: (i, 0)),
            pl.BlockSpec((blk, D), lambda i: (i, 0)),
            pl.BlockSpec((D, D), lambda i: (0, 0)),
            pl.BlockSpec((1, D), lambda i: (0, 0)),
            pl.BlockSpec((D, D), lambda i: (0, 0)),
        ],
        out_specs=pl.BlockSpec((blk, D), lambda i: (i, 0)),
        out_shape=jax.ShapeDtypeStruct((N, D), jnp.float32),
    )(a0, a1, c0, c1, h, W_l, b_l.reshape(1, D), W_r)


def kernel(x, edge_index, ln_gamma, ln_beta, W_l, b_l, W_r):
    ei = edge_index.astype(jnp.int32)
    src = ei[0]
    dst = ei[1]
    h = _ln_relu(x, ln_gamma, ln_beta)
    aggr_p, cnt_p = _sc_aggregate(h, src, dst)
    aggr_p = aggr_p[:, :N, :]
    cnt = cnt_p.reshape(NC, CROWS * L)[:, :N]
    out = _combine(aggr_p[0], aggr_p[1],
                   cnt[0].reshape(N, 1), cnt[1].reshape(N, 1),
                   h, W_l, b_l, W_r)
    return out

# --- scband reference (transcript-rebuilt; emitter-appended) ---
"""Pipeline reference for scband-gnnblock-13657996001655 (READ-ONLY COPY).

The authoritative reference and input builder live on the scoring server;
editing this copy changes nothing except your own understanding.
"""

import jax, jax.numpy as jnp
import numpy as np

N = 10000
D_IN = 128
D_OUT = 128
E = 320000

def setup_inputs(seed: int = 0) -> dict:
    key = jax.random.key(seed)
    k1, k2, k3, k4, k5 = jax.random.split(key, 5)
    x = jax.random.normal(k1, (N, D_IN), dtype=jnp.float32)
    edge_index = jax.random.randint(k2, (2, E), 0, N, dtype=jnp.int64)
    ln_gamma = jnp.ones((D_IN,), dtype=jnp.float32)
    ln_beta = jnp.zeros((D_IN,), dtype=jnp.float32)
    bound_l = 1.0 / np.sqrt(D_IN)
    W_l = jax.random.uniform(k3, (D_OUT, D_IN), minval=-bound_l, maxval=bound_l, dtype=jnp.float32)
    b_l = jnp.zeros((D_OUT,), dtype=jnp.float32)
    W_r = jax.random.uniform(k4, (D_OUT, D_IN), minval=-bound_l, maxval=bound_l, dtype=jnp.float32)
    return {"x": x, "edge_index": edge_index, "ln_gamma": ln_gamma, "ln_beta": ln_beta, "W_l": W_l, "b_l": b_l, "W_r": W_r}

def reference(x, edge_index, ln_gamma, ln_beta, W_l, b_l, W_r):
    # LayerNorm (elementwise affine), eps=1e-5
    mean = jnp.mean(x, axis=-1, keepdims=True)
    var = jnp.var(x, axis=-1, keepdims=True)
    h = (x - mean) / jnp.sqrt(var + 1e-5)
    h = h * ln_gamma + ln_beta
    # ReLU
    h = jax.nn.relu(h)
    # dropout p=0.5 with training=False -> identity (eval mode)
    # SAGEConv: mean aggregation of source features at destination nodes
    src = edge_index[0]
    dst = edge_index[1]
    msgs = jnp.take(h, src, axis=0)
    aggr = jax.ops.segment_sum(msgs, dst, num_segments=N)
    counts = jax.ops.segment_sum(jnp.ones((E,), dtype=jnp.float32), dst, num_segments=N)
    counts = jnp.clip(counts, 1.0, None)[:, None]
    neigh_mean = aggr / counts
    # out = lin_l(neigh_mean) + lin_r(h)  (lin_l has bias, lin_r has no bias)
    out = neigh_mean @ W_l.T + b_l + h @ W_r.T
    return out

if __name__ == "__main__":
    import jax
    _d = setup_inputs()
    print(jax.jit(kernel)(*tuple(_d.values())))

</pallas_src>

<mosaic_0001>
#map = affine_map<(d0, d1) -> (0, 0)>
#map1 = affine_map<(d0, d1) -> (0)>
#map2 = affine_map<(d0, d1) -> (0, 0, 0)>
module attributes {stable_mosaic.version = 14 : i64} {
  func.func @_sc_aggregate(%arg0: i32, %arg1: i32, %arg2: memref<10000x128xf32, #tpu.memory_space<hbm>>, %arg3: memref<320000xi32, #tpu.memory_space<hbm>>, %arg4: memref<320000xi32, #tpu.memory_space<hbm>>, %arg5: memref<2x10112x128xf32, #tpu.memory_space<hbm>>, %arg6: memref<2x640x16xf32, #tpu.memory_space<hbm>>, %arg7: memref<640x16xf32, #tpu.memory_space<vmem>>, %arg8: memref<5x128xi32, #tpu.memory_space<vmem>>, %arg9: memref<10112x128xf32, #tpu.memory_space<vmem_shared>>, %arg10: memref<640x16xf32, #tpu.memory_space<vmem_shared>>, %arg11: memref<80x128xf32, #tpu.memory_space<vmem>>, %arg12: memref<80x128xf32, #tpu.memory_space<vmem>>, %arg13: memref<80x128xf32, #tpu.memory_space<vmem>>, %arg14: memref<80xi32, #tpu.memory_space<vmem>>, %arg15: memref<80xi32, #tpu.memory_space<vmem>>, %arg16: memref<80xi32, #tpu.memory_space<vmem>>, %arg17: memref<80xi32, #tpu.memory_space<vmem>>, %arg18: memref<80xi32, #tpu.memory_space<vmem>>, %arg19: memref<80xi32, #tpu.memory_space<vmem>>, %arg20: memref<!tpu.dma_semaphore, #tpu.memory_space<semaphore_mem>>, %arg21: memref<!tpu.dma_semaphore, #tpu.memory_space<semaphore_mem>>, %arg22: memref<!tpu.dma_semaphore, #tpu.memory_space<semaphore_mem>>, %arg23: memref<!tpu.dma_semaphore, #tpu.memory_space<semaphore_mem>>, %arg24: memref<!tpu.dma_semaphore, #tpu.memory_space<semaphore_mem>>, %arg25: memref<!tpu.dma_semaphore, #tpu.memory_space<semaphore_mem>>, %arg26: memref<!tpu.dma_semaphore, #tpu.memory_space<semaphore_mem>>, %arg27: memref<!tpu.dma_semaphore, #tpu.memory_space<semaphore_mem>>, %arg28: memref<!tpu.dma_semaphore, #tpu.memory_space<semaphore_mem>>, %arg29: memref<!tpu.dma_semaphore, #tpu.memory_space<semaphore_mem>>, %arg30: memref<!tpu.dma_semaphore, #tpu.memory_space<semaphore_mem>>, %arg31: memref<!tpu.dma_semaphore, #tpu.memory_space<semaphore_mem>>) attributes {dimension_semantics = [#tpu.dimension_semantics<core_parallel>, #tpu.dimension_semantics<subcore_parallel>], iteration_bounds = array<i64: 2, 16>, scalar_prefetch = 0 : i64, scratch_operands = 25 : i64, tpu.core_type = #tpu.core_type<sc_vector_subcore>, window_params = [{transform_indices = #map}, {transform_indices = #map1}, {transform_indices = #map1}, {transform_indices = #map2}, {transform_indices = #map2}]} {
    %scan3A = arith.constant 0 : i32
    %scan3A_0 = arith.constant 80 : i32
    %scan3A_1 = arith.addi %scan3A, %scan3A_0 : i32
    %scan3A_2 = arith.constant 1 : i32
    scf.for %scan3A_859 = %scan3A to %scan3A_1 step %scan3A_2  : i32 {
      %mul3A_860 = arith.constant 1 : i32
      %mul3A_861 = arith.muli %scan3A_859, %mul3A_860 : i32
      %add3A_862 = arith.constant 0 : i32
      %add3A_863 = arith.addi %add3A_862, %mul3A_861 : i32
      %scan3A_864 = arith.constant 0 : i32
      %scan3A_865 = arith.constant 8 : i32
      %scan3A_866 = arith.addi %scan3A_864, %scan3A_865 : i32
      %scan3A_867 = arith.constant 1 : i32
      scf.for %scan3A_869 = %scan3A_864 to %scan3A_866 step %scan3A_867  : i32 {
        %mul3A_870 = arith.constant 16 : i32
        %mul3A_871 = arith.muli %scan3A_869, %mul3A_870 : i32
        %add3A_872 = arith.constant 0 : i32
        %add3A_873 = arith.addi %add3A_872, %mul3A_871 : i32
        %broadcast_in_dim3A_874 = arith.constant 0.000000e+00 : f32
        %broadcast_in_dim3A_875 = vector.broadcast %broadcast_in_dim3A_874 : f32 to vector<16xf32>
        %swap3A_876 = arith.index_cast %add3A_863 : i32 to index
        %swap3A_877 = arith.index_cast %add3A_873 : i32 to index
        %swap3A_878 = tpu.vector_load %arg11[%swap3A_876, %swap3A_877] {strides = array<i32>} : memref<80x128xf32, #tpu.memory_space<vmem>>, vector<16xf32>,
        tpu.vector_store %arg11[%swap3A_876, %swap3A_877], %broadcast_in_dim3A_875 {strides = array<i32>} : memref<80x128xf32, #tpu.memory_space<vmem>>, vector<16xf32>,
      }
      %scan3A_868 = arith.constant 8 : i32
    }
    %scan3A_3 = arith.constant 80 : i32
    %scan3A_4 = arith.constant 0 : i32
    %scan3A_5 = arith.constant 640 : i32
    %scan3A_6 = arith.addi %scan3A_4, %scan3A_5 : i32
    %scan3A_7 = arith.constant 1 : i32
    scf.for %scan3A_859 = %scan3A_4 to %scan3A_6 step %scan3A_7  : i32 {
      %mul3A_860 = arith.constant 1 : i32
      %mul3A_861 = arith.muli %scan3A_859, %mul3A_860 : i32
      %add3A_862 = arith.constant 0 : i32
      %add3A_863 = arith.addi %add3A_862, %mul3A_861 : i32
      %broadcast_in_dim3A_864 = arith.constant 0.000000e+00 : f32
      %broadcast_in_dim3A_865 = vector.broadcast %broadcast_in_dim3A_864 : f32 to vector<16xf32>
      %swap3A_866 = arith.index_cast %add3A_863 : i32 to index
      %swap3A_867 = arith.constant 0 : index
      %swap3A_868 = tpu.vector_load %arg7[%swap3A_866, %swap3A_867] {strides = array<i32>} : memref<640x16xf32, #tpu.memory_space<vmem>>, vector<16xf32>,
      tpu.vector_store %arg7[%swap3A_866, %swap3A_867], %broadcast_in_dim3A_865 {strides = array<i32>} : memref<640x16xf32, #tpu.memory_space<vmem>>, vector<16xf32>,
    }
    %scan3A_8 = arith.constant 640 : i32
    %iota3A = tpu.iota {dimensions = array<i32: 0>} : vector<16xi32>
    %add3A = arith.constant 0 : i32
    %add3A_9 = vector.broadcast %add3A : i32 to vector<16xi32>
    %add3A_10 = arith.addi %iota3A, %add3A_9 : vector<16xi32>
    %swap3A = arith.constant 0 : i32
    %swap3A_11 = arith.index_cast %swap3A : i32 to index
    %swap3A_12 = arith.constant 0 : index
    %swap3A_13 = tpu.vector_load %arg8[%swap3A_11, %swap3A_12] {strides = array<i32>} : memref<5x128xi32, #tpu.memory_space<vmem>>, vector<16xi32>,
    tpu.vector_store %arg8[%swap3A_11, %swap3A_12], %add3A_10 {strides = array<i32>} : memref<5x128xi32, #tpu.memory_space<vmem>>, vector<16xi32>,
    %iota3A_14 = tpu.iota {dimensions = array<i32: 0>} : vector<16xi32>
    %add3A_15 = arith.constant 16 : i32
    %add3A_16 = vector.broadcast %add3A_15 : i32 to vector<16xi32>
    %add3A_17 = arith.addi %iota3A_14, %add3A_16 : vector<16xi32>
    %swap3A_18 = arith.constant 0 : i32
    %swap3A_19 = arith.index_cast %swap3A_18 : i32 to index
    %swap3A_20 = arith.constant 16 : index
    %swap3A_21 = tpu.vector_load %arg8[%swap3A_19, %swap3A_20] {strides = array<i32>} : memref<5x128xi32, #tpu.memory_space<vmem>>, vector<16xi32>,
    tpu.vector_store %arg8[%swap3A_19, %swap3A_20], %add3A_17 {strides = array<i32>} : memref<5x128xi32, #tpu.memory_space<vmem>>, vector<16xi32>,
    %iota3A_22 = tpu.iota {dimensions = array<i32: 0>} : vector<16xi32>
    %add3A_23 = arith.constant 32 : i32
    %add3A_24 = vector.broadcast %add3A_23 : i32 to vector<16xi32>
    %add3A_25 = arith.addi %iota3A_22, %add3A_24 : vector<16xi32>
    %swap3A_26 = arith.constant 0 : i32
    %swap3A_27 = arith.index_cast %swap3A_26 : i32 to index
    %swap3A_28 = arith.constant 32 : index
    %swap3A_29 = tpu.vector_load %arg8[%swap3A_27, %swap3A_28] {strides = array<i32>} : memref<5x128xi32, #tpu.memory_space<vmem>>, vector<16xi32>,
    tpu.vector_store %arg8[%swap3A_27, %swap3A_28], %add3A_25 {strides = array<i32>} : memref<5x128xi32, #tpu.memory_space<vmem>>, vector<16xi32>,
    %iota3A_30 = tpu.iota {dimensions = array<i32: 0>} : vector<16xi32>
    %add3A_31 = arith.constant 48 : i32
    %add3A_32 = vector.broadcast %add3A_31 : i32 to vector<16xi32>
    %add3A_33 = arith.addi %iota3A_30, %add3A_32 : vector<16xi32>
    %swap3A_34 = arith.constant 0 : i32
    %swap3A_35 = arith.index_cast %swap3A_34 : i32 to index
    %swap3A_36 = arith.constant 48 : index
    %swap3A_37 = tpu.vector_load %arg8[%swap3A_35, %swap3A_36] {strides = array<i32>} : memref<5x128xi32, #tpu.memory_space<vmem>>, vector<16xi32>,
    tpu.vector_store %arg8[%swap3A_35, %swap3A_36], %add3A_33 {strides = array<i32>} : memref<5x128xi32, #tpu.memory_space<vmem>>, vector<16xi32>,
    %iota3A_38 = tpu.iota {dimensions = array<i32: 0>} : vector<16xi32>
    %add3A_39 = arith.constant 64 : i32
    %add3A_40 = vector.broadcast %add3A_39 : i32 to vector<16xi32>
    %add3A_41 = arith.addi %iota3A_38, %add3A_40 : vector<16xi32>
    %swap3A_42 = arith.constant 0 : i32
    %swap3A_43 = arith.index_cast %swap3A_42 : i32 to index
    %swap3A_44 = arith.constant 64 : index
    %swap3A_45 = tpu.vector_load %arg8[%swap3A_43, %swap3A_44] {strides = array<i32>} : memref<5x128xi32, #tpu.memory_space<vmem>>, vector<16xi32>,
    tpu.vector_store %arg8[%swap3A_43, %swap3A_44], %add3A_41 {strides = array<i32>} : memref<5x128xi32, #tpu.memory_space<vmem>>, vector<16xi32>,
    %iota3A_46 = tpu.iota {dimensions = array<i32: 0>} : vector<16xi32>
    %add3A_47 = arith.constant 80 : i32
    %add3A_48 = vector.broadcast %add3A_47 : i32 to vector<16xi32>
    %add3A_49 = arith.addi %iota3A_46, %add3A_48 : vector<16xi32>
    %swap3A_50 = arith.constant 0 : i32
    %swap3A_51 = arith.index_cast %swap3A_50 : i32 to index
    %swap3A_52 = arith.constant 80 : index
    %swap3A_53 = tpu.vector_load %arg8[%swap3A_51, %swap3A_52] {strides = array<i32>} : memref<5x128xi32, #tpu.memory_space<vmem>>, vector<16xi32>,
    tpu.vector_store %arg8[%swap3A_51, %swap3A_52], %add3A_49 {strides = array<i32>} : memref<5x128xi32, #tpu.memory_space<vmem>>, vector<16xi32>,
    %iota3A_54 = tpu.iota {dimensions = array<i32: 0>} : vector<16xi32>
    %add3A_55 = arith.constant 96 : i32
    %add3A_56 = vector.broadcast %add3A_55 : i32 to vector<16xi32>
    %add3A_57 = arith.addi %iota3A_54, %add3A_56 : vector<16xi32>
    %swap3A_58 = arith.constant 0 : i32
    %swap3A_59 = arith.index_cast %swap3A_58 : i32 to index
    %swap3A_60 = arith.constant 96 : index
    %swap3A_61 = tpu.vector_load %arg8[%swap3A_59, %swap3A_60] {strides = array<i32>} : memref<5x128xi32, #tpu.memory_space<vmem>>, vector<16xi32>,
    tpu.vector_store %arg8[%swap3A_59, %swap3A_60], %add3A_57 {strides = array<i32>} : memref<5x128xi32, #tpu.memory_space<vmem>>, vector<16xi32>,
    %iota3A_62 = tpu.iota {dimensions = array<i32: 0>} : vector<16xi32>
    %add3A_63 = arith.constant 112 : i32
    %add3A_64 = vector.broadcast %add3A_63 : i32 to vector<16xi32>
    %add3A_65 = arith.addi %iota3A_62, %add3A_64 : vector<16xi32>
    %swap3A_66 = arith.constant 0 : i32
    %swap3A_67 = arith.index_cast %swap3A_66 : i32 to index
    %swap3A_68 = arith.constant 112 : index
    %swap3A_69 = tpu.vector_load %arg8[%swap3A_67, %swap3A_68] {strides = array<i32>} : memref<5x128xi32, #tpu.memory_space<vmem>>, vector<16xi32>,
    tpu.vector_store %arg8[%swap3A_67, %swap3A_68], %add3A_65 {strides = array<i32>} : memref<5x128xi32, #tpu.memory_space<vmem>>, vector<16xi32>,
    %iota3A_70 = tpu.iota {dimensions = array<i32: 0>} : vector<16xi32>
    %add3A_71 = arith.constant 128 : i32
    %add3A_72 = vector.broadcast %add3A_71 : i32 to vector<16xi32>
    %add3A_73 = arith.addi %iota3A_70, %add3A_72 : vector<16xi32>
    %swap3A_74 = arith.constant 1 : i32
    %swap3A_75 = arith.index_cast %swap3A_74 : i32 to index
    %swap3A_76 = arith.constant 0 : index
    %swap3A_77 = tpu.vector_load %arg8[%swap3A_75, %swap3A_76] {strides = array<i32>} : memref<5x128xi32, #tpu.memory_space<vmem>>, vector<16xi32>,
    tpu.vector_store %arg8[%swap3A_75, %swap3A_76], %add3A_73 {strides = array<i32>} : memref<5x128xi32, #tpu.memory_space<vmem>>, vector<16xi32>,
    %iota3A_78 = tpu.iota {dimensions = array<i32: 0>} : vector<16xi32>
    %add3A_79 = arith.constant 144 : i32
    %add3A_80 = vector.broadcast %add3A_79 : i32 to vector<16xi32>
    %add3A_81 = arith.addi %iota3A_78, %add3A_80 : vector<16xi32>
    %swap3A_82 = arith.constant 1 : i32
    %swap3A_83 = arith.index_cast %swap3A_82 : i32 to index
    %swap3A_84 = arith.constant 16 : index
    %swap3A_85 = tpu.vector_load %arg8[%swap3A_83, %swap3A_84] {strides = array<i32>} : memref<5x128xi32, #tpu.memory_space<vmem>>, vector<16xi32>,
    tpu.vector_store %arg8[%swap3A_83, %swap3A_84], %add3A_81 {strides = array<i32>} : memref<5x128xi32, #tpu.memory_space<vmem>>, vector<16xi32>,
    %iota3A_86 = tpu.iota {dimensions = array<i32: 0>} : vector<16xi32>
    %add3A_87 = arith.constant 160 : i32
    %add3A_88 = vector.broadcast %add3A_87 : i32 to vector<16xi32>
    %add3A_89 = arith.addi %iota3A_86, %add3A_88 : vector<16xi32>
    %swap3A_90 = arith.constant 1 : i32
    %swap3A_91 = arith.index_cast %swap3A_90 : i32 to index
    %swap3A_92 = arith.constant 32 : index
    %swap3A_93 = tpu.vector_load %arg8[%swap3A_91, %swap3A_92] {strides = array<i32>} : memref<5x128xi32, #tpu.memory_space<vmem>>, vector<16xi32>,
    tpu.vector_store %arg8[%swap3A_91, %swap3A_92], %add3A_89 {strides = array<i32>} : memref<5x128xi32, #tpu.memory_space<vmem>>, vector<16xi32>,
    %iota3A_94 = tpu.iota {dimensions = array<i32: 0>} : vector<16xi32>
    %add3A_95 = arith.constant 176 : i32
    %add3A_96 = vector.broadcast %add3A_95 : i32 to vector<16xi32>
    %add3A_97 = arith.addi %iota3A_94, %add3A_96 : vector<16xi32>
    %swap3A_98 = arith.constant 1 : i32
    %swap3A_99 = arith.index_cast %swap3A_98 : i32 to index
    %swap3A_100 = arith.constant 48 : index
    %swap3A_101 = tpu.vector_load %arg8[%swap3A_99, %swap3A_100] {strides = array<i32>} : memref<5x128xi32, #tpu.memory_space<vmem>>, vector<16xi32>,
    tpu.vector_store %arg8[%swap3A_99, %swap3A_100], %add3A_97 {strides = array<i32>} : memref<5x128xi32, #tpu.memory_space<vmem>>, vector<16xi32>,
    %iota3A_102 = tpu.iota {dimensions = array<i32: 0>} : vector<16xi32>
    %add3A_103 = arith.constant 192 : i32
    %add3A_104 = vector.broadcast %add3A_103 : i32 to vector<16xi32>
    %add3A_105 = arith.addi %iota3A_102, %add3A_104 : vector<16xi32>
    %swap3A_106 = arith.constant 1 : i32
    %swap3A_107 = arith.index_cast %swap3A_106 : i32 to index
    %swap3A_108 = arith.constant 64 : index
    %swap3A_109 = tpu.vector_load %arg8[%swap3A_107, %swap3A_108] {strides = array<i32>} : memref<5x128xi32, #tpu.memory_space<vmem>>, vector<16xi32>,
    tpu.vector_store %arg8[%swap3A_107, %swap3A_108], %add3A_105 {strides = array<i32>} : memref<5x128xi32, #tpu.memory_space<vmem>>, vector<16xi32>,
    %iota3A_110 = tpu.iota {dimensions = array<i32: 0>} : vector<16xi32>
    %add3A_111 = arith.constant 208 : i32
    %add3A_112 = vector.broadcast %add3A_111 : i32 to vector<16xi32>
    %add3A_113 = arith.addi %iota3A_110, %add3A_112 : vector<16xi32>
    %swap3A_114 = arith.constant 1 : i32
    %swap3A_115 = arith.index_cast %swap3A_114 : i32 to index
    %swap3A_116 = arith.constant 80 : index
    %swap3A_117 = tpu.vector_load %arg8[%swap3A_115, %swap3A_116] {strides = array<i32>} : memref<5x128xi32, #tpu.memory_space<vmem>>, vector<16xi32>,
    tpu.vector_store %arg8[%swap3A_115, %swap3A_116], %add3A_113 {strides = array<i32>} : memref<5x128xi32, #tpu.memory_space<vmem>>, vector<16xi32>,
    %iota3A_118 = tpu.iota {dimensions = array<i32: 0>} : vector<16xi32>
    %add3A_119 = arith.constant 224 : i32
    %add3A_120 = vector.broadcast %add3A_119 : i32 to vector<16xi32>
    %add3A_121 = arith.addi %iota3A_118, %add3A_120 : vector<16xi32>
    %swap3A_122 = arith.constant 1 : i32
    %swap3A_123 = arith.index_cast %swap3A_122 : i32 to index
    %swap3A_124 = arith.constant 96 : index
    %swap3A_125 = tpu.vector_load %arg8[%swap3A_123, %swap3A_124] {strides = array<i32>} : memref<5x128xi32, #tpu.memory_space<vmem>>, vector<16xi32>,
    tpu.vector_store %arg8[%swap3A_123, %swap3A_124], %add3A_121 {strides = array<i32>} : memref<5x128xi32, #tpu.memory_space<vmem>>, vector<16xi32>,
    %iota3A_126 = tpu.iota {dimensions = array<i32: 0>} : vector<16xi32>
    %add3A_127 = arith.constant 240 : i32
    %add3A_128 = vector.broadcast %add3A_127 : i32 to vector<16xi32>
    %add3A_129 = arith.addi %iota3A_126, %add3A_128 : vector<16xi32>
    %swap3A_130 = arith.constant 1 : i32
    %swap3A_131 = arith.index_cast %swap3A_130 : i32 to index
    %swap3A_132 = arith.constant 112 : index
    %swap3A_133 = tpu.vector_load %arg8[%swap3A_131, %swap3A_132] {strides = array<i32>} : memref<5x128xi32, #tpu.memory_space<vmem>>, vector<16xi32>,
    tpu.vector_store %arg8[%swap3A_131, %swap3A_132], %add3A_129 {strides = array<i32>} : memref<5x128xi32, #tpu.memory_space<vmem>>, vector<16xi32>,
    %iota3A_134 = tpu.iota {dimensions = array<i32: 0>} : vector<16xi32>
    %add3A_135 = arith.constant 256 : i32
    %add3A_136 = vector.broadcast %add3A_135 : i32 to vector<16xi32>
    %add3A_137 = arith.addi %iota3A_134, %add3A_136 : vector<16xi32>
    %swap3A_138 = arith.constant 2 : i32
    %swap3A_139 = arith.index_cast %swap3A_138 : i32 to index
    %swap3A_140 = arith.constant 0 : index
    %swap3A_141 = tpu.vector_load %arg8[%swap3A_139, %swap3A_140] {strides = array<i32>} : memref<5x128xi32, #tpu.memory_space<vmem>>, vector<16xi32>,
    tpu.vector_store %arg8[%swap3A_139, %swap3A_140], %add3A_137 {strides = array<i32>} : memref<5x128xi32, #tpu.memory_space<vmem>>, vector<16xi32>,
    %iota3A_142 = tpu.iota {dimensions = array<i32: 0>} : vector<16xi32>
    %add3A_143 = arith.constant 272 : i32
    %add3A_144 = vector.broadcast %add3A_143 : i32 to vector<16xi32>
    %add3A_145 = arith.addi %iota3A_142, %add3A_144 : vector<16xi32>
    %swap3A_146 = arith.constant 2 : i32
    %swap3A_147 = arith.index_cast %swap3A_146 : i32 to index
    %swap3A_148 = arith.constant 16 : index
    %swap3A_149 = tpu.vector_load %arg8[%swap3A_147, %swap3A_148] {strides = array<i32>} : memref<5x128xi32, #tpu.memory_space<vmem>>, vector<16xi32>,
    tpu.vector_store %arg8[%swap3A_147, %swap3A_148], %add3A_145 {strides = array<i32>} : memref<5x128xi32, #tpu.memory_space<vmem>>, vector<16xi32>,
    %iota3A_150 = tpu.iota {dimensions = array<i32: 0>} : vector<16xi32>
    %add3A_151 = arith.constant 288 : i32
    %add3A_152 = vector.broadcast %add3A_151 : i32 to vector<16xi32>
    %add3A_153 = arith.addi %iota3A_150, %add3A_152 : vector<16xi32>
    %swap3A_154 = arith.constant 2 : i32
    %swap3A_155 = arith.index_cast %swap3A_154 : i32 to index
    %swap3A_156 = arith.constant 32 : index
    %swap3A_157 = tpu.vector_load %arg8[%swap3A_155, %swap3A_156] {strides = array<i32>} : memref<5x128xi32, #tpu.memory_space<vmem>>, vector<16xi32>,
    tpu.vector_store %arg8[%swap3A_155, %swap3A_156], %add3A_153 {strides = array<i32>} : memref<5x128xi32, #tpu.memory_space<vmem>>, vector<16xi32>,
    %iota3A_158 = tpu.iota {dimensions = array<i32: 0>} : vector<16xi32>
    %add3A_159 = arith.constant 304 : i32
    %add3A_160 = vector.broadcast %add3A_159 : i32 to vector<16xi32>
    %add3A_161 = arith.addi %iota3A_158, %add3A_160 : vector<16xi32>
    %swap3A_162 = arith.constant 2 : i32
    %swap3A_163 = arith.index_cast %swap3A_162 : i32 to index
    %swap3A_164 = arith.constant 48 : index
    %swap3A_165 = tpu.vector_load %arg8[%swap3A_163, %swap3A_164] {strides = array<i32>} : memref<5x128xi32, #tpu.memory_space<vmem>>, vector<16xi32>,
    tpu.vector_store %arg8[%swap3A_163, %swap3A_164], %add3A_161 {strides = array<i32>} : memref<5x128xi32, #tpu.memory_space<vmem>>, vector<16xi32>,
    %iota3A_166 = tpu.iota {dimensions = array<i32: 0>} : vector<16xi32>
    %add3A_167 = arith.constant 320 : i32
    %add3A_168 = vector.broadcast %add3A_167 : i32 to vector<16xi32>
    %add3A_169 = arith.addi %iota3A_166, %add3A_168 : vector<16xi32>
    %swap3A_170 = arith.constant 2 : i32
    %swap3A_171 = arith.index_cast %swap3A_170 : i32 to index
    %swap3A_172 = arith.constant 64 : index
    %swap3A_173 = tpu.vector_load %arg8[%swap3A_171, %swap3A_172] {strides = array<i32>} : memref<5x128xi32, #tpu.memory_space<vmem>>, vector<16xi32>,
    tpu.vector_store %arg8[%swap3A_171, %swap3A_172], %add3A_169 {strides = array<i32>} : memref<5x128xi32, #tpu.memory_space<vmem>>, vector<16xi32>,
    %iota3A_174 = tpu.iota {dimensions = array<i32: 0>} : vector<16xi32>
    %add3A_175 = arith.constant 336 : i32
    %add3A_176 = vector.broadcast %add3A_175 : i32 to vector<16xi32>
    %add3A_177 = arith.addi %iota3A_174, %add3A_176 : vector<16xi32>
    %swap3A_178 = arith.constant 2 : i32
    %swap3A_179 = arith.index_cast %swap3A_178 : i32 to index
    %swap3A_180 = arith.constant 80 : index
    %swap3A_181 = tpu.vector_load %arg8[%swap3A_179, %swap3A_180] {strides = array<i32>} : memref<5x128xi32, #tpu.memory_space<vmem>>, vector<16xi32>,
    tpu.vector_store %arg8[%swap3A_179, %swap3A_180], %add3A_177 {strides = array<i32>} : memref<5x128xi32, #tpu.memory_space<vmem>>, vector<16xi32>,
    %iota3A_182 = tpu.iota {dimensions = array<i32: 0>} : vector<16xi32>
    %add3A_183 = arith.constant 352 : i32
    %add3A_184 = vector.broadcast %add3A_183 : i32 to vector<16xi32>
    %add3A_185 = arith.addi %iota3A_182, %add3A_184 : vector<16xi32>
    %swap3A_186 = arith.constant 2 : i32
    %swap3A_187 = arith.index_cast %swap3A_186 : i32 to index
    %swap3A_188 = arith.constant 96 : index
    %swap3A_189 = tpu.vector_load %arg8[%swap3A_187, %swap3A_188] {strides = array<i32>} : memref<5x128xi32, #tpu.memory_space<vmem>>, vector<16xi32>,
    tpu.vector_store %arg8[%swap3A_187, %swap3A_188], %add3A_185 {strides = array<i32>} : memref<5x128xi32, #tpu.memory_space<vmem>>, vector<16xi32>,
    %iota3A_190 = tpu.iota {dimensions = array<i32: 0>} : vector<16xi32>
    %add3A_191 = arith.constant 368 : i32
    %add3A_192 = vector.broadcast %add3A_191 : i32 to vector<16xi32>
    %add3A_193 = arith.addi %iota3A_190, %add3A_192 : vector<16xi32>
    %swap3A_194 = arith.constant 2 : i32
    %swap3A_195 = arith.index_cast %swap3A_194 : i32 to index
    %swap3A_196 = arith.constant 112 : index
    %swap3A_197 = tpu.vector_load %arg8[%swap3A_195, %swap3A_196] {strides = array<i32>} : memref<5x128xi32, #tpu.memory_space<vmem>>, vector<16xi32>,
    tpu.vector_store %arg8[%swap3A_195, %swap3A_196], %add3A_193 {strides = array<i32>} : memref<5x128xi32, #tpu.memory_space<vmem>>, vector<16xi32>,
    %iota3A_198 = tpu.iota {dimensions = array<i32: 0>} : vector<16xi32>
    %add3A_199 = arith.constant 384 : i32
    %add3A_200 = vector.broadcast %add3A_199 : i32 to vector<16xi32>
    %add3A_201 = arith.addi %iota3A_198, %add3A_200 : vector<16xi32>
    %swap3A_202 = arith.constant 3 : i32
    %swap3A_203 = arith.index_cast %swap3A_202 : i32 to index
    %swap3A_204 = arith.constant 0 : index
    %swap3A_205 = tpu.vector_load %arg8[%swap3A_203, %swap3A_204] {strides = array<i32>} : memref<5x128xi32, #tpu.memory_space<vmem>>, vector<16xi32>,
    tpu.vector_store %arg8[%swap3A_203, %swap3A_204], %add3A_201 {strides = array<i32>} : memref<5x128xi32, #tpu.memory_space<vmem>>, vector<16xi32>,
    %iota3A_206 = tpu.iota {dimensions = array<i32: 0>} : vector<16xi32>
    %add3A_207 = arith.constant 400 : i32
    %add3A_208 = vector.broadcast %add3A_207 : i32 to vector<16xi32>
    %add3A_209 = arith.addi %iota3A_206, %add3A_208 : vector<16xi32>
    %swap3A_210 = arith.constant 3 : i32
    %swap3A_211 = arith.index_cast %swap3A_210 : i32 to index
    %swap3A_212 = arith.constant 16 : index
    %swap3A_213 = tpu.vector_load %arg8[%swap3A_211, %swap3A_212] {strides = array<i32>} : memref<5x128xi32, #tpu.memory_space<vmem>>, vector<16xi32>,
    tpu.vector_store %arg8[%swap3A_211, %swap3A_212], %add3A_209 {strides = array<i32>} : memref<5x128xi32, #tpu.memory_space<vmem>>, vector<16xi32>,
    %iota3A_214 = tpu.iota {dimensions = array<i32: 0>} : vector<16xi32>
    %add3A_215 = arith.constant 416 : i32
    %add3A_216 = vector.broadcast %add3A_215 : i32 to vector<16xi32>
    %add3A_217 = arith.addi %iota3A_214, %add3A_216 : vector<16xi32>
    %swap3A_218 = arith.constant 3 : i32
    %swap3A_219 = arith.index_cast %swap3A_218 : i32 to index
    %swap3A_220 = arith.constant 32 : index
    %swap3A_221 = tpu.vector_load %arg8[%swap3A_219, %swap3A_220] {strides = array<i32>} : memref<5x128xi32, #tpu.memory_space<vmem>>, vector<16xi32>,
    tpu.vector_store %arg8[%swap3A_219, %swap3A_220], %add3A_217 {strides = array<i32>} : memref<5x128xi32, #tpu.memory_space<vmem>>, vector<16xi32>,
    %iota3A_222 = tpu.iota {dimensions = array<i32: 0>} : vector<16xi32>
    %add3A_223 = arith.constant 432 : i32
    %add3A_224 = vector.broadcast %add3A_223 : i32 to vector<16xi32>
    %add3A_225 = arith.addi %iota3A_222, %add3A_224 : vector<16xi32>
    %swap3A_226 = arith.constant 3 : i32
    %swap3A_227 = arith.index_cast %swap3A_226 : i32 to index
    %swap3A_228 = arith.constant 48 : index
    %swap3A_229 = tpu.vector_load %arg8[%swap3A_227, %swap3A_228] {strides = array<i32>} : memref<5x128xi32, #tpu.memory_space<vmem>>, vector<16xi32>,
    tpu.vector_store %arg8[%swap3A_227, %swap3A_228], %add3A_225 {strides = array<i32>} : memref<5x128xi32, #tpu.memory_space<vmem>>, vector<16xi32>,
    %iota3A_230 = tpu.iota {dimensions = array<i32: 0>} : vector<16xi32>
    %add3A_231 = arith.constant 448 : i32
    %add3A_232 = vector.broadcast %add3A_231 : i32 to vector<16xi32>
    %add3A_233 = arith.addi %iota3A_230, %add3A_232 : vector<16xi32>
    %swap3A_234 = arith.constant 3 : i32
    %swap3A_235 = arith.index_cast %swap3A_234 : i32 to index
    %swap3A_236 = arith.constant 64 : index
    %swap3A_237 = tpu.vector_load %arg8[%swap3A_235, %swap3A_236] {strides = array<i32>} : memref<5x128xi32, #tpu.memory_space<vmem>>, vector<16xi32>,
    tpu.vector_store %arg8[%swap3A_235, %swap3A_236], %add3A_233 {strides = array<i32>} : memref<5x128xi32, #tpu.memory_space<vmem>>, vector<16xi32>,
    %iota3A_238 = tpu.iota {dimensions = array<i32: 0>} : vector<16xi32>
    %add3A_239 = arith.constant 464 : i32
    %add3A_240 = vector.broadcast %add3A_239 : i32 to vector<16xi32>
    %add3A_241 = arith.addi %iota3A_238, %add3A_240 : vector<16xi32>
    %swap3A_242 = arith.constant 3 : i32
    %swap3A_243 = arith.index_cast %swap3A_242 : i32 to index
    %swap3A_244 = arith.constant 80 : index
    %swap3A_245 = tpu.vector_load %arg8[%swap3A_243, %swap3A_244] {strides = array<i32>} : memref<5x128xi32, #tpu.memory_space<vmem>>, vector<16xi32>,
    tpu.vector_store %arg8[%swap3A_243, %swap3A_244], %add3A_241 {strides = array<i32>} : memref<5x128xi32, #tpu.memory_space<vmem>>, vector<16xi32>,
    %iota3A_246 = tpu.iota {dimensions = array<i32: 0>} : vector<16xi32>
    %add3A_247 = arith.constant 480 : i32
    %add3A_248 = vector.broadcast %add3A_247 : i32 to vector<16xi32>
    %add3A_249 = arith.addi %iota3A_246, %add3A_248 : vector<16xi32>
    %swap3A_250 = arith.constant 3 : i32
    %swap3A_251 = arith.index_cast %swap3A_250 : i32 to index
    %swap3A_252 = arith.constant 96 : index
    %swap3A_253 = tpu.vector_load %arg8[%swap3A_251, %swap3A_252] {strides = array<i32>} : memref<5x128xi32, #tpu.memory_space<vmem>>, vector<16xi32>,
    tpu.vector_store %arg8[%swap3A_251, %swap3A_252], %add3A_249 {strides = array<i32>} : memref<5x128xi32, #tpu.memory_space<vmem>>, vector<16xi32>,
    %iota3A_254 = tpu.iota {dimensions = array<i32: 0>} : vector<16xi32>
    %add3A_255 = arith.constant 496 : i32
    %add3A_256 = vector.broadcast %add3A_255 : i32 to vector<16xi32>
    %add3A_257 = arith.addi %iota3A_254, %add3A_256 : vector<16xi32>
    %swap3A_258 = arith.constant 3 : i32
    %swap3A_259 = arith.index_cast %swap3A_258 : i32 to index
    %swap3A_260 = arith.constant 112 : index
    %swap3A_261 = tpu.vector_load %arg8[%swap3A_259, %swap3A_260] {strides = array<i32>} : memref<5x128xi32, #tpu.memory_space<vmem>>, vector<16xi32>,
    tpu.vector_store %arg8[%swap3A_259, %swap3A_260], %add3A_257 {strides = array<i32>} : memref<5x128xi32, #tpu.memory_space<vmem>>, vector<16xi32>,
    %iota3A_262 = tpu.iota {dimensions = array<i32: 0>} : vector<16xi32>
    %add3A_263 = arith.constant 512 : i32
    %add3A_264 = vector.broadcast %add3A_263 : i32 to vector<16xi32>
    %add3A_265 = arith.addi %iota3A_262, %add3A_264 : vector<16xi32>
    %swap3A_266 = arith.constant 4 : i32
    %swap3A_267 = arith.index_cast %swap3A_266 : i32 to index
    %swap3A_268 = arith.constant 0 : index
    %swap3A_269 = tpu.vector_load %arg8[%swap3A_267, %swap3A_268] {strides = array<i32>} : memref<5x128xi32, #tpu.memory_space<vmem>>, vector<16xi32>,
    tpu.vector_store %arg8[%swap3A_267, %swap3A_268], %add3A_265 {strides = array<i32>} : memref<5x128xi32, #tpu.memory_space<vmem>>, vector<16xi32>,
    %iota3A_270 = tpu.iota {dimensions = array<i32: 0>} : vector<16xi32>
    %add3A_271 = arith.constant 528 : i32
    %add3A_272 = vector.broadcast %add3A_271 : i32 to vector<16xi32>
    %add3A_273 = arith.addi %iota3A_270, %add3A_272 : vector<16xi32>
    %swap3A_274 = arith.constant 4 : i32
    %swap3A_275 = arith.index_cast %swap3A_274 : i32 to index
    %swap3A_276 = arith.constant 16 : index
    %swap3A_277 = tpu.vector_load %arg8[%swap3A_275, %swap3A_276] {strides = array<i32>} : memref<5x128xi32, #tpu.memory_space<vmem>>, vector<16xi32>,
    tpu.vector_store %arg8[%swap3A_275, %swap3A_276], %add3A_273 {strides = array<i32>} : memref<5x128xi32, #tpu.memory_space<vmem>>, vector<16xi32>,
    %iota3A_278 = tpu.iota {dimensions = array<i32: 0>} : vector<16xi32>
    %add3A_279 = arith.constant 544 : i32
    %add3A_280 = vector.broadcast %add3A_279 : i32 to vector<16xi32>
    %add3A_281 = arith.addi %iota3A_278, %add3A_280 : vector<16xi32>
    %swap3A_282 = arith.constant 4 : i32
    %swap3A_283 = arith.index_cast %swap3A_282 : i32 to index
    %swap3A_284 = arith.constant 32 : index
    %swap3A_285 = tpu.vector_load %arg8[%swap3A_283, %swap3A_284] {strides = array<i32>} : memref<5x128xi32, #tpu.memory_space<vmem>>, vector<16xi32>,
    tpu.vector_store %arg8[%swap3A_283, %swap3A_284], %add3A_281 {strides = array<i32>} : memref<5x128xi32, #tpu.memory_space<vmem>>, vector<16xi32>,
    %iota3A_286 = tpu.iota {dimensions = array<i32: 0>} : vector<16xi32>
    %add3A_287 = arith.constant 560 : i32
    %add3A_288 = vector.broadcast %add3A_287 : i32 to vector<16xi32>
    %add3A_289 = arith.addi %iota3A_286, %add3A_288 : vector<16xi32>
    %swap3A_290 = arith.constant 4 : i32
    %swap3A_291 = arith.index_cast %swap3A_290 : i32 to index
    %swap3A_292 = arith.constant 48 : index
    %swap3A_293 = tpu.vector_load %arg8[%swap3A_291, %swap3A_292] {strides = array<i32>} : memref<5x128xi32, #tpu.memory_space<vmem>>, vector<16xi32>,
    tpu.vector_store %arg8[%swap3A_291, %swap3A_292], %add3A_289 {strides = array<i32>} : memref<5x128xi32, #tpu.memory_space<vmem>>, vector<16xi32>,
    %iota3A_294 = tpu.iota {dimensions = array<i32: 0>} : vector<16xi32>
    %add3A_295 = arith.constant 576 : i32
    %add3A_296 = vector.broadcast %add3A_295 : i32 to vector<16xi32>
    %add3A_297 = arith.addi %iota3A_294, %add3A_296 : vector<16xi32>
    %swap3A_298 = arith.constant 4 : i32
    %swap3A_299 = arith.index_cast %swap3A_298 : i32 to index
    %swap3A_300 = arith.constant 64 : index
    %swap3A_301 = tpu.vector_load %arg8[%swap3A_299, %swap3A_300] {strides = array<i32>} : memref<5x128xi32, #tpu.memory_space<vmem>>, vector<16xi32>,
    tpu.vector_store %arg8[%swap3A_299, %swap3A_300], %add3A_297 {strides = array<i32>} : memref<5x128xi32, #tpu.memory_space<vmem>>, vector<16xi32>,
    %iota3A_302 = tpu.iota {dimensions = array<i32: 0>} : vector<16xi32>
    %add3A_303 = arith.constant 592 : i32
    %add3A_304 = vector.broadcast %add3A_303 : i32 to vector<16xi32>
    %add3A_305 = arith.addi %iota3A_302, %add3A_304 : vector<16xi32>
    %swap3A_306 = arith.constant 4 : i32
    %swap3A_307 = arith.index_cast %swap3A_306 : i32 to index
    %swap3A_308 = arith.constant 80 : index
    %swap3A_309 = tpu.vector_load %arg8[%swap3A_307, %swap3A_308] {strides = array<i32>} : memref<5x128xi32, #tpu.memory_space<vmem>>, vector<16xi32>,
    tpu.vector_store %arg8[%swap3A_307, %swap3A_308], %add3A_305 {strides = array<i32>} : memref<5x128xi32, #tpu.memory_space<vmem>>, vector<16xi32>,
    %iota3A_310 = tpu.iota {dimensions = array<i32: 0>} : vector<16xi32>
    %add3A_311 = arith.constant 608 : i32
    %add3A_312 = vector.broadcast %add3A_311 : i32 to vector<16xi32>
    %add3A_313 = arith.addi %iota3A_310, %add3A_312 : vector<16xi32>
    %swap3A_314 = arith.constant 4 : i32
    %swap3A_315 = arith.index_cast %swap3A_314 : i32 to index
    %swap3A_316 = arith.constant 96 : index
    %swap3A_317 = tpu.vector_load %arg8[%swap3A_315, %swap3A_316] {strides = array<i32>} : memref<5x128xi32, #tpu.memory_space<vmem>>, vector<16xi32>,
    tpu.vector_store %arg8[%swap3A_315, %swap3A_316], %add3A_313 {strides = array<i32>} : memref<5x128xi32, #tpu.memory_space<vmem>>, vector<16xi32>,
    %iota3A_318 = tpu.iota {dimensions = array<i32: 0>} : vector<16xi32>
    %add3A_319 = arith.constant 624 : i32
    %add3A_320 = vector.broadcast %add3A_319 : i32 to vector<16xi32>
    %add3A_321 = arith.addi %iota3A_318, %add3A_320 : vector<16xi32>
    %swap3A_322 = arith.constant 4 : i32
    %swap3A_323 = arith.index_cast %swap3A_322 : i32 to index
    %swap3A_324 = arith.constant 112 : index
    %swap3A_325 = tpu.vector_load %arg8[%swap3A_323, %swap3A_324] {strides = array<i32>} : memref<5x128xi32, #tpu.memory_space<vmem>>, vector<16xi32>,
    tpu.vector_store %arg8[%swap3A_323, %swap3A_324], %add3A_321 {strides = array<i32>} : memref<5x128xi32, #tpu.memory_space<vmem>>, vector<16xi32>,
    %mul3A = arith.constant 632 : i32
    %mul3A_326 = arith.muli %arg1, %mul3A : i32
    %add3A_327 = arith.constant 0 : i32
    %add3A_328 = arith.addi %mul3A_326, %add3A_327 : i32
    %dma_start3A = arith.constant 0 : i32
    %dma_start3A_329 = arith.constant 0 : i32
    %dma_start3A_330 = tpu.memref_slice %arg11[%dma_start3A, %dma_start3A_329] : memref<80x128xf32, #tpu.memory_space<vmem>> -> memref<80x128xf32, #tpu.memory_space<vmem>>
    %dma_start3A_331 = arith.constant 0 : i32
    %dma_start3A_332 = tpu.memref_slice %arg9[%add3A_328, %dma_start3A_331] : memref<10112x128xf32, #tpu.memory_space<vmem_shared>> -> memref<80x128xf32, #tpu.memory_space<vmem_shared>>
    %dma_start3A_333 = arith.constant 0 : i32
    %dma_start3A_334 = tpu.memref_slice %arg9[%add3A_328, %dma_start3A_333] : memref<10112x128xf32, #tpu.memory_space<vmem_shared>> -> memref<80x128xf32, #tpu.memory_space<vmem_shared>>
    %dma_start3A_335 = arith.constant 0 : i32
    %dma_start3A_336 = arith.constant 0 : i32
    %dma_start3A_337 = tpu.memref_slice %arg11[%dma_start3A_335, %dma_start3A_336] : memref<80x128xf32, #tpu.memory_space<vmem>> -> memref<80x128xf32, #tpu.memory_space<vmem>>
    tpu.enqueue_dma source(%dma_start3A_337 : memref<80x128xf32, #tpu.memory_space<vmem>>) target(%dma_start3A_334 : memref<80x128xf32, #tpu.memory_space<vmem_shared>>) target_semaphore(%arg20 : memref<!tpu.dma_semaphore, #tpu.memory_space<semaphore_mem>>)
    %mul3A_338 = arith.constant 632 : i32
    %mul3A_339 = arith.muli %arg1, %mul3A_338 : i32
    %add3A_340 = arith.constant 80 : i32
    %add3A_341 = arith.addi %mul3A_339, %add3A_340 : i32
    %dma_start3A_342 = arith.constant 0 : i32
    %dma_start3A_343 = arith.constant 0 : i32
    %dma_start3A_344 = tpu.memref_slice %arg11[%dma_start3A_342, %dma_start3A_343] : memref<80x128xf32, #tpu.memory_space<vmem>> -> memref<80x128xf32, #tpu.memory_space<vmem>>
    %dma_start3A_345 = arith.constant 0 : i32
    %dma_start3A_346 = tpu.memref_slice %arg9[%add3A_341, %dma_start3A_345] : memref<10112x128xf32, #tpu.memory_space<vmem_shared>> -> memref<80x128xf32, #tpu.memory_space<vmem_shared>>
    %dma_start3A_347 = arith.constant 0 : i32
    %dma_start3A_348 = tpu.memref_slice %arg9[%add3A_341, %dma_start3A_347] : memref<10112x128xf32, #tpu.memory_space<vmem_shared>> -> memref<80x128xf32, #tpu.memory_space<vmem_shared>>
    %dma_start3A_349 = arith.constant 0 : i32
    %dma_start3A_350 = arith.constant 0 : i32
    %dma_start3A_351 = tpu.memref_slice %arg11[%dma_start3A_349, %dma_start3A_350] : memref<80x128xf32, #tpu.memory_space<vmem>> -> memref<80x128xf32, #tpu.memory_space<vmem>>
    tpu.enqueue_dma source(%dma_start3A_351 : memref<80x128xf32, #tpu.memory_space<vmem>>) target(%dma_start3A_348 : memref<80x128xf32, #tpu.memory_space<vmem_shared>>) target_semaphore(%arg21 : memref<!tpu.dma_semaphore, #tpu.memory_space<semaphore_mem>>)
    %mul3A_352 = arith.constant 632 : i32
    %mul3A_353 = arith.muli %arg1, %mul3A_352 : i32
    %add3A_354 = arith.constant 160 : i32
    %add3A_355 = arith.addi %mul3A_353, %add3A_354 : i32
    %dma_start3A_356 = arith.constant 0 : i32
    %dma_start3A_357 = arith.constant 0 : i32
    %dma_start3A_358 = tpu.memref_slice %arg11[%dma_start3A_356, %dma_start3A_357] : memref<80x128xf32, #tpu.memory_space<vmem>> -> memref<80x128xf32, #tpu.memory_space<vmem>>
    %dma_start3A_359 = arith.constant 0 : i32
    %dma_start3A_360 = tpu.memref_slice %arg9[%add3A_355, %dma_start3A_359] : memref<10112x128xf32, #tpu.memory_space<vmem_shared>> -> memref<80x128xf32, #tpu.memory_space<vmem_shared>>
    %dma_start3A_361 = arith.constant 0 : i32
    %dma_start3A_362 = tpu.memref_slice %arg9[%add3A_355, %dma_start3A_361] : memref<10112x128xf32, #tpu.memory_space<vmem_shared>> -> memref<80x128xf32, #tpu.memory_space<vmem_shared>>
    %dma_start3A_363 = arith.constant 0 : i32
    %dma_start3A_364 = arith.constant 0 : i32
    %dma_start3A_365 = tpu.memref_slice %arg11[%dma_start3A_363, %dma_start3A_364] : memref<80x128xf32, #tpu.memory_space<vmem>> -> memref<80x128xf32, #tpu.memory_space<vmem>>
    tpu.enqueue_dma source(%dma_start3A_365 : memref<80x128xf32, #tpu.memory_space<vmem>>) target(%dma_start3A_362 : memref<80x128xf32, #tpu.memory_space<vmem_shared>>) target_semaphore(%arg22 : memref<!tpu.dma_semaphore, #tpu.memory_space<semaphore_mem>>)
    %mul3A_366 = arith.constant 632 : i32
    %mul3A_367 = arith.muli %arg1, %mul3A_366 : i32
    %add3A_368 = arith.constant 240 : i32
    %add3A_369 = arith.addi %mul3A_367, %add3A_368 : i32
    %dma_start3A_370 = arith.constant 0 : i32
    %dma_start3A_371 = arith.constant 0 : i32
    %dma_start3A_372 = tpu.memref_slice %arg11[%dma_start3A_370, %dma_start3A_371] : memref<80x128xf32, #tpu.memory_space<vmem>> -> memref<80x128xf32, #tpu.memory_space<vmem>>
    %dma_start3A_373 = arith.constant 0 : i32
    %dma_start3A_374 = tpu.memref_slice %arg9[%add3A_369, %dma_start3A_373] : memref<10112x128xf32, #tpu.memory_space<vmem_shared>> -> memref<80x128xf32, #tpu.memory_space<vmem_shared>>
    %dma_start3A_375 = arith.constant 0 : i32
    %dma_start3A_376 = tpu.memref_slice %arg9[%add3A_369, %dma_start3A_375] : memref<10112x128xf32, #tpu.memory_space<vmem_shared>> -> memref<80x128xf32, #tpu.memory_space<vmem_shared>>
    %dma_start3A_377 = arith.constant 0 : i32
    %dma_start3A_378 = arith.constant 0 : i32
    %dma_start3A_379 = tpu.memref_slice %arg11[%dma_start3A_377, %dma_start3A_378] : memref<80x128xf32, #tpu.memory_space<vmem>> -> memref<80x128xf32, #tpu.memory_space<vmem>>
    tpu.enqueue_dma source(%dma_start3A_379 : memref<80x128xf32, #tpu.memory_space<vmem>>) target(%dma_start3A_376 : memref<80x128xf32, #tpu.memory_space<vmem_shared>>) target_semaphore(%arg23 : memref<!tpu.dma_semaphore, #tpu.memory_space<semaphore_mem>>)
    %mul3A_380 = arith.constant 632 : i32
    %mul3A_381 = arith.muli %arg1, %mul3A_380 : i32
    %add3A_382 = arith.constant 320 : i32
    %add3A_383 = arith.addi %mul3A_381, %add3A_382 : i32
    %dma_start3A_384 = arith.constant 0 : i32
    %dma_start3A_385 = arith.constant 0 : i32
    %dma_start3A_386 = tpu.memref_slice %arg11[%dma_start3A_384, %dma_start3A_385] : memref<80x128xf32, #tpu.memory_space<vmem>> -> memref<80x128xf32, #tpu.memory_space<vmem>>
    %dma_start3A_387 = arith.constant 0 : i32
    %dma_start3A_388 = tpu.memref_slice %arg9[%add3A_383, %dma_start3A_387] : memref<10112x128xf32, #tpu.memory_space<vmem_shared>> -> memref<80x128xf32, #tpu.memory_space<vmem_shared>>
    %dma_start3A_389 = arith.constant 0 : i32
    %dma_start3A_390 = tpu.memref_slice %arg9[%add3A_383, %dma_start3A_389] : memref<10112x128xf32, #tpu.memory_space<vmem_shared>> -> memref<80x128xf32, #tpu.memory_space<vmem_shared>>
    %dma_start3A_391 = arith.constant 0 : i32
    %dma_start3A_392 = arith.constant 0 : i32
    %dma_start3A_393 = tpu.memref_slice %arg11[%dma_start3A_391, %dma_start3A_392] : memref<80x128xf32, #tpu.memory_space<vmem>> -> memref<80x128xf32, #tpu.memory_space<vmem>>
    tpu.enqueue_dma source(%dma_start3A_393 : memref<80x128xf32, #tpu.memory_space<vmem>>) target(%dma_start3A_390 : memref<80x128xf32, #tpu.memory_space<vmem_shared>>) target_semaphore(%arg24 : memref<!tpu.dma_semaphore, #tpu.memory_space<semaphore_mem>>)
    %mul3A_394 = arith.constant 632 : i32
    %mul3A_395 = arith.muli %arg1, %mul3A_394 : i32
    %add3A_396 = arith.constant 400 : i32
    %add3A_397 = arith.addi %mul3A_395, %add3A_396 : i32
    %dma_start3A_398 = arith.constant 0 : i32
    %dma_start3A_399 = arith.constant 0 : i32
    %dma_start3A_400 = tpu.memref_slice %arg11[%dma_start3A_398, %dma_start3A_399] : memref<80x128xf32, #tpu.memory_space<vmem>> -> memref<80x128xf32, #tpu.memory_space<vmem>>
    %dma_start3A_401 = arith.constant 0 : i32
    %dma_start3A_402 = tpu.memref_slice %arg9[%add3A_397, %dma_start3A_401] : memref<10112x128xf32, #tpu.memory_space<vmem_shared>> -> memref<80x128xf32, #tpu.memory_space<vmem_shared>>
    %dma_start3A_403 = arith.constant 0 : i32
    %dma_start3A_404 = tpu.memref_slice %arg9[%add3A_397, %dma_start3A_403] : memref<10112x128xf32, #tpu.memory_space<vmem_shared>> -> memref<80x128xf32, #tpu.memory_space<vmem_shared>>
    %dma_start3A_405 = arith.constant 0 : i32
    %dma_start3A_406 = arith.constant 0 : i32
    %dma_start3A_407 = tpu.memref_slice %arg11[%dma_start3A_405, %dma_start3A_406] : memref<80x128xf32, #tpu.memory_space<vmem>> -> memref<80x128xf32, #tpu.memory_space<vmem>>
    tpu.enqueue_dma source(%dma_start3A_407 : memref<80x128xf32, #tpu.memory_space<vmem>>) target(%dma_start3A_404 : memref<80x128xf32, #tpu.memory_space<vmem_shared>>) target_semaphore(%arg25 : memref<!tpu.dma_semaphore, #tpu.memory_space<semaphore_mem>>)
    %mul3A_408 = arith.constant 632 : i32
    %mul3A_409 = arith.muli %arg1, %mul3A_408 : i32
    %add3A_410 = arith.constant 480 : i32
    %add3A_411 = arith.addi %mul3A_409, %add3A_410 : i32
    %dma_start3A_412 = arith.constant 0 : i32
    %dma_start3A_413 = arith.constant 0 : i32
    %dma_start3A_414 = tpu.memref_slice %arg11[%dma_start3A_412, %dma_start3A_413] : memref<80x128xf32, #tpu.memory_space<vmem>> -> memref<80x128xf32, #tpu.memory_space<vmem>>
    %dma_start3A_415 = arith.constant 0 : i32
    %dma_start3A_416 = tpu.memref_slice %arg9[%add3A_411, %dma_start3A_415] : memref<10112x128xf32, #tpu.memory_space<vmem_shared>> -> memref<80x128xf32, #tpu.memory_space<vmem_shared>>
    %dma_start3A_417 = arith.constant 0 : i32
    %dma_start3A_418 = tpu.memref_slice %arg9[%add3A_411, %dma_start3A_417] : memref<10112x128xf32, #tpu.memory_space<vmem_shared>> -> memref<80x128xf32, #tpu.memory_space<vmem_shared>>
    %dma_start3A_419 = arith.constant 0 : i32
    %dma_start3A_420 = arith.constant 0 : i32
    %dma_start3A_421 = tpu.memref_slice %arg11[%dma_start3A_419, %dma_start3A_420] : memref<80x128xf32, #tpu.memory_space<vmem>> -> memref<80x128xf32, #tpu.memory_space<vmem>>
    tpu.enqueue_dma source(%dma_start3A_421 : memref<80x128xf32, #tpu.memory_space<vmem>>) target(%dma_start3A_418 : memref<80x128xf32, #tpu.memory_space<vmem_shared>>) target_semaphore(%arg26 : memref<!tpu.dma_semaphore, #tpu.memory_space<semaphore_mem>>)
    %mul3A_422 = arith.constant 632 : i32
    %mul3A_423 = arith.muli %arg1, %mul3A_422 : i32
    %add3A_424 = arith.constant 560 : i32
    %add3A_425 = arith.addi %mul3A_423, %add3A_424 : i32
    %dma_start3A_426 = arith.constant 0 : i32
    %dma_start3A_427 = arith.constant 0 : i32
    %dma_start3A_428 = tpu.memref_slice %arg11[%dma_start3A_426, %dma_start3A_427] : memref<80x128xf32, #tpu.memory_space<vmem>> -> memref<72x128xf32, #tpu.memory_space<vmem>>
    %dma_start3A_429 = arith.constant 0 : i32
    %dma_start3A_430 = tpu.memref_slice %arg9[%add3A_425, %dma_start3A_429] : memref<10112x128xf32, #tpu.memory_space<vmem_shared>> -> memref<72x128xf32, #tpu.memory_space<vmem_shared>>
    %dma_start3A_431 = arith.constant 0 : i32
    %dma_start3A_432 = tpu.memref_slice %arg9[%add3A_425, %dma_start3A_431] : memref<10112x128xf32, #tpu.memory_space<vmem_shared>> -> memref<72x128xf32, #tpu.memory_space<vmem_shared>>
    %dma_start3A_433 = arith.constant 0 : i32
    %dma_start3A_434 = arith.constant 0 : i32
    %dma_start3A_435 = tpu.memref_slice %arg11[%dma_start3A_433, %dma_start3A_434] : memref<80x128xf32, #tpu.memory_space<vmem>> -> memref<72x128xf32, #tpu.memory_space<vmem>>
    tpu.enqueue_dma source(%dma_start3A_435 : memref<72x128xf32, #tpu.memory_space<vmem>>) target(%dma_start3A_432 : memref<72x128xf32, #tpu.memory_space<vmem_shared>>) target_semaphore(%arg27 : memref<!tpu.dma_semaphore, #tpu.memory_space<semaphore_mem>>)
    %dma_wait3A = arith.constant 0 : i32
    %dma_wait3A_436 = arith.constant 0 : i32
    %dma_wait3A_437 = tpu.memref_slice %arg11[%dma_wait3A, %dma_wait3A_436] : memref<80x128xf32, #tpu.memory_space<vmem>> -> memref<80x128xf32, #tpu.memory_space<vmem>>
    %dma_wait3A_438 = arith.constant 0 : i32
    %dma_wait3A_439 = tpu.memref_slice %arg9[%add3A_328, %dma_wait3A_438] : memref<10112x128xf32, #tpu.memory_space<vmem_shared>> -> memref<80x128xf32, #tpu.memory_space<vmem_shared>>
    %dma_wait3A_440 = arith.constant 0 : i32
    %dma_wait3A_441 = tpu.memref_slice %arg9[%add3A_328, %dma_wait3A_440] : memref<10112x128xf32, #tpu.memory_space<vmem_shared>> -> memref<80x128xf32, #tpu.memory_space<vmem_shared>>
    %dma_wait3A_442 = arith.constant 0 : i32
    %dma_wait3A_443 = arith.constant 0 : i32
    %dma_wait3A_444 = tpu.memref_slice %arg11[%dma_wait3A_442, %dma_wait3A_443] : memref<80x128xf32, #tpu.memory_space<vmem>> -> memref<80x128xf32, #tpu.memory_space<vmem>>
    tpu.wait_dma2 semaphore(%arg20 : memref<!tpu.dma_semaphore, #tpu.memory_space<semaphore_mem>>) src(%dma_wait3A_444 : memref<80x128xf32, #tpu.memory_space<vmem>>) dst(%dma_wait3A_441 : memref<80x128xf32, #tpu.memory_space<vmem_shared>>)
    %dma_wait3A_445 = arith.constant 0 : i32
    %dma_wait3A_446 = arith.constant 0 : i32
    %dma_wait3A_447 = tpu.memref_slice %arg11[%dma_wait3A_445, %dma_wait3A_446] : memref<80x128xf32, #tpu.memory_space<vmem>> -> memref<80x128xf32, #tpu.memory_space<vmem>>
    %dma_wait3A_448 = arith.constant 0 : i32
    %dma_wait3A_449 = tpu.memref_slice %arg9[%add3A_341, %dma_wait3A_448] : memref<10112x128xf32, #tpu.memory_space<vmem_shared>> -> memref<80x128xf32, #tpu.memory_space<vmem_shared>>
    %dma_wait3A_450 = arith.constant 0 : i32
    %dma_wait3A_451 = tpu.memref_slice %arg9[%add3A_341, %dma_wait3A_450] : memref<10112x128xf32, #tpu.memory_space<vmem_shared>> -> memref<80x128xf32, #tpu.memory_space<vmem_shared>>
    %dma_wait3A_452 = arith.constant 0 : i32
    %dma_wait3A_453 = arith.constant 0 : i32
    %dma_wait3A_454 = tpu.memref_slice %arg11[%dma_wait3A_452, %dma_wait3A_453] : memref<80x128xf32, #tpu.memory_space<vmem>> -> memref<80x128xf32, #tpu.memory_space<vmem>>
    tpu.wait_dma2 semaphore(%arg21 : memref<!tpu.dma_semaphore, #tpu.memory_space<semaphore_mem>>) src(%dma_wait3A_454 : memref<80x128xf32, #tpu.memory_space<vmem>>) dst(%dma_wait3A_451 : memref<80x128xf32, #tpu.memory_space<vmem_shared>>)
    %dma_wait3A_455 = arith.constant 0 : i32
    %dma_wait3A_456 = arith.constant 0 : i32
    %dma_wait3A_457 = tpu.memref_slice %arg11[%dma_wait3A_455, %dma_wait3A_456] : memref<80x128xf32, #tpu.memory_space<vmem>> -> memref<80x128xf32, #tpu.memory_space<vmem>>
    %dma_wait3A_458 = arith.constant 0 : i32
    %dma_wait3A_459 = tpu.memref_slice %arg9[%add3A_355, %dma_wait3A_458] : memref<10112x128xf32, #tpu.memory_space<vmem_shared>> -> memref<80x128xf32, #tpu.memory_space<vmem_shared>>
    %dma_wait3A_460 = arith.constant 0 : i32
    %dma_wait3A_461 = tpu.memref_slice %arg9[%add3A_355, %dma_wait3A_460] : memref<10112x128xf32, #tpu.memory_space<vmem_shared>> -> memref<80x128xf32, #tpu.memory_space<vmem_shared>>
    %dma_wait3A_462 = arith.constant 0 : i32
    %dma_wait3A_463 = arith.constant 0 : i32
    %dma_wait3A_464 = tpu.memref_slice %arg11[%dma_wait3A_462, %dma_wait3A_463] : memref<80x128xf32, #tpu.memory_space<vmem>> -> memref<80x128xf32, #tpu.memory_space<vmem>>
    tpu.wait_dma2 semaphore(%arg22 : memref<!tpu.dma_semaphore, #tpu.memory_space<semaphore_mem>>) src(%dma_wait3A_464 : memref<80x128xf32, #tpu.memory_space<vmem>>) dst(%dma_wait3A_461 : memref<80x128xf32, #tpu.memory_space<vmem_shared>>)
    %dma_wait3A_465 = arith.constant 0 : i32
    %dma_wait3A_466 = arith.constant 0 : i32
    %dma_wait3A_467 = tpu.memref_slice %arg11[%dma_wait3A_465, %dma_wait3A_466] : memref<80x128xf32, #tpu.memory_space<vmem>> -> memref<80x128xf32, #tpu.memory_space<vmem>>
    %dma_wait3A_468 = arith.constant 0 : i32
    %dma_wait3A_469 = tpu.memref_slice %arg9[%add3A_369, %dma_wait3A_468] : memref<10112x128xf32, #tpu.memory_space<vmem_shared>> -> memref<80x128xf32, #tpu.memory_space<vmem_shared>>
    %dma_wait3A_470 = arith.constant 0 : i32
    %dma_wait3A_471 = tpu.memref_slice %arg9[%add3A_369, %dma_wait3A_470] : memref<10112x128xf32, #tpu.memory_space<vmem_shared>> -> memref<80x128xf32, #tpu.memory_space<vmem_shared>>
    %dma_wait3A_472 = arith.constant 0 : i32
    %dma_wait3A_473 = arith.constant 0 : i32
    %dma_wait3A_474 = tpu.memref_slice %arg11[%dma_wait3A_472, %dma_wait3A_473] : memref<80x128xf32, #tpu.memory_space<vmem>> -> memref<80x128xf32, #tpu.memory_space<vmem>>
    tpu.wait_dma2 semaphore(%arg23 : memref<!tpu.dma_semaphore, #tpu.memory_space<semaphore_mem>>) src(%dma_wait3A_474 : memref<80x128xf32, #tpu.memory_space<vmem>>) dst(%dma_wait3A_471 : memref<80x128xf32, #tpu.memory_space<vmem_shared>>)
    %dma_wait3A_475 = arith.constant 0 : i32
    %dma_wait3A_476 = arith.constant 0 : i32
    %dma_wait3A_477 = tpu.memref_slice %arg11[%dma_wait3A_475, %dma_wait3A_476] : memref<80x128xf32, #tpu.memory_space<vmem>> -> memref<80x128xf32, #tpu.memory_space<vmem>>
    %dma_wait3A_478 = arith.constant 0 : i32
    %dma_wait3A_479 = tpu.memref_slice %arg9[%add3A_383, %dma_wait3A_478] : memref<10112x128xf32, #tpu.memory_space<vmem_shared>> -> memref<80x128xf32, #tpu.memory_space<vmem_shared>>
    %dma_wait3A_480 = arith.constant 0 : i32
    %dma_wait3A_481 = tpu.memref_slice %arg9[%add3A_383, %dma_wait3A_480] : memref<10112x128xf32, #tpu.memory_space<vmem_shared>> -> memref<80x128xf32, #tpu.memory_space<vmem_shared>>
    %dma_wait3A_482 = arith.constant 0 : i32
    %dma_wait3A_483 = arith.constant 0 : i32
    %dma_wait3A_484 = tpu.memref_slice %arg11[%dma_wait3A_482, %dma_wait3A_483] : memref<80x128xf32, #tpu.memory_space<vmem>> -> memref<80x128xf32, #tpu.memory_space<vmem>>
    tpu.wait_dma2 semaphore(%arg24 : memref<!tpu.dma_semaphore, #tpu.memory_space<semaphore_mem>>) src(%dma_wait3A_484 : memref<80x128xf32, #tpu.memory_space<vmem>>) dst(%dma_wait3A_481 : memref<80x128xf32, #tpu.memory_space<vmem_shared>>)
    %dma_wait3A_485 = arith.constant 0 : i32
    %dma_wait3A_486 = arith.constant 0 : i32
    %dma_wait3A_487 = tpu.memref_slice %arg11[%dma_wait3A_485, %dma_wait3A_486] : memref<80x128xf32, #tpu.memory_space<vmem>> -> memref<80x128xf32, #tpu.memory_space<vmem>>
    %dma_wait3A_488 = arith.constant 0 : i32
    %dma_wait3A_489 = tpu.memref_slice %arg9[%add3A_397, %dma_wait3A_488] : memref<10112x128xf32, #tpu.memory_space<vmem_shared>> -> memref<80x128xf32, #tpu.memory_space<vmem_shared>>
    %dma_wait3A_490 = arith.constant 0 : i32
    %dma_wait3A_491 = tpu.memref_slice %arg9[%add3A_397, %dma_wait3A_490] : memref<10112x128xf32, #tpu.memory_space<vmem_shared>> -> memref<80x128xf32, #tpu.memory_space<vmem_shared>>
    %dma_wait3A_492 = arith.constant 0 : i32
    %dma_wait3A_493 = arith.constant 0 : i32
    %dma_wait3A_494 = tpu.memref_slice %arg11[%dma_wait3A_492, %dma_wait3A_493] : memref<80x128xf32, #tpu.memory_space<vmem>> -> memref<80x128xf32, #tpu.memory_space<vmem>>
    tpu.wait_dma2 semaphore(%arg25 : memref<!tpu.dma_semaphore, #tpu.memory_space<semaphore_mem>>) src(%dma_wait3A_494 : memref<80x128xf32, #tpu.memory_space<vmem>>) dst(%dma_wait3A_491 : memref<80x128xf32, #tpu.memory_space<vmem_shared>>)
    %dma_wait3A_495 = arith.constant 0 : i32
    %dma_wait3A_496 = arith.constant 0 : i32
    %dma_wait3A_497 = tpu.memref_slice %arg11[%dma_wait3A_495, %dma_wait3A_496] : memref<80x128xf32, #tpu.memory_space<vmem>> -> memref<80x128xf32, #tpu.memory_space<vmem>>
    %dma_wait3A_498 = arith.constant 0 : i32
    %dma_wait3A_499 = tpu.memref_slice %arg9[%add3A_411, %dma_wait3A_498] : memref<10112x128xf32, #tpu.memory_space<vmem_shared>> -> memref<80x128xf32, #tpu.memory_space<vmem_shared>>
    %dma_wait3A_500 = arith.constant 0 : i32
    %dma_wait3A_501 = tpu.memref_slice %arg9[%add3A_411, %dma_wait3A_500] : memref<10112x128xf32, #tpu.memory_space<vmem_shared>> -> memref<80x128xf32, #tpu.memory_space<vmem_shared>>
    %dma_wait3A_502 = arith.constant 0 : i32
    %dma_wait3A_503 = arith.constant 0 : i32
    %dma_wait3A_504 = tpu.memref_slice %arg11[%dma_wait3A_502, %dma_wait3A_503] : memref<80x128xf32, #tpu.memory_space<vmem>> -> memref<80x128xf32, #tpu.memory_space<vmem>>
    tpu.wait_dma2 semaphore(%arg26 : memref<!tpu.dma_semaphore, #tpu.memory_space<semaphore_mem>>) src(%dma_wait3A_504 : memref<80x128xf32, #tpu.memory_space<vmem>>) dst(%dma_wait3A_501 : memref<80x128xf32, #tpu.memory_space<vmem_shared>>)
    %dma_wait3A_505 = arith.constant 0 : i32
    %dma_wait3A_506 = arith.constant 0 : i32
    %dma_wait3A_507 = tpu.memref_slice %arg11[%dma_wait3A_505, %dma_wait3A_506] : memref<80x128xf32, #tpu.memory_space<vmem>> -> memref<72x128xf32, #tpu.memory_space<vmem>>
    %dma_wait3A_508 = arith.constant 0 : i32
    %dma_wait3A_509 = tpu.memref_slice %arg9[%add3A_425, %dma_wait3A_508] : memref<10112x128xf32, #tpu.memory_space<vmem_shared>> -> memref<72x128xf32, #tpu.memory_space<vmem_shared>>
    %dma_wait3A_510 = arith.constant 0 : i32
    %dma_wait3A_511 = tpu.memref_slice %arg9[%add3A_425, %dma_wait3A_510] : memref<10112x128xf32, #tpu.memory_space<vmem_shared>> -> memref<72x128xf32, #tpu.memory_space<vmem_shared>>
    %dma_wait3A_512 = arith.constant 0 : i32
    %dma_wait3A_513 = arith.constant 0 : i32
    %dma_wait3A_514 = tpu.memref_slice %arg11[%dma_wait3A_512, %dma_wait3A_513] : memref<80x128xf32, #tpu.memory_space<vmem>> -> memref<72x128xf32, #tpu.memory_space<vmem>>
    tpu.wait_dma2 semaphore(%arg27 : memref<!tpu.dma_semaphore, #tpu.memory_space<semaphore_mem>>) src(%dma_wait3A_514 : memref<72x128xf32, #tpu.memory_space<vmem>>) dst(%dma_wait3A_511 : memref<72x128xf32, #tpu.memory_space<vmem_shared>>)
    %eq3A = arith.constant 0 : i32
    %eq3A_515 = arith.cmpi eq, %arg1, %eq3A : i32
    %convert_element_type3A = arith.extui %eq3A_515 : i1 to i32
    %cond3A = arith.constant 0 : i32
    %cond3A_516 = arith.cmpi ne, %convert_element_type3A, %cond3A : i32
    scf.if %cond3A_516 {
      %dma_start3A_859 = arith.constant 0 : i32
      %dma_start3A_860 = arith.constant 0 : i32
      %dma_start3A_861 = tpu.memref_slice %arg7[%dma_start3A_859, %dma_start3A_860] : memref<640x16xf32, #tpu.memory_space<vmem>> -> memref<128x16xf32, #tpu.memory_space<vmem>>
      %dma_start3A_862 = arith.constant 0 : i32
      %dma_start3A_863 = arith.constant 0 : i32
      %dma_start3A_864 = tpu.memref_slice %arg10[%dma_start3A_862, %dma_start3A_863] : memref<640x16xf32, #tpu.memory_space<vmem_shared>> -> memref<128x16xf32, #tpu.memory_space<vmem_shared>>
      %dma_start3A_865 = arith.constant 0 : i32
      %dma_start3A_866 = arith.constant 0 : i32
      %dma_start3A_867 = tpu.memref_slice %arg10[%dma_start3A_865, %dma_start3A_866] : memref<640x16xf32, #tpu.memory_space<vmem_shared>> -> memref<128x16xf32, #tpu.memory_space<vmem_shared>>
      %dma_start3A_868 = arith.constant 0 : i32
      %dma_start3A_869 = arith.constant 0 : i32
      %dma_start3A_870 = tpu.memref_slice %arg7[%dma_start3A_868, %dma_start3A_869] : memref<640x16xf32, #tpu.memory_space<vmem>> -> memref<128x16xf32, #tpu.memory_space<vmem>>
      tpu.enqueue_dma source(%dma_start3A_870 : memref<128x16xf32, #tpu.memory_space<vmem>>) target(%dma_start3A_867 : memref<128x16xf32, #tpu.memory_space<vmem_shared>>) target_semaphore(%arg20 : memref<!tpu.dma_semaphore, #tpu.memory_space<semaphore_mem>>)
      %dma_start3A_871 = arith.constant 128 : i32
      %dma_start3A_872 = arith.constant 0 : i32
      %dma_start3A_873 = tpu.memref_slice %arg7[%dma_start3A_871, %dma_start3A_872] : memref<640x16xf32, #tpu.memory_space<vmem>> -> memref<128x16xf32, #tpu.memory_space<vmem>>
      %dma_start3A_874 = arith.constant 128 : i32
      %dma_start3A_875 = arith.constant 0 : i32
      %dma_start3A_876 = tpu.memref_slice %arg10[%dma_start3A_874, %dma_start3A_875] : memref<640x16xf32, #tpu.memory_space<vmem_shared>> -> memref<128x16xf32, #tpu.memory_space<vmem_shared>>
      %dma_start3A_877 = arith.constant 128 : i32
      %dma_start3A_878 = arith.constant 0 : i32
      %dma_start3A_879 = tpu.memref_slice %arg10[%dma_start3A_877, %dma_start3A_878] : memref<640x16xf32, #tpu.memory_space<vmem_shared>> -> memref<128x16xf32, #tpu.memory_space<vmem_shared>>
      %dma_start3A_880 = arith.constant 128 : i32
      %dma_start3A_881 = arith.constant 0 : i32
      %dma_start3A_882 = tpu.memref_slice %arg7[%dma_start3A_880, %dma_start3A_881] : memref<640x16xf32, #tpu.memory_space<vmem>> -> memref<128x16xf32, #tpu.memory_space<vmem>>
      tpu.enqueue_dma source(%dma_start3A_882 : memref<128x16xf32, #tpu.memory_space<vmem>>) target(%dma_start3A_879 : memref<128x16xf32, #tpu.memory_space<vmem_shared>>) target_semaphore(%arg21 : memref<!tpu.dma_semaphore, #tpu.memory_space<semaphore_mem>>)
      %dma_start3A_883 = arith.constant 256 : i32
      %dma_start3A_884 = arith.constant 0 : i32
      %dma_start3A_885 = tpu.memref_slice %arg7[%dma_start3A_883, %dma_start3A_884] : memref<640x16xf32, #tpu.memory_space<vmem>> -> memref<128x16xf32, #tpu.memory_space<vmem>>
      %dma_start3A_886 = arith.constant 256 : i32
      %dma_start3A_887 = arith.constant 0 : i32
      %dma_start3A_888 = tpu.memref_slice %arg10[%dma_start3A_886, %dma_start3A_887] : memref<640x16xf32, #tpu.memory_space<vmem_shared>> -> memref<128x16xf32, #tpu.memory_space<vmem_shared>>
      %dma_start3A_889 = arith.constant 256 : i32
      %dma_start3A_890 = arith.constant 0 : i32
      %dma_start3A_891 = tpu.memref_slice %arg10[%dma_start3A_889, %dma_start3A_890] : memref<640x16xf32, #tpu.memory_space<vmem_shared>> -> memref<128x16xf32, #tpu.memory_space<vmem_shared>>
      %dma_start3A_892 = arith.constant 256 : i32
      %dma_start3A_893 = arith.constant 0 : i32
      %dma_start3A_894 = tpu.memref_slice %arg7[%dma_start3A_892, %dma_start3A_893] : memref<640x16xf32, #tpu.memory_space<vmem>> -> memref<128x16xf32, #tpu.memory_space<vmem>>
      tpu.enqueue_dma source(%dma_start3A_894 : memref<128x16xf32, #tpu.memory_space<vmem>>) target(%dma_start3A_891 : memref<128x16xf32, #tpu.memory_space<vmem_shared>>) target_semaphore(%arg22 : memref<!tpu.dma_semaphore, #tpu.memory_space<semaphore_mem>>)
      %dma_start3A_895 = arith.constant 384 : i32
      %dma_start3A_896 = arith.constant 0 : i32
      %dma_start3A_897 = tpu.memref_slice %arg7[%dma_start3A_895, %dma_start3A_896] : memref<640x16xf32, #tpu.memory_space<vmem>> -> memref<128x16xf32, #tpu.memory_space<vmem>>
      %dma_start3A_898 = arith.constant 384 : i32
      %dma_start3A_899 = arith.constant 0 : i32
      %dma_start3A_900 = tpu.memref_slice %arg10[%dma_start3A_898, %dma_start3A_899] : memref<640x16xf32, #tpu.memory_space<vmem_shared>> -> memref<128x16xf32, #tpu.memory_space<vmem_shared>>
      %dma_start3A_901 = arith.constant 384 : i32
      %dma_start3A_902 = arith.constant 0 : i32
      %dma_start3A_903 = tpu.memref_slice %arg10[%dma_start3A_901, %dma_start3A_902] : memref<640x16xf32, #tpu.memory_space<vmem_shared>> -> memref<128x16xf32, #tpu.memory_space<vmem_shared>>
      %dma_start3A_904 = arith.constant 384 : i32
      %dma_start3A_905 = arith.constant 0 : i32
      %dma_start3A_906 = tpu.memref_slice %arg7[%dma_start3A_904, %dma_start3A_905] : memref<640x16xf32, #tpu.memory_space<vmem>> -> memref<128x16xf32, #tpu.memory_space<vmem>>
      tpu.enqueue_dma source(%dma_start3A_906 : memref<128x16xf32, #tpu.memory_space<vmem>>) target(%dma_start3A_903 : memref<128x16xf32, #tpu.memory_space<vmem_shared>>) target_semaphore(%arg23 : memref<!tpu.dma_semaphore, #tpu.memory_space<semaphore_mem>>)
      %dma_start3A_907 = arith.constant 512 : i32
      %dma_start3A_908 = arith.constant 0 : i32
      %dma_start3A_909 = tpu.memref_slice %arg7[%dma_start3A_907, %dma_start3A_908] : memref<640x16xf32, #tpu.memory_space<vmem>> -> memref<128x16xf32, #tpu.memory_space<vmem>>
      %dma_start3A_910 = arith.constant 512 : i32
      %dma_start3A_911 = arith.constant 0 : i32
      %dma_start3A_912 = tpu.memref_slice %arg10[%dma_start3A_910, %dma_start3A_911] : memref<640x16xf32, #tpu.memory_space<vmem_shared>> -> memref<128x16xf32, #tpu.memory_space<vmem_shared>>
      %dma_start3A_913 = arith.constant 512 : i32
      %dma_start3A_914 = arith.constant 0 : i32
      %dma_start3A_915 = tpu.memref_slice %arg10[%dma_start3A_913, %dma_start3A_914] : memref<640x16xf32, #tpu.memory_space<vmem_shared>> -> memref<128x16xf32, #tpu.memory_space<vmem_shared>>
      %dma_start3A_916 = arith.constant 512 : i32
      %dma_start3A_917 = arith.constant 0 : i32
      %dma_start3A_918 = tpu.memref_slice %arg7[%dma_start3A_916, %dma_start3A_917] : memref<640x16xf32, #tpu.memory_space<vmem>> -> memref<128x16xf32, #tpu.memory_space<vmem>>
      tpu.enqueue_dma source(%dma_start3A_918 : memref<128x16xf32, #tpu.memory_space<vmem>>) target(%dma_start3A_915 : memref<128x16xf32, #tpu.memory_space<vmem_shared>>) target_semaphore(%arg24 : memref<!tpu.dma_semaphore, #tpu.memory_space<semaphore_mem>>)
      %dma_wait3A_919 = arith.constant 0 : i32
      %dma_wait3A_920 = arith.constant 0 : i32
      %dma_wait3A_921 = tpu.memref_slice %arg7[%dma_wait3A_919, %dma_wait3A_920] : memref<640x16xf32, #tpu.memory_space<vmem>> -> memref<128x16xf32, #tpu.memory_space<vmem>>
      %dma_wait3A_922 = arith.constant 0 : i32
      %dma_wait3A_923 = arith.constant 0 : i32
      %dma_wait3A_924 = tpu.memref_slice %arg10[%dma_wait3A_922, %dma_wait3A_923] : memref<640x16xf32, #tpu.memory_space<vmem_shared>> -> memref<128x16xf32, #tpu.memory_space<vmem_shared>>
      %dma_wait3A_925 = arith.constant 0 : i32
      %dma_wait3A_926 = arith.constant 0 : i32
      %dma_wait3A_927 = tpu.memref_slice %arg10[%dma_wait3A_925, %dma_wait3A_926] : memref<640x16xf32, #tpu.memory_space<vmem_shared>> -> memref<128x16xf32, #tpu.memory_space<vmem_shared>>
      %dma_wait3A_928 = arith.constant 0 : i32
      %dma_wait3A_929 = arith.constant 0 : i32
      %dma_wait3A_930 = tpu.memref_slice %arg7[%dma_wait3A_928, %dma_wait3A_929] : memref<640x16xf32, #tpu.memory_space<vmem>> -> memref<128x16xf32, #tpu.memory_space<vmem>>
      tpu.wait_dma2 semaphore(%arg20 : memref<!tpu.dma_semaphore, #tpu.memory_space<semaphore_mem>>) src(%dma_wait3A_930 : memref<128x16xf32, #tpu.memory_space<vmem>>) dst(%dma_wait3A_927 : memref<128x16xf32, #tpu.memory_space<vmem_shared>>)
      %dma_wait3A_931 = arith.constant 128 : i32
      %dma_wait3A_932 = arith.constant 0 : i32
      %dma_wait3A_933 = tpu.memref_slice %arg7[%dma_wait3A_931, %dma_wait3A_932] : memref<640x16xf32, #tpu.memory_space<vmem>> -> memref<128x16xf32, #tpu.memory_space<vmem>>
      %dma_wait3A_934 = arith.constant 128 : i32
      %dma_wait3A_935 = arith.constant 0 : i32
      %dma_wait3A_936 = tpu.memref_slice %arg10[%dma_wait3A_934, %dma_wait3A_935] : memref<640x16xf32, #tpu.memory_space<vmem_shared>> -> memref<128x16xf32, #tpu.memory_space<vmem_shared>>
      %dma_wait3A_937 = arith.constant 128 : i32
      %dma_wait3A_938 = arith.constant 0 : i32
      %dma_wait3A_939 = tpu.memref_slice %arg10[%dma_wait3A_937, %dma_wait3A_938] : memref<640x16xf32, #tpu.memory_space<vmem_shared>> -> memref<128x16xf32, #tpu.memory_space<vmem_shared>>
      %dma_wait3A_940 = arith.constant 128 : i32
      %dma_wait3A_941 = arith.constant 0 : i32
      %dma_wait3A_942 = tpu.memref_slice %arg7[%dma_wait3A_940, %dma_wait3A_941] : memref<640x16xf32, #tpu.memory_space<vmem>> -> memref<128x16xf32, #tpu.memory_space<vmem>>
      tpu.wait_dma2 semaphore(%arg21 : memref<!tpu.dma_semaphore, #tpu.memory_space<semaphore_mem>>) src(%dma_wait3A_942 : memref<128x16xf32, #tpu.memory_space<vmem>>) dst(%dma_wait3A_939 : memref<128x16xf32, #tpu.memory_space<vmem_shared>>)
      %dma_wait3A_943 = arith.constant 256 : i32
      %dma_wait3A_944 = arith.constant 0 : i32
      %dma_wait3A_945 = tpu.memref_slice %arg7[%dma_wait3A_943, %dma_wait3A_944] : memref<640x16xf32, #tpu.memory_space<vmem>> -> memref<128x16xf32, #tpu.memory_space<vmem>>
      %dma_wait3A_946 = arith.constant 256 : i32
      %dma_wait3A_947 = arith.constant 0 : i32
      %dma_wait3A_948 = tpu.memref_slice %arg10[%dma_wait3A_946, %dma_wait3A_947] : memref<640x16xf32, #tpu.memory_space<vmem_shared>> -> memref<128x16xf32, #tpu.memory_space<vmem_shared>>
      %dma_wait3A_949 = arith.constant 256 : i32
      %dma_wait3A_950 = arith.constant 0 : i32
      %dma_wait3A_951 = tpu.memref_slice %arg10[%dma_wait3A_949, %dma_wait3A_950] : memref<640x16xf32, #tpu.memory_space<vmem_shared>> -> memref<128x16xf32, #tpu.memory_space<vmem_shared>>
      %dma_wait3A_952 = arith.constant 256 : i32
      %dma_wait3A_953 = arith.constant 0 : i32
      %dma_wait3A_954 = tpu.memref_slice %arg7[%dma_wait3A_952, %dma_wait3A_953] : memref<640x16xf32, #tpu.memory_space<vmem>> -> memref<128x16xf32, #tpu.memory_space<vmem>>
      tpu.wait_dma2 semaphore(%arg22 : memref<!tpu.dma_semaphore, #tpu.memory_space<semaphore_mem>>) src(%dma_wait3A_954 : memref<128x16xf32, #tpu.memory_space<vmem>>) dst(%dma_wait3A_951 : memref<128x16xf32, #tpu.memory_space<vmem_shared>>)
      %dma_wait3A_955 = arith.constant 384 : i32
      %dma_wait3A_956 = arith.constant 0 : i32
      %dma_wait3A_957 = tpu.memref_slice %arg7[%dma_wait3A_955, %dma_wait3A_956] : memref<640x16xf32, #tpu.memory_space<vmem>> -> memref<128x16xf32, #tpu.memory_space<vmem>>
      %dma_wait3A_958 = arith.constant 384 : i32
      %dma_wait3A_959 = arith.constant 0 : i32
      %dma_wait3A_960 = tpu.memref_slice %arg10[%dma_wait3A_958, %dma_wait3A_959] : memref<640x16xf32, #tpu.memory_space<vmem_shared>> -> memref<128x16xf32, #tpu.memory_space<vmem_shared>>
      %dma_wait3A_961 = arith.constant 384 : i32
      %dma_wait3A_962 = arith.constant 0 : i32
      %dma_wait3A_963 = tpu.memref_slice %arg10[%dma_wait3A_961, %dma_wait3A_962] : memref<640x16xf32, #tpu.memory_space<vmem_shared>> -> memref<128x16xf32, #tpu.memory_space<vmem_shared>>
      %dma_wait3A_964 = arith.constant 384 : i32
      %dma_wait3A_965 = arith.constant 0 : i32
      %dma_wait3A_966 = tpu.memref_slice %arg7[%dma_wait3A_964, %dma_wait3A_965] : memref<640x16xf32, #tpu.memory_space<vmem>> -> memref<128x16xf32, #tpu.memory_space<vmem>>
      tpu.wait_dma2 semaphore(%arg23 : memref<!tpu.dma_semaphore, #tpu.memory_space<semaphore_mem>>) src(%dma_wait3A_966 : memref<128x16xf32, #tpu.memory_space<vmem>>) dst(%dma_wait3A_963 : memref<128x16xf32, #tpu.memory_space<vmem_shared>>)
      %dma_wait3A_967 = arith.constant 512 : i32
      %dma_wait3A_968 = arith.constant 0 : i32
      %dma_wait3A_969 = tpu.memref_slice %arg7[%dma_wait3A_967, %dma_wait3A_968] : memref<640x16xf32, #tpu.memory_space<vmem>> -> memref<128x16xf32, #tpu.memory_space<vmem>>
      %dma_wait3A_970 = arith.constant 512 : i32
      %dma_wait3A_971 = arith.constant 0 : i32
      %dma_wait3A_972 = tpu.memref_slice %arg10[%dma_wait3A_970, %dma_wait3A_971] : memref<640x16xf32, #tpu.memory_space<vmem_shared>> -> memref<128x16xf32, #tpu.memory_space<vmem_shared>>
      %dma_wait3A_973 = arith.constant 512 : i32
      %dma_wait3A_974 = arith.constant 0 : i32
      %dma_wait3A_975 = tpu.memref_slice %arg10[%dma_wait3A_973, %dma_wait3A_974] : memref<640x16xf32, #tpu.memory_space<vmem_shared>> -> memref<128x16xf32, #tpu.memory_space<vmem_shared>>
      %dma_wait3A_976 = arith.constant 512 : i32
      %dma_wait3A_977 = arith.constant 0 : i32
      %dma_wait3A_978 = tpu.memref_slice %arg7[%dma_wait3A_976, %dma_wait3A_977] : memref<640x16xf32, #tpu.memory_space<vmem>> -> memref<128x16xf32, #tpu.memory_space<vmem>>
      tpu.wait_dma2 semaphore(%arg24 : memref<!tpu.dma_semaphore, #tpu.memory_space<semaphore_mem>>) src(%dma_wait3A_978 : memref<128x16xf32, #tpu.memory_space<vmem>>) dst(%dma_wait3A_975 : memref<128x16xf32, #tpu.memory_space<vmem_shared>>)
    } else {
    }
    %barrier3A = arith.constant 0 : index
    tpu.barrier barrier_id(%barrier3A)
    %mul3A_517 = arith.constant 16 : i32
    %mul3A_518 = arith.muli %arg0, %mul3A_517 : i32
    %add3A_519 = arith.addi %mul3A_518, %arg1 : i32
    %mul3A_520 = arith.constant 10000 : i32
    %mul3A_521 = arith.muli %add3A_519, %mul3A_520 : i32
    %add3A_522 = arith.constant 0 : i32
    %add3A_523 = arith.addi %mul3A_521, %add3A_522 : i32
    %dma_start3A_524 = tpu.memref_slice %arg3[%add3A_523] : memref<320000xi32, #tpu.memory_space<hbm>> -> memref<80xi32, #tpu.memory_space<hbm>>
    %dma_start3A_525 = tpu.memref_slice %arg3[%add3A_523] : memref<320000xi32, #tpu.memory_space<hbm>> -> memref<80xi32, #tpu.memory_space<hbm>>
    tpu.enqueue_dma source(%dma_start3A_525 : memref<80xi32, #tpu.memory_space<hbm>>) target(%arg14 : memref<80xi32, #tpu.memory_space<vmem>>) target_semaphore(%arg26 : memref<!tpu.dma_semaphore, #tpu.memory_space<semaphore_mem>>)
    %add3A_526 = arith.constant 0 : i32
    %add3A_527 = arith.addi %mul3A_521, %add3A_526 : i32
    %dma_start3A_528 = tpu.memref_slice %arg4[%add3A_527] : memref<320000xi32, #tpu.memory_space<hbm>> -> memref<80xi32, #tpu.memory_space<hbm>>
    %dma_start3A_529 = tpu.memref_slice %arg4[%add3A_527] : memref<320000xi32, #tpu.memory_space<hbm>> -> memref<80xi32, #tpu.memory_space<hbm>>
    tpu.enqueue_dma source(%dma_start3A_529 : memref<80xi32, #tpu.memory_space<hbm>>) target(%arg17 : memref<80xi32, #tpu.memory_space<vmem>>) target_semaphore(%arg29 : memref<!tpu.dma_semaphore, #tpu.memory_space<semaphore_mem>>)
    %add3A_530 = arith.constant 80 : i32
    %add3A_531 = arith.addi %mul3A_521, %add3A_530 : i32
    %dma_start3A_532 = tpu.memref_slice %arg3[%add3A_531] : memref<320000xi32, #tpu.memory_space<hbm>> -> memref<80xi32, #tpu.memory_space<hbm>>
    %dma_start3A_533 = tpu.memref_slice %arg3[%add3A_531] : memref<320000xi32, #tpu.memory_space<hbm>> -> memref<80xi32, #tpu.memory_space<hbm>>
    tpu.enqueue_dma source(%dma_start3A_533 : memref<80xi32, #tpu.memory_space<hbm>>) target(%arg15 : memref<80xi32, #tpu.memory_space<vmem>>) target_semaphore(%arg27 : memref<!tpu.dma_semaphore, #tpu.memory_space<semaphore_mem>>)
    %add3A_534 = arith.constant 80 : i32
    %add3A_535 = arith.addi %mul3A_521, %add3A_534 : i32
    %dma_start3A_536 = tpu.memref_slice %arg4[%add3A_535] : memref<320000xi32, #tpu.memory_space<hbm>> -> memref<80xi32, #tpu.memory_space<hbm>>
    %dma_start3A_537 = tpu.memref_slice %arg4[%add3A_535] : memref<320000xi32, #tpu.memory_space<hbm>> -> memref<80xi32, #tpu.memory_space<hbm>>
    tpu.enqueue_dma source(%dma_start3A_537 : memref<80xi32, #tpu.memory_space<hbm>>) target(%arg18 : memref<80xi32, #tpu.memory_space<vmem>>) target_semaphore(%arg30 : memref<!tpu.dma_semaphore, #tpu.memory_space<semaphore_mem>>)
    %add3A_538 = arith.constant 160 : i32
    %add3A_539 = arith.addi %mul3A_521, %add3A_538 : i32
    %dma_start3A_540 = tpu.memref_slice %arg3[%add3A_539] : memref<320000xi32, #tpu.memory_space<hbm>> -> memref<80xi32, #tpu.memory_space<hbm>>
    %dma_start3A_541 = tpu.memref_slice %arg3[%add3A_539] : memref<320000xi32, #tpu.memory_space<hbm>> -> memref<80xi32, #tpu.memory_space<hbm>>
    tpu.enqueue_dma source(%dma_start3A_541 : memref<80xi32, #tpu.memory_space<hbm>>) target(%arg16 : memref<80xi32, #tpu.memory_space<vmem>>) target_semaphore(%arg28 : memref<!tpu.dma_semaphore, #tpu.memory_space<semaphore_mem>>)
    %add3A_542 = arith.constant 160 : i32
    %add3A_543 = arith.addi %mul3A_521, %add3A_542 : i32
    %dma_start3A_544 = tpu.memref_slice %arg4[%add3A_543] : memref<320000xi32, #tpu.memory_space<hbm>> -> memref<80xi32, #tpu.memory_space<hbm>>
    %dma_start3A_545 = tpu.memref_slice %arg4[%add3A_543] : memref<320000xi32, #tpu.memory_space<hbm>> -> memref<80xi32, #tpu.memory_space<hbm>>
    tpu.enqueue_dma source(%dma_start3A_545 : memref<80xi32, #tpu.memory_space<hbm>>) target(%arg19 : memref<80xi32, #tpu.memory_space<vmem>>) target_semaphore(%arg31 : memref<!tpu.dma_semaphore, #tpu.memory_space<semaphore_mem>>)
    %add3A_546 = arith.constant 0 : i32
    %add3A_547 = arith.addi %mul3A_521, %add3A_546 : i32
    %dma_wait3A_548 = tpu.memref_slice %arg3[%add3A_547] : memref<320000xi32, #tpu.memory_space<hbm>> -> memref<80xi32, #tpu.memory_space<hbm>>
    %dma_wait3A_549 = tpu.memref_slice %arg3[%add3A_547] : memref<320000xi32, #tpu.memory_space<hbm>> -> memref<80xi32, #tpu.memory_space<hbm>>
    tpu.wait_dma2 semaphore(%arg26 : memref<!tpu.dma_semaphore, #tpu.memory_space<semaphore_mem>>) src(%dma_wait3A_549 : memref<80xi32, #tpu.memory_space<hbm>>) dst(%arg14 : memref<80xi32, #tpu.memory_space<vmem>>)
    %dma_start3A_550 = arith.constant 0 : i32
    %dma_start3A_551 = tpu.memref_slice %arg14[%dma_start3A_550] : memref<80xi32, #tpu.memory_space<vmem>> -> memref<80xi32, #tpu.memory_space<vmem>>
    %dma_start3A_552 = arith.constant 0 : i32
    %dma_start3A_553 = arith.constant 0 : i32
    %dma_start3A_554 = tpu.memref_slice %arg2[%dma_start3A_552, %dma_start3A_553] : memref<10000x128xf32, #tpu.memory_space<hbm>> -> memref<10000x128xf32, #tpu.memory_space<hbm>>
    tpu.enqueue_indirect_dma source(%dma_start3A_554 : memref<10000x128xf32, #tpu.memory_space<hbm>>) target(%arg11 : memref<80x128xf32, #tpu.memory_space<vmem>>) offsets(%dma_start3A_551 : memref<80xi32, #tpu.memory_space<vmem>>) semaphore(%arg20 : memref<!tpu.dma_semaphore, #tpu.memory_space<semaphore_mem>>)
    %add3A_555 = arith.constant 80 : i32
    %add3A_556 = arith.addi %mul3A_521, %add3A_555 : i32
    %dma_wait3A_557 = tpu.memref_slice %arg3[%add3A_556] : memref<320000xi32, #tpu.memory_space<hbm>> -> memref<80xi32, #tpu.memory_space<hbm>>
    %dma_wait3A_558 = tpu.memref_slice %arg3[%add3A_556] : memref<320000xi32, #tpu.memory_space<hbm>> -> memref<80xi32, #tpu.memory_space<hbm>>
    tpu.wait_dma2 semaphore(%arg27 : memref<!tpu.dma_semaphore, #tpu.memory_space<semaphore_mem>>) src(%dma_wait3A_558 : memref<80xi32, #tpu.memory_space<hbm>>) dst(%arg15 : memref<80xi32, #tpu.memory_space<vmem>>)
    %dma_start3A_559 = arith.constant 0 : i32
    %dma_start3A_560 = tpu.memref_slice %arg15[%dma_start3A_559] : memref<80xi32, #tpu.memory_space<vmem>> -> memref<80xi32, #tpu.memory_space<vmem>>
    %dma_start3A_561 = arith.constant 0 : i32
    %dma_start3A_562 = arith.constant 0 : i32
    %dma_start3A_563 = tpu.memref_slice %arg2[%dma_start3A_561, %dma_start3A_562] : memref<10000x128xf32, #tpu.memory_space<hbm>> -> memref<10000x128xf32, #tpu.memory_space<hbm>>
    tpu.enqueue_indirect_dma source(%dma_start3A_563 : memref<10000x128xf32, #tpu.memory_space<hbm>>) target(%arg12 : memref<80x128xf32, #tpu.memory_space<vmem>>) offsets(%dma_start3A_560 : memref<80xi32, #tpu.memory_space<vmem>>) semaphore(%arg21 : memref<!tpu.dma_semaphore, #tpu.memory_space<semaphore_mem>>)
    %add3A_564 = arith.constant 160 : i32
    %add3A_565 = arith.addi %mul3A_521, %add3A_564 : i32
    %dma_wait3A_566 = tpu.memref_slice %arg3[%add3A_565] : memref<320000xi32, #tpu.memory_space<hbm>> -> memref<80xi32, #tpu.memory_space<hbm>>
    %dma_wait3A_567 = tpu.memref_slice %arg3[%add3A_565] : memref<320000xi32, #tpu.memory_space<hbm>> -> memref<80xi32, #tpu.memory_space<hbm>>
    tpu.wait_dma2 semaphore(%arg28 : memref<!tpu.dma_semaphore, #tpu.memory_space<semaphore_mem>>) src(%dma_wait3A_567 : memref<80xi32, #tpu.memory_space<hbm>>) dst(%arg16 : memref<80xi32, #tpu.memory_space<vmem>>)
    %dma_start3A_568 = arith.constant 0 : i32
    %dma_start3A_569 = tpu.memref_slice %arg16[%dma_start3A_568] : memref<80xi32, #tpu.memory_space<vmem>> -> memref<80xi32, #tpu.memory_space<vmem>>
    %dma_start3A_570 = arith.constant 0 : i32
    %dma_start3A_571 = arith.constant 0 : i32
    %dma_start3A_572 = tpu.memref_slice %arg2[%dma_start3A_570, %dma_start3A_571] : memref<10000x128xf32, #tpu.memory_space<hbm>> -> memref<10000x128xf32, #tpu.memory_space<hbm>>
    tpu.enqueue_indirect_dma source(%dma_start3A_572 : memref<10000x128xf32, #tpu.memory_space<hbm>>) target(%arg13 : memref<80x128xf32, #tpu.memory_space<vmem>>) offsets(%dma_start3A_569 : memref<80xi32, #tpu.memory_space<vmem>>) semaphore(%arg22 : memref<!tpu.dma_semaphore, #tpu.memory_space<semaphore_mem>>)
    %scan3A_573 = arith.constant 0 : i32
    %scan3A_574 = arith.constant 41 : i32
    %scan3A_575 = arith.addi %scan3A_573, %scan3A_574 : i32
    %scan3A_576 = arith.constant 1 : i32
    scf.for %scan3A_859 = %scan3A_573 to %scan3A_575 step %scan3A_576  : i32 {
      %mul3A_860 = arith.constant 1 : i32
      %mul3A_861 = arith.muli %scan3A_859, %mul3A_860 : i32
      %add3A_862 = arith.constant 0 : i32
      %add3A_863 = arith.addi %add3A_862, %mul3A_861 : i32
      %mul3A_864 = arith.constant 3 : i32
      %mul3A_865 = arith.muli %add3A_863, %mul3A_864 : i32
      %add3A_866 = arith.constant 0 : i32
      %add3A_867 = arith.addi %mul3A_865, %add3A_866 : i32
      %dma_wait3A_868 = arith.constant 0 : i32
      %dma_wait3A_869 = tpu.memref_slice %arg14[%dma_wait3A_868] : memref<80xi32, #tpu.memory_space<vmem>> -> memref<80xi32, #tpu.memory_space<vmem>>
      %dma_wait3A_870 = arith.constant 0 : i32
      %dma_wait3A_871 = arith.constant 0 : i32
      %dma_wait3A_872 = tpu.memref_slice %arg2[%dma_wait3A_870, %dma_wait3A_871] : memref<10000x128xf32, #tpu.memory_space<hbm>> -> memref<10000x128xf32, #tpu.memory_space<hbm>>
      tpu.wait_indirect_dma semaphore(%arg20 : memref<!tpu.dma_semaphore, #tpu.memory_space<semaphore_mem>>) src(%dma_wait3A_872 : memref<10000x128xf32, #tpu.memory_space<hbm>>) dst(%arg11 : memref<80x128xf32, #tpu.memory_space<vmem>>)
      %lt3A = arith.constant 40 : i32
      %lt3A_873 = arith.cmpi slt, %add3A_863, %lt3A : i32
      %convert_element_type3A_874 = arith.extui %lt3A_873 : i1 to i32
      %cond3A_875 = arith.constant 0 : i32
      %cond3A_876 = arith.cmpi ne, %convert_element_type3A_874, %cond3A_875 : i32
      scf.if %cond3A_876 {
        %add3A_1127 = arith.constant 3 : i32
        %add3A_1128 = arith.addi %add3A_867, %add3A_1127 : i32
        %mul3A_1129 = arith.constant 80 : i32
        %mul3A_1130 = arith.muli %add3A_1128, %mul3A_1129 : i32
        %add3A_1131 = arith.addi %mul3A_521, %mul3A_1130 : i32
        %dma_start3A_1132 = tpu.memref_slice %arg3[%add3A_1131] : memref<320000xi32, #tpu.memory_space<hbm>> -> memref<80xi32, #tpu.memory_space<hbm>>
        %dma_start3A_1133 = tpu.memref_slice %arg3[%add3A_1131] : memref<320000xi32, #tpu.memory_space<hbm>> -> memref<80xi32, #tpu.memory_space<hbm>>
        tpu.enqueue_dma source(%dma_start3A_1133 : memref<80xi32, #tpu.memory_space<hbm>>) target(%arg14 : memref<80xi32, #tpu.memory_space<vmem>>) target_semaphore(%arg26 : memref<!tpu.dma_semaphore, #tpu.memory_space<semaphore_mem>>)
      } else {
      }
      %mul3A_877 = arith.constant 80 : i32
      %mul3A_878 = arith.muli %add3A_867, %mul3A_877 : i32
      %add3A_879 = arith.addi %mul3A_521, %mul3A_878 : i32
      %dma_wait3A_880 = tpu.memref_slice %arg4[%add3A_879] : memref<320000xi32, #tpu.memory_space<hbm>> -> memref<80xi32, #tpu.memory_space<hbm>>
      %dma_wait3A_881 = tpu.memref_slice %arg4[%add3A_879] : memref<320000xi32, #tpu.memory_space<hbm>> -> memref<80xi32, #tpu.memory_space<hbm>>
      tpu.wait_dma2 semaphore(%arg29 : memref<!tpu.dma_semaphore, #tpu.memory_space<semaphore_mem>>) src(%dma_wait3A_881 : memref<80xi32, #tpu.memory_space<hbm>>) dst(%arg17 : memref<80xi32, #tpu.memory_space<vmem>>)
      %dma_start3A_882 = arith.constant 0 : i32
      %dma_start3A_883 = tpu.memref_slice %arg17[%dma_start3A_882] : memref<80xi32, #tpu.memory_space<vmem>> -> memref<80xi32, #tpu.memory_space<vmem>>
      %dma_start3A_884 = arith.constant 0 : i32
      %dma_start3A_885 = arith.constant 0 : i32
      %dma_start3A_886 = tpu.memref_slice %arg9[%dma_start3A_884, %dma_start3A_885] : memref<10112x128xf32, #tpu.memory_space<vmem_shared>> -> memref<10112x128xf32, #tpu.memory_space<vmem_shared>>
      tpu.enqueue_indirect_dma source(%arg11 : memref<80x128xf32, #tpu.memory_space<vmem>>) target(%dma_start3A_886 : memref<10112x128xf32, #tpu.memory_space<vmem_shared>>) offsets(%dma_start3A_883 : memref<80xi32, #tpu.memory_space<vmem>>) semaphore(%arg23 : memref<!tpu.dma_semaphore, #tpu.memory_space<semaphore_mem>>) {add = true}
      %get3A_887 = arith.constant 0 : index
      %get3A_888 = tpu.vector_load %arg17[%get3A_887] {strides = array<i32>} : memref<80xi32, #tpu.memory_space<vmem>>, vector<16xi32>,
      %shift_right_logical3A_889 = arith.constant 4 : i32
      %shift_right_logical3A_890 = vector.broadcast %shift_right_logical3A_889 : i32 to vector<16xi32>
      %shift_right_logical3A_891 = arith.shrui %get3A_888, %shift_right_logical3A_890 : vector<16xi32>
      %and3A_892 = arith.constant 15 : i32
      %and3A_893 = vector.broadcast %and3A_892 : i32 to vector<16xi32>
      %and3A_894 = arith.andi %get3A_888, %and3A_893 : vector<16xi32>
      %broadcast_in_dim3A_895 = arith.constant 1.000000e+00 : f32
      %broadcast_in_dim3A_896 = vector.broadcast %broadcast_in_dim3A_895 : f32 to vector<16xf32>
      tpu.vector_store_idx %arg7[%shift_right_logical3A_891, %and3A_894], %broadcast_in_dim3A_896 {add = true} : memref<640x16xf32, #tpu.memory_space<vmem>>[vector<16xi32>, vector<16xi32>], vector<16xf32>,
      %get3A_897 = arith.constant 16 : index
      %get3A_898 = tpu.vector_load %arg17[%get3A_897] {strides = array<i32>} : memref<80xi32, #tpu.memory_space<vmem>>, vector<16xi32>,
      %shift_right_logical3A_899 = arith.constant 4 : i32
      %shift_right_logical3A_900 = vector.broadcast %shift_right_logical3A_899 : i32 to vector<16xi32>
      %shift_right_logical3A_901 = arith.shrui %get3A_898, %shift_right_logical3A_900 : vector<16xi32>
      %and3A_902 = arith.constant 15 : i32
      %and3A_903 = vector.broadcast %and3A_902 : i32 to vector<16xi32>
      %and3A_904 = arith.andi %get3A_898, %and3A_903 : vector<16xi32>
      %broadcast_in_dim3A_905 = arith.constant 1.000000e+00 : f32
      %broadcast_in_dim3A_906 = vector.broadcast %broadcast_in_dim3A_905 : f32 to vector<16xf32>
      tpu.vector_store_idx %arg7[%shift_right_logical3A_901, %and3A_904], %broadcast_in_dim3A_906 {add = true} : memref<640x16xf32, #tpu.memory_space<vmem>>[vector<16xi32>, vector<16xi32>], vector<16xf32>,
      %get3A_907 = arith.constant 32 : index
      %get3A_908 = tpu.vector_load %arg17[%get3A_907] {strides = array<i32>} : memref<80xi32, #tpu.memory_space<vmem>>, vector<16xi32>,
      %shift_right_logical3A_909 = arith.constant 4 : i32
      %shift_right_logical3A_910 = vector.broadcast %shift_right_logical3A_909 : i32 to vector<16xi32>
      %shift_right_logical3A_911 = arith.shrui %get3A_908, %shift_right_logical3A_910 : vector<16xi32>
      %and3A_912 = arith.constant 15 : i32
      %and3A_913 = vector.broadcast %and3A_912 : i32 to vector<16xi32>
      %and3A_914 = arith.andi %get3A_908, %and3A_913 : vector<16xi32>
      %broadcast_in_dim3A_915 = arith.constant 1.000000e+00 : f32
      %broadcast_in_dim3A_916 = vector.broadcast %broadcast_in_dim3A_915 : f32 to vector<16xf32>
      tpu.vector_store_idx %arg7[%shift_right_logical3A_911, %and3A_914], %broadcast_in_dim3A_916 {add = true} : memref<640x16xf32, #tpu.memory_space<vmem>>[vector<16xi32>, vector<16xi32>], vector<16xf32>,
      %get3A_917 = arith.constant 48 : index
      %get3A_918 = tpu.vector_load %arg17[%get3A_917] {strides = array<i32>} : memref<80xi32, #tpu.memory_space<vmem>>, vector<16xi32>,
      %shift_right_logical3A_919 = arith.constant 4 : i32
      %shift_right_logical3A_920 = vector.broadcast %shift_right_logical3A_919 : i32 to vector<16xi32>
      %shift_right_logical3A_921 = arith.shrui %get3A_918, %shift_right_logical3A_920 : vector<16xi32>
      %and3A_922 = arith.constant 15 : i32
      %and3A_923 = vector.broadcast %and3A_922 : i32 to vector<16xi32>
      %and3A_924 = arith.andi %get3A_918, %and3A_923 : vector<16xi32>
      %broadcast_in_dim3A_925 = arith.constant 1.000000e+00 : f32
      %broadcast_in_dim3A_926 = vector.broadcast %broadcast_in_dim3A_925 : f32 to vector<16xf32>
      tpu.vector_store_idx %arg7[%shift_right_logical3A_921, %and3A_924], %broadcast_in_dim3A_926 {add = true} : memref<640x16xf32, #tpu.memory_space<vmem>>[vector<16xi32>, vector<16xi32>], vector<16xf32>,
      %get3A_927 = arith.constant 64 : index
      %get3A_928 = tpu.vector_load %arg17[%get3A_927] {strides = array<i32>} : memref<80xi32, #tpu.memory_space<vmem>>, vector<16xi32>,
      %shift_right_logical3A_929 = arith.constant 4 : i32
      %shift_right_logical3A_930 = vector.broadcast %shift_right_logical3A_929 : i32 to vector<16xi32>
      %shift_right_logical3A_931 = arith.shrui %get3A_928, %shift_right_logical3A_930 : vector<16xi32>
      %and3A_932 = arith.constant 15 : i32
      %and3A_933 = vector.broadcast %and3A_932 : i32 to vector<16xi32>
      %and3A_934 = arith.andi %get3A_928, %and3A_933 : vector<16xi32>
      %broadcast_in_dim3A_935 = arith.constant 1.000000e+00 : f32
      %broadcast_in_dim3A_936 = vector.broadcast %broadcast_in_dim3A_935 : f32 to vector<16xf32>
      tpu.vector_store_idx %arg7[%shift_right_logical3A_931, %and3A_934], %broadcast_in_dim3A_936 {add = true} : memref<640x16xf32, #tpu.memory_space<vmem>>[vector<16xi32>, vector<16xi32>], vector<16xf32>,
      %mul3A_937 = arith.constant 3 : i32
      %mul3A_938 = arith.muli %add3A_863, %mul3A_937 : i32
      %add3A_939 = arith.constant 1 : i32
      %add3A_940 = arith.addi %mul3A_938, %add3A_939 : i32
      %dma_wait3A_941 = arith.constant 0 : i32
      %dma_wait3A_942 = tpu.memref_slice %arg15[%dma_wait3A_941] : memref<80xi32, #tpu.memory_space<vmem>> -> memref<80xi32, #tpu.memory_space<vmem>>
      %dma_wait3A_943 = arith.constant 0 : i32
      %dma_wait3A_944 = arith.constant 0 : i32
      %dma_wait3A_945 = tpu.memref_slice %arg2[%dma_wait3A_943, %dma_wait3A_944] : memref<10000x128xf32, #tpu.memory_space<hbm>> -> memref<10000x128xf32, #tpu.memory_space<hbm>>
      tpu.wait_indirect_dma semaphore(%arg21 : memref<!tpu.dma_semaphore, #tpu.memory_space<semaphore_mem>>) src(%dma_wait3A_945 : memref<10000x128xf32, #tpu.memory_space<hbm>>) dst(%arg12 : memref<80x128xf32, #tpu.memory_space<vmem>>)
      %lt3A_946 = arith.constant 40 : i32
      %lt3A_947 = arith.cmpi slt, %add3A_863, %lt3A_946 : i32
      %convert_element_type3A_948 = arith.extui %lt3A_947 : i1 to i32
      %cond3A_949 = arith.constant 0 : i32
      %cond3A_950 = arith.cmpi ne, %convert_element_type3A_948, %cond3A_949 : i32
      scf.if %cond3A_950 {
        %add3A_1127 = arith.constant 3 : i32
        %add3A_1128 = arith.addi %add3A_940, %add3A_1127 : i32
        %mul3A_1129 = arith.constant 80 : i32
        %mul3A_1130 = arith.muli %add3A_1128, %mul3A_1129 : i32
        %add3A_1131 = arith.addi %mul3A_521, %mul3A_1130 : i32
        %dma_start3A_1132 = tpu.memref_slice %arg3[%add3A_1131] : memref<320000xi32, #tpu.memory_space<hbm>> -> memref<80xi32, #tpu.memory_space<hbm>>
        %dma_start3A_1133 = tpu.memref_slice %arg3[%add3A_1131] : memref<320000xi32, #tpu.memory_space<hbm>> -> memref<80xi32, #tpu.memory_space<hbm>>
        tpu.enqueue_dma source(%dma_start3A_1133 : memref<80xi32, #tpu.memory_space<hbm>>) target(%arg15 : memref<80xi32, #tpu.memory_space<vmem>>) target_semaphore(%arg27 : memref<!tpu.dma_semaphore, #tpu.memory_space<semaphore_mem>>)
      } else {
      }
      %mul3A_951 = arith.constant 80 : i32
      %mul3A_952 = arith.muli %add3A_940, %mul3A_951 : i32
      %add3A_953 = arith.addi %mul3A_521, %mul3A_952 : i32
      %dma_wait3A_954 = tpu.memref_slice %arg4[%add3A_953] : memref<320000xi32, #tpu.memory_space<hbm>> -> memref<80xi32, #tpu.memory_space<hbm>>
      %dma_wait3A_955 = tpu.memref_slice %arg4[%add3A_953] : memref<320000xi32, #tpu.memory_space<hbm>> -> memref<80xi32, #tpu.memory_space<hbm>>
      tpu.wait_dma2 semaphore(%arg30 : memref<!tpu.dma_semaphore, #tpu.memory_space<semaphore_mem>>) src(%dma_wait3A_955 : memref<80xi32, #tpu.memory_space<hbm>>) dst(%arg18 : memref<80xi32, #tpu.memory_space<vmem>>)
      %dma_start3A_956 = arith.constant 0 : i32
      %dma_start3A_957 = tpu.memref_slice %arg18[%dma_start3A_956] : memref<80xi32, #tpu.memory_space<vmem>> -> memref<80xi32, #tpu.memory_space<vmem>>
      %dma_start3A_958 = arith.constant 0 : i32
      %dma_start3A_959 = arith.constant 0 : i32
      %dma_start3A_960 = tpu.memref_slice %arg9[%dma_start3A_958, %dma_start3A_959] : memref<10112x128xf32, #tpu.memory_space<vmem_shared>> -> memref<10112x128xf32, #tpu.memory_space<vmem_shared>>
      tpu.enqueue_indirect_dma source(%arg12 : memref<80x128xf32, #tpu.memory_space<vmem>>) target(%dma_start3A_960 : memref<10112x128xf32, #tpu.memory_space<vmem_shared>>) offsets(%dma_start3A_957 : memref<80xi32, #tpu.memory_space<vmem>>) semaphore(%arg24 : memref<!tpu.dma_semaphore, #tpu.memory_space<semaphore_mem>>) {add = true}
      %get3A_961 = arith.constant 0 : index
      %get3A_962 = tpu.vector_load %arg18[%get3A_961] {strides = array<i32>} : memref<80xi32, #tpu.memory_space<vmem>>, vector<16xi32>,
      %shift_right_logical3A_963 = arith.constant 4 : i32
      %shift_right_logical3A_964 = vector.broadcast %shift_right_logical3A_963 : i32 to vector<16xi32>
      %shift_right_logical3A_965 = arith.shrui %get3A_962, %shift_right_logical3A_964 : vector<16xi32>
      %and3A_966 = arith.constant 15 : i32
      %and3A_967 = vector.broadcast %and3A_966 : i32 to vector<16xi32>
      %and3A_968 = arith.andi %get3A_962, %and3A_967 : vector<16xi32>
      %broadcast_in_dim3A_969 = arith.constant 1.000000e+00 : f32
      %broadcast_in_dim3A_970 = vector.broadcast %broadcast_in_dim3A_969 : f32 to vector<16xf32>
      tpu.vector_store_idx %arg7[%shift_right_logical3A_965, %and3A_968], %broadcast_in_dim3A_970 {add = true} : memref<640x16xf32, #tpu.memory_space<vmem>>[vector<16xi32>, vector<16xi32>], vector<16xf32>,
      %get3A_971 = arith.constant 16 : index
      %get3A_972 = tpu.vector_load %arg18[%get3A_971] {strides = array<i32>} : memref<80xi32, #tpu.memory_space<vmem>>, vector<16xi32>,
      %shift_right_logical3A_973 = arith.constant 4 : i32
      %shift_right_logical3A_974 = vector.broadcast %shift_right_logical3A_973 : i32 to vector<16xi32>
      %shift_right_logical3A_975 = arith.shrui %get3A_972, %shift_right_logical3A_974 : vector<16xi32>
      %and3A_976 = arith.constant 15 : i32
      %and3A_977 = vector.broadcast %and3A_976 : i32 to vector<16xi32>
      %and3A_978 = arith.andi %get3A_972, %and3A_977 : vector<16xi32>
      %broadcast_in_dim3A_979 = arith.constant 1.000000e+00 : f32
      %broadcast_in_dim3A_980 = vector.broadcast %broadcast_in_dim3A_979 : f32 to vector<16xf32>
      tpu.vector_store_idx %arg7[%shift_right_logical3A_975, %and3A_978], %broadcast_in_dim3A_980 {add = true} : memref<640x16xf32, #tpu.memory_space<vmem>>[vector<16xi32>, vector<16xi32>], vector<16xf32>,
      %get3A_981 = arith.constant 32 : index
      %get3A_982 = tpu.vector_load %arg18[%get3A_981] {strides = array<i32>} : memref<80xi32, #tpu.memory_space<vmem>>, vector<16xi32>,
      %shift_right_logical3A_983 = arith.constant 4 : i32
      %shift_right_logical3A_984 = vector.broadcast %shift_right_logical3A_983 : i32 to vector<16xi32>
      %shift_right_logical3A_985 = arith.shrui %get3A_982, %shift_right_logical3A_984 : vector<16xi32>
      %and3A_986 = arith.constant 15 : i32
      %and3A_987 = vector.broadcast %and3A_986 : i32 to vector<16xi32>
      %and3A_988 = arith.andi %get3A_982, %and3A_987 : vector<16xi32>
      %broadcast_in_dim3A_989 = arith.constant 1.000000e+00 : f32
      %broadcast_in_dim3A_990 = vector.broadcast %broadcast_in_dim3A_989 : f32 to vector<16xf32>
      tpu.vector_store_idx %arg7[%shift_right_logical3A_985, %and3A_988], %broadcast_in_dim3A_990 {add = true} : memref<640x16xf32, #tpu.memory_space<vmem>>[vector<16xi32>, vector<16xi32>], vector<16xf32>,
      %get3A_991 = arith.constant 48 : index
      %get3A_992 = tpu.vector_load %arg18[%get3A_991] {strides = array<i32>} : memref<80xi32, #tpu.memory_space<vmem>>, vector<16xi32>,
      %shift_right_logical3A_993 = arith.constant 4 : i32
      %shift_right_logical3A_994 = vector.broadcast %shift_right_logical3A_993 : i32 to vector<16xi32>
      %shift_right_logical3A_995 = arith.shrui %get3A_992, %shift_right_logical3A_994 : vector<16xi32>
      %and3A_996 = arith.constant 15 : i32
      %and3A_997 = vector.broadcast %and3A_996 : i32 to vector<16xi32>
      %and3A_998 = arith.andi %get3A_992, %and3A_997 : vector<16xi32>
      %broadcast_in_dim3A_999 = arith.constant 1.000000e+00 : f32
      %broadcast_in_dim3A_1000 = vector.broadcast %broadcast_in_dim3A_999 : f32 to vector<16xf32>
      tpu.vector_store_idx %arg7[%shift_right_logical3A_995, %and3A_998], %broadcast_in_dim3A_1000 {add = true} : memref<640x16xf32, #tpu.memory_space<vmem>>[vector<16xi32>, vector<16xi32>], vector<16xf32>,
      %get3A_1001 = arith.constant 64 : index
      %get3A_1002 = tpu.vector_load %arg18[%get3A_1001] {strides = array<i32>} : memref<80xi32, #tpu.memory_space<vmem>>, vector<16xi32>,
      %shift_right_logical3A_1003 = arith.constant 4 : i32
      %shift_right_logical3A_1004 = vector.broadcast %shift_right_logical3A_1003 : i32 to vector<16xi32>
      %shift_right_logical3A_1005 = arith.shrui %get3A_1002, %shift_right_logical3A_1004 : vector<16xi32>
      %and3A_1006 = arith.constant 15 : i32
      %and3A_1007 = vector.broadcast %and3A_1006 : i32 to vector<16xi32>
      %and3A_1008 = arith.andi %get3A_1002, %and3A_1007 : vector<16xi32>
      %broadcast_in_dim3A_1009 = arith.constant 1.000000e+00 : f32
      %broadcast_in_dim3A_1010 = vector.broadcast %broadcast_in_dim3A_1009 : f32 to vector<16xf32>
      tpu.vector_store_idx %arg7[%shift_right_logical3A_1005, %and3A_1008], %broadcast_in_dim3A_1010 {add = true} : memref<640x16xf32, #tpu.memory_space<vmem>>[vector<16xi32>, vector<16xi32>], vector<16xf32>,
      %mul3A_1011 = arith.constant 3 : i32
      %mul3A_1012 = arith.muli %add3A_863, %mul3A_1011 : i32
      %add3A_1013 = arith.constant 2 : i32
      %add3A_1014 = arith.addi %mul3A_1012, %add3A_1013 : i32
      %dma_wait3A_1015 = arith.constant 0 : i32
      %dma_wait3A_1016 = tpu.memref_slice %arg16[%dma_wait3A_1015] : memref<80xi32, #tpu.memory_space<vmem>> -> memref<80xi32, #tpu.memory_space<vmem>>
      %dma_wait3A_1017 = arith.constant 0 : i32
      %dma_wait3A_1018 = arith.constant 0 : i32
      %dma_wait3A_1019 = tpu.memref_slice %arg2[%dma_wait3A_1017, %dma_wait3A_1018] : memref<10000x128xf32, #tpu.memory_space<hbm>> -> memref<10000x128xf32, #tpu.memory_space<hbm>>
      tpu.wait_indirect_dma semaphore(%arg22 : memref<!tpu.dma_semaphore, #tpu.memory_space<semaphore_mem>>) src(%dma_wait3A_1019 : memref<10000x128xf32, #tpu.memory_space<hbm>>) dst(%arg13 : memref<80x128xf32, #tpu.memory_space<vmem>>)
      %lt3A_1020 = arith.constant 40 : i32
      %lt3A_1021 = arith.cmpi slt, %add3A_863, %lt3A_1020 : i32
      %convert_element_type3A_1022 = arith.extui %lt3A_1021 : i1 to i32
      %cond3A_1023 = arith.constant 0 : i32
      %cond3A_1024 = arith.cmpi ne, %convert_element_type3A_1022, %cond3A_1023 : i32
      scf.if %cond3A_1024 {
        %add3A_1127 = arith.constant 3 : i32
        %add3A_1128 = arith.addi %add3A_1014, %add3A_1127 : i32
        %mul3A_1129 = arith.constant 80 : i32
        %mul3A_1130 = arith.muli %add3A_1128, %mul3A_1129 : i32
        %add3A_1131 = arith.addi %mul3A_521, %mul3A_1130 : i32
        %dma_start3A_1132 = tpu.memref_slice %arg3[%add3A_1131] : memref<320000xi32, #tpu.memory_space<hbm>> -> memref<80xi32, #tpu.memory_space<hbm>>
        %dma_start3A_1133 = tpu.memref_slice %arg3[%add3A_1131] : memref<320000xi32, #tpu.memory_space<hbm>> -> memref<80xi32, #tpu.memory_space<hbm>>
        tpu.enqueue_dma source(%dma_start3A_1133 : memref<80xi32, #tpu.memory_space<hbm>>) target(%arg16 : memref<80xi32, #tpu.memory_space<vmem>>) target_semaphore(%arg28 : memref<!tpu.dma_semaphore, #tpu.memory_space<semaphore_mem>>)
      } else {
      }
      %mul3A_1025 = arith.constant 80 : i32
      %mul3A_1026 = arith.muli %add3A_1014, %mul3A_1025 : i32
      %add3A_1027 = arith.addi %mul3A_521, %mul3A_1026 : i32
      %dma_wait3A_1028 = tpu.memref_slice %arg4[%add3A_1027] : memref<320000xi32, #tpu.memory_space<hbm>> -> memref<80xi32, #tpu.memory_space<hbm>>
      %dma_wait3A_1029 = tpu.memref_slice %arg4[%add3A_1027] : memref<320000xi32, #tpu.memory_space<hbm>> -> memref<80xi32, #tpu.memory_space<hbm>>
      tpu.wait_dma2 semaphore(%arg31 : memref<!tpu.dma_semaphore, #tpu.memory_space<semaphore_mem>>) src(%dma_wait3A_1029 : memref<80xi32, #tpu.memory_space<hbm>>) dst(%arg19 : memref<80xi32, #tpu.memory_space<vmem>>)
      %dma_start3A_1030 = arith.constant 0 : i32
      %dma_start3A_1031 = tpu.memref_slice %arg19[%dma_start3A_1030] : memref<80xi32, #tpu.memory_space<vmem>> -> memref<80xi32, #tpu.memory_space<vmem>>
      %dma_start3A_1032 = arith.constant 0 : i32
      %dma_start3A_1033 = arith.constant 0 : i32
      %dma_start3A_1034 = tpu.memref_slice %arg9[%dma_start3A_1032, %dma_start3A_1033] : memref<10112x128xf32, #tpu.memory_space<vmem_shared>> -> memref<10112x128xf32, #tpu.memory_space<vmem_shared>>
      tpu.enqueue_indirect_dma source(%arg13 : memref<80x128xf32, #tpu.memory_space<vmem>>) target(%dma_start3A_1034 : memref<10112x128xf32, #tpu.memory_space<vmem_shared>>) offsets(%dma_start3A_1031 : memref<80xi32, #tpu.memory_space<vmem>>) semaphore(%arg25 : memref<!tpu.dma_semaphore, #tpu.memory_space<semaphore_mem>>) {add = true}
      %get3A_1035 = arith.constant 0 : index
      %get3A_1036 = tpu.vector_load %arg19[%get3A_1035] {strides = array<i32>} : memref<80xi32, #tpu.memory_space<vmem>>, vector<16xi32>,
      %shift_right_logical3A_1037 = arith.constant 4 : i32
      %shift_right_logical3A_1038 = vector.broadcast %shift_right_logical3A_1037 : i32 to vector<16xi32>
      %shift_right_logical3A_1039 = arith.shrui %get3A_1036, %shift_right_logical3A_1038 : vector<16xi32>
      %and3A_1040 = arith.constant 15 : i32
      %and3A_1041 = vector.broadcast %and3A_1040 : i32 to vector<16xi32>
      %and3A_1042 = arith.andi %get3A_1036, %and3A_1041 : vector<16xi32>
      %broadcast_in_dim3A_1043 = arith.constant 1.000000e+00 : f32
      %broadcast_in_dim3A_1044 = vector.broadcast %broadcast_in_dim3A_1043 : f32 to vector<16xf32>
      tpu.vector_store_idx %arg7[%shift_right_logical3A_1039, %and3A_1042], %broadcast_in_dim3A_1044 {add = true} : memref<640x16xf32, #tpu.memory_space<vmem>>[vector<16xi32>, vector<16xi32>], vector<16xf32>,
      %get3A_1045 = arith.constant 16 : index
      %get3A_1046 = tpu.vector_load %arg19[%get3A_1045] {strides = array<i32>} : memref<80xi32, #tpu.memory_space<vmem>>, vector<16xi32>,
      %shift_right_logical3A_1047 = arith.constant 4 : i32
      %shift_right_logical3A_1048 = vector.broadcast %shift_right_logical3A_1047 : i32 to vector<16xi32>
      %shift_right_logical3A_1049 = arith.shrui %get3A_1046, %shift_right_logical3A_1048 : vector<16xi32>
      %and3A_1050 = arith.constant 15 : i32
      %and3A_1051 = vector.broadcast %and3A_1050 : i32 to vector<16xi32>
      %and3A_1052 = arith.andi %get3A_1046, %and3A_1051 : vector<16xi32>
      %broadcast_in_dim3A_1053 = arith.constant 1.000000e+00 : f32
      %broadcast_in_dim3A_1054 = vector.broadcast %broadcast_in_dim3A_1053 : f32 to vector<16xf32>
      tpu.vector_store_idx %arg7[%shift_right_logical3A_1049, %and3A_1052], %broadcast_in_dim3A_1054 {add = true} : memref<640x16xf32, #tpu.memory_space<vmem>>[vector<16xi32>, vector<16xi32>], vector<16xf32>,
      %get3A_1055 = arith.constant 32 : index
      %get3A_1056 = tpu.vector_load %arg19[%get3A_1055] {strides = array<i32>} : memref<80xi32, #tpu.memory_space<vmem>>, vector<16xi32>,
      %shift_right_logical3A_1057 = arith.constant 4 : i32
      %shift_right_logical3A_1058 = vector.broadcast %shift_right_logical3A_1057 : i32 to vector<16xi32>
      %shift_right_logical3A_1059 = arith.shrui %get3A_1056, %shift_right_logical3A_1058 : vector<16xi32>
      %and3A_1060 = arith.constant 15 : i32
      %and3A_1061 = vector.broadcast %and3A_1060 : i32 to vector<16xi32>
      %and3A_1062 = arith.andi %get3A_1056, %and3A_1061 : vector<16xi32>
      %broadcast_in_dim3A_1063 = arith.constant 1.000000e+00 : f32
      %broadcast_in_dim3A_1064 = vector.broadcast %broadcast_in_dim3A_1063 : f32 to vector<16xf32>
      tpu.vector_store_idx %arg7[%shift_right_logical3A_1059, %and3A_1062], %broadcast_in_dim3A_1064 {add = true} : memref<640x16xf32, #tpu.memory_space<vmem>>[vector<16xi32>, vector<16xi32>], vector<16xf32>,
      %get3A_1065 = arith.constant 48 : index
      %get3A_1066 = tpu.vector_load %arg19[%get3A_1065] {strides = array<i32>} : memref<80xi32, #tpu.memory_space<vmem>>, vector<16xi32>,
      %shift_right_logical3A_1067 = arith.constant 4 : i32
      %shift_right_logical3A_1068 = vector.broadcast %shift_right_logical3A_1067 : i32 to vector<16xi32>
      %shift_right_logical3A_1069 = arith.shrui %get3A_1066, %shift_right_logical3A_1068 : vector<16xi32>
      %and3A_1070 = arith.constant 15 : i32
      %and3A_1071 = vector.broadcast %and3A_1070 : i32 to vector<16xi32>
      %and3A_1072 = arith.andi %get3A_1066, %and3A_1071 : vector<16xi32>
      %broadcast_in_dim3A_1073 = arith.constant 1.000000e+00 : f32
      %broadcast_in_dim3A_1074 = vector.broadcast %broadcast_in_dim3A_1073 : f32 to vector<16xf32>
      tpu.vector_store_idx %arg7[%shift_right_logical3A_1069, %and3A_1072], %broadcast_in_dim3A_1074 {add = true} : memref<640x16xf32, #tpu.memory_space<vmem>>[vector<16xi32>, vector<16xi32>], vector<16xf32>,
      %get3A_1075 = arith.constant 64 : index
      %get3A_1076 = tpu.vector_load %arg19[%get3A_1075] {strides = array<i32>} : memref<80xi32, #tpu.memory_space<vmem>>, vector<16xi32>,
      %shift_right_logical3A_1077 = arith.constant 4 : i32
      %shift_right_logical3A_1078 = vector.broadcast %shift_right_logical3A_1077 : i32 to vector<16xi32>
      %shift_right_logical3A_1079 = arith.shrui %get3A_1076, %shift_right_logical3A_1078 : vector<16xi32>
      %and3A_1080 = arith.constant 15 : i32
      %and3A_1081 = vector.broadcast %and3A_1080 : i32 to vector<16xi32>
      %and3A_1082 = arith.andi %get3A_1076, %and3A_1081 : vector<16xi32>
      %broadcast_in_dim3A_1083 = arith.constant 1.000000e+00 : f32
      %broadcast_in_dim3A_1084 = vector.broadcast %broadcast_in_dim3A_1083 : f32 to vector<16xf32>
      tpu.vector_store_idx %arg7[%shift_right_logical3A_1079, %and3A_1082], %broadcast_in_dim3A_1084 {add = true} : memref<640x16xf32, #tpu.memory_space<vmem>>[vector<16xi32>, vector<16xi32>], vector<16xf32>,
      %mul3A_1085 = arith.constant 3 : i32
      %mul3A_1086 = arith.muli %add3A_863, %mul3A_1085 : i32
      %add3A_1087 = arith.constant 0 : i32
      %add3A_1088 = arith.addi %mul3A_1086, %add3A_1087 : i32
      %dma_wait3A_1089 = arith.constant 0 : i32
      %dma_wait3A_1090 = tpu.memref_slice %arg17[%dma_wait3A_1089] : memref<80xi32, #tpu.memory_space<vmem>> -> memref<80xi32, #tpu.memory_space<vmem>>
      %dma_wait3A_1091 = arith.constant 0 : i32
      %dma_wait3A_1092 = arith.constant 0 : i32
      %dma_wait3A_1093 = tpu.memref_slice %arg9[%dma_wait3A_1091, %dma_wait3A_1092] : memref<10112x128xf32, #tpu.memory_space<vmem_shared>> -> memref<10112x128xf32, #tpu.memory_space<vmem_shared>>
      tpu.wait_indirect_dma semaphore(%arg23 : memref<!tpu.dma_semaphore, #tpu.memory_space<semaphore_mem>>) src(%arg11 : memref<80x128xf32, #tpu.memory_space<vmem>>) dst(%dma_wait3A_1093 : memref<10112x128xf32, #tpu.memory_space<vmem_shared>>)
      %lt3A_1094 = arith.constant 40 : i32
      %lt3A_1095 = arith.cmpi slt, %add3A_863, %lt3A_1094 : i32
      %convert_element_type3A_1096 = arith.extui %lt3A_1095 : i1 to i32
      %cond3A_1097 = arith.constant 0 : i32
      %cond3A_1098 = arith.cmpi ne, %convert_element_type3A_1096, %cond3A_1097 : i32
      scf.if %cond3A_1098 {
        %add3A_1127 = arith.constant 3 : i32
        %add3A_1128 = arith.addi %add3A_1088, %add3A_1127 : i32
        %mul3A_1129 = arith.constant 80 : i32
        %mul3A_1130 = arith.muli %add3A_1128, %mul3A_1129 : i32
        %add3A_1131 = arith.addi %mul3A_521, %mul3A_1130 : i32
        %dma_start3A_1132 = tpu.memref_slice %arg4[%add3A_1131] : memref<320000xi32, #tpu.memory_space<hbm>> -> memref<80xi32, #tpu.memory_space<hbm>>
        %dma_start3A_1133 = tpu.memref_slice %arg4[%add3A_1131] : memref<320000xi32, #tpu.memory_space<hbm>> -> memref<80xi32, #tpu.memory_space<hbm>>
        tpu.enqueue_dma source(%dma_start3A_1133 : memref<80xi32, #tpu.memory_space<hbm>>) target(%arg17 : memref<80xi32, #tpu.memory_space<vmem>>) target_semaphore(%arg29 : memref<!tpu.dma_semaphore, #tpu.memory_space<semaphore_mem>>)
        %add3A_1134 = arith.constant 3 : i32
        %add3A_1135 = arith.addi %add3A_1088, %add3A_1134 : i32
        %mul3A_1136 = arith.constant 80 : i32
        %mul3A_1137 = arith.muli %add3A_1135, %mul3A_1136 : i32
        %add3A_1138 = arith.addi %mul3A_521, %mul3A_1137 : i32
        %dma_wait3A_1139 = tpu.memref_slice %arg3[%add3A_1138] : memref<320000xi32, #tpu.memory_space<hbm>> -> memref<80xi32, #tpu.memory_space<hbm>>
        %dma_wait3A_1140 = tpu.memref_slice %arg3[%add3A_1138] : memref<320000xi32, #tpu.memory_space<hbm>> -> memref<80xi32, #tpu.memory_space<hbm>>
        tpu.wait_dma2 semaphore(%arg26 : memref<!tpu.dma_semaphore, #tpu.memory_space<semaphore_mem>>) src(%dma_wait3A_1140 : memref<80xi32, #tpu.memory_space<hbm>>) dst(%arg14 : memref<80xi32, #tpu.memory_space<vmem>>)
        %dma_start3A_1141 = arith.constant 0 : i32
        %dma_start3A_1142 = tpu.memref_slice %arg14[%dma_start3A_1141] : memref<80xi32, #tpu.memory_space<vmem>> -> memref<80xi32, #tpu.memory_space<vmem>>
        %dma_start3A_1143 = arith.constant 0 : i32
        %dma_start3A_1144 = arith.constant 0 : i32
        %dma_start3A_1145 = tpu.memref_slice %arg2[%dma_start3A_1143, %dma_start3A_1144] : memref<10000x128xf32, #tpu.memory_space<hbm>> -> memref<10000x128xf32, #tpu.memory_space<hbm>>
        tpu.enqueue_indirect_dma source(%dma_start3A_1145 : memref<10000x128xf32, #tpu.memory_space<hbm>>) target(%arg11 : memref<80x128xf32, #tpu.memory_space<vmem>>) offsets(%dma_start3A_1142 : memref<80xi32, #tpu.memory_space<vmem>>) semaphore(%arg20 : memref<!tpu.dma_semaphore, #tpu.memory_space<semaphore_mem>>)
      } else {
      }
      %mul3A_1099 = arith.constant 3 : i32
      %mul3A_1100 = arith.muli %add3A_863, %mul3A_1099 : i32
      %add3A_1101 = arith.constant 1 : i32
      %add3A_1102 = arith.addi %mul3A_1100, %add3A_1101 : i32
      %dma_wait3A_1103 = arith.constant 0 : i32
      %dma_wait3A_1104 = tpu.memref_slice %arg18[%dma_wait3A_1103] : memref<80xi32, #tpu.memory_space<vmem>> -> memref<80xi32, #tpu.memory_space<vmem>>
      %dma_wait3A_1105 = arith.constant 0 : i32
      %dma_wait3A_1106 = arith.constant 0 : i32
      %dma_wait3A_1107 = tpu.memref_slice %arg9[%dma_wait3A_1105, %dma_wait3A_1106] : memref<10112x128xf32, #tpu.memory_space<vmem_shared>> -> memref<10112x128xf32, #tpu.memory_space<vmem_shared>>
      tpu.wait_indirect_dma semaphore(%arg24 : memref<!tpu.dma_semaphore, #tpu.memory_space<semaphore_mem>>) src(%arg12 : memref<80x128xf32, #tpu.memory_space<vmem>>) dst(%dma_wait3A_1107 : memref<10112x128xf32, #tpu.memory_space<vmem_shared>>)
      %lt3A_1108 = arith.constant 40 : i32
      %lt3A_1109 = arith.cmpi slt, %add3A_863, %lt3A_1108 : i32
      %convert_element_type3A_1110 = arith.extui %lt3A_1109 : i1 to i32
      %cond3A_1111 = arith.constant 0 : i32
      %cond3A_1112 = arith.cmpi ne, %convert_element_type3A_1110, %cond3A_1111 : i32
      scf.if %cond3A_1112 {
        %add3A_1127 = arith.constant 3 : i32
        %add3A_1128 = arith.addi %add3A_1102, %add3A_1127 : i32
        %mul3A_1129 = arith.constant 80 : i32
        %mul3A_1130 = arith.muli %add3A_1128, %mul3A_1129 : i32
        %add3A_1131 = arith.addi %mul3A_521, %mul3A_1130 : i32
        %dma_start3A_1132 = tpu.memref_slice %arg4[%add3A_1131] : memref<320000xi32, #tpu.memory_space<hbm>> -> memref<80xi32, #tpu.memory_space<hbm>>
        %dma_start3A_1133 = tpu.memref_slice %arg4[%add3A_1131] : memref<320000xi32, #tpu.memory_space<hbm>> -> memref<80xi32, #tpu.memory_space<hbm>>
        tpu.enqueue_dma source(%dma_start3A_1133 : memref<80xi32, #tpu.memory_space<hbm>>) target(%arg18 : memref<80xi32, #tpu.memory_space<vmem>>) target_semaphore(%arg30 : memref<!tpu.dma_semaphore, #tpu.memory_space<semaphore_mem>>)
        %add3A_1134 = arith.constant 3 : i32
        %add3A_1135 = arith.addi %add3A_1102, %add3A_1134 : i32
        %mul3A_1136 = arith.constant 80 : i32
        %mul3A_1137 = arith.muli %add3A_1135, %mul3A_1136 : i32
        %add3A_1138 = arith.addi %mul3A_521, %mul3A_1137 : i32
        %dma_wait3A_1139 = tpu.memref_slice %arg3[%add3A_1138] : memref<320000xi32, #tpu.memory_space<hbm>> -> memref<80xi32, #tpu.memory_space<hbm>>
        %dma_wait3A_1140 = tpu.memref_slice %arg3[%add3A_1138] : memref<320000xi32, #tpu.memory_space<hbm>> -> memref<80xi32, #tpu.memory_space<hbm>>
        tpu.wait_dma2 semaphore(%arg27 : memref<!tpu.dma_semaphore, #tpu.memory_space<semaphore_mem>>) src(%dma_wait3A_1140 : memref<80xi32, #tpu.memory_space<hbm>>) dst(%arg15 : memref<80xi32, #tpu.memory_space<vmem>>)
        %dma_start3A_1141 = arith.constant 0 : i32
        %dma_start3A_1142 = tpu.memref_slice %arg15[%dma_start3A_1141] : memref<80xi32, #tpu.memory_space<vmem>> -> memref<80xi32, #tpu.memory_space<vmem>>
        %dma_start3A_1143 = arith.constant 0 : i32
        %dma_start3A_1144 = arith.constant 0 : i32
        %dma_start3A_1145 = tpu.memref_slice %arg2[%dma_start3A_1143, %dma_start3A_1144] : memref<10000x128xf32, #tpu.memory_space<hbm>> -> memref<10000x128xf32, #tpu.memory_space<hbm>>
        tpu.enqueue_indirect_dma source(%dma_start3A_1145 : memref<10000x128xf32, #tpu.memory_space<hbm>>) target(%arg12 : memref<80x128xf32, #tpu.memory_space<vmem>>) offsets(%dma_start3A_1142 : memref<80xi32, #tpu.memory_space<vmem>>) semaphore(%arg21 : memref<!tpu.dma_semaphore, #tpu.memory_space<semaphore_mem>>)
      } else {
      }
      %mul3A_1113 = arith.constant 3 : i32
      %mul3A_1114 = arith.muli %add3A_863, %mul3A_1113 : i32
      %add3A_1115 = arith.constant 2 : i32
      %add3A_1116 = arith.addi %mul3A_1114, %add3A_1115 : i32
      %dma_wait3A_1117 = arith.constant 0 : i32
      %dma_wait3A_1118 = tpu.memref_slice %arg19[%dma_wait3A_1117] : memref<80xi32, #tpu.memory_space<vmem>> -> memref<80xi32, #tpu.memory_space<vmem>>
      %dma_wait3A_1119 = arith.constant 0 : i32
      %dma_wait3A_1120 = arith.constant 0 : i32
      %dma_wait3A_1121 = tpu.memref_slice %arg9[%dma_wait3A_1119, %dma_wait3A_1120] : memref<10112x128xf32, #tpu.memory_space<vmem_shared>> -> memref<10112x128xf32, #tpu.memory_space<vmem_shared>>
      tpu.wait_indirect_dma semaphore(%arg25 : memref<!tpu.dma_semaphore, #tpu.memory_space<semaphore_mem>>) src(%arg13 : memref<80x128xf32, #tpu.memory_space<vmem>>) dst(%dma_wait3A_1121 : memref<10112x128xf32, #tpu.memory_space<vmem_shared>>)
      %lt3A_1122 = arith.constant 40 : i32
      %lt3A_1123 = arith.cmpi slt, %add3A_863, %lt3A_1122 : i32
      %convert_element_type3A_1124 = arith.extui %lt3A_1123 : i1 to i32
      %cond3A_1125 = arith.constant 0 : i32
      %cond3A_1126 = arith.cmpi ne, %convert_element_type3A_1124, %cond3A_1125 : i32
      scf.if %cond3A_1126 {
        %add3A_1127 = arith.constant 3 : i32
        %add3A_1128 = arith.addi %add3A_1116, %add3A_1127 : i32
        %mul3A_1129 = arith.constant 80 : i32
        %mul3A_1130 = arith.muli %add3A_1128, %mul3A_1129 : i32
        %add3A_1131 = arith.addi %mul3A_521, %mul3A_1130 : i32
        %dma_start3A_1132 = tpu.memref_slice %arg4[%add3A_1131] : memref<320000xi32, #tpu.memory_space<hbm>> -> memref<80xi32, #tpu.memory_space<hbm>>
        %dma_start3A_1133 = tpu.memref_slice %arg4[%add3A_1131] : memref<320000xi32, #tpu.memory_space<hbm>> -> memref<80xi32, #tpu.memory_space<hbm>>
        tpu.enqueue_dma source(%dma_start3A_1133 : memref<80xi32, #tpu.memory_space<hbm>>) target(%arg19 : memref<80xi32, #tpu.memory_space<vmem>>) target_semaphore(%arg31 : memref<!tpu.dma_semaphore, #tpu.memory_space<semaphore_mem>>)
        %add3A_1134 = arith.constant 3 : i32
        %add3A_1135 = arith.addi %add3A_1116, %add3A_1134 : i32
        %mul3A_1136 = arith.constant 80 : i32
        %mul3A_1137 = arith.muli %add3A_1135, %mul3A_1136 : i32
        %add3A_1138 = arith.addi %mul3A_521, %mul3A_1137 : i32
        %dma_wait3A_1139 = tpu.memref_slice %arg3[%add3A_1138] : memref<320000xi32, #tpu.memory_space<hbm>> -> memref<80xi32, #tpu.memory_space<hbm>>
        %dma_wait3A_1140 = tpu.memref_slice %arg3[%add3A_1138] : memref<320000xi32, #tpu.memory_space<hbm>> -> memref<80xi32, #tpu.memory_space<hbm>>
        tpu.wait_dma2 semaphore(%arg28 : memref<!tpu.dma_semaphore, #tpu.memory_space<semaphore_mem>>) src(%dma_wait3A_1140 : memref<80xi32, #tpu.memory_space<hbm>>) dst(%arg16 : memref<80xi32, #tpu.memory_space<vmem>>)
        %dma_start3A_1141 = arith.constant 0 : i32
        %dma_start3A_1142 = tpu.memref_slice %arg16[%dma_start3A_1141] : memref<80xi32, #tpu.memory_space<vmem>> -> memref<80xi32, #tpu.memory_space<vmem>>
        %dma_start3A_1143 = arith.constant 0 : i32
        %dma_start3A_1144 = arith.constant 0 : i32
        %dma_start3A_1145 = tpu.memref_slice %arg2[%dma_start3A_1143, %dma_start3A_1144] : memref<10000x128xf32, #tpu.memory_space<hbm>> -> memref<10000x128xf32, #tpu.memory_space<hbm>>
        tpu.enqueue_indirect_dma source(%dma_start3A_1145 : memref<10000x128xf32, #tpu.memory_space<hbm>>) target(%arg13 : memref<80x128xf32, #tpu.memory_space<vmem>>) offsets(%dma_start3A_1142 : memref<80xi32, #tpu.memory_space<vmem>>) semaphore(%arg22 : memref<!tpu.dma_semaphore, #tpu.memory_space<semaphore_mem>>)
      } else {
      }
    }
    %scan3A_577 = arith.constant 41 : i32
    %add3A_578 = arith.constant 9840 : i32
    %add3A_579 = arith.addi %mul3A_521, %add3A_578 : i32
    "tpu.region"() ({
      %run_scoped3A = tpu.sem_alloc : memref<!tpu.dma_semaphore, #tpu.memory_space<semaphore_mem>>
      %dma_start3A_859 = tpu.memref_slice %arg3[%add3A_579] : memref<320000xi32, #tpu.memory_space<hbm>> -> memref<80xi32, #tpu.memory_space<hbm>>
      %dma_start3A_860 = tpu.memref_slice %arg3[%add3A_579] : memref<320000xi32, #tpu.memory_space<hbm>> -> memref<80xi32, #tpu.memory_space<hbm>>
      tpu.enqueue_dma source(%dma_start3A_860 : memref<80xi32, #tpu.memory_space<hbm>>) target(%arg14 : memref<80xi32, #tpu.memory_space<vmem>>) target_semaphore(%run_scoped3A : memref<!tpu.dma_semaphore, #tpu.memory_space<semaphore_mem>>)
      %dma_wait3A_861 = tpu.memref_slice %arg3[%add3A_579] : memref<320000xi32, #tpu.memory_space<hbm>> -> memref<80xi32, #tpu.memory_space<hbm>>
      %dma_wait3A_862 = tpu.memref_slice %arg3[%add3A_579] : memref<320000xi32, #tpu.memory_space<hbm>> -> memref<80xi32, #tpu.memory_space<hbm>>
      tpu.wait_dma2 semaphore(%run_scoped3A : memref<!tpu.dma_semaphore, #tpu.memory_space<semaphore_mem>>) src(%dma_wait3A_862 : memref<80xi32, #tpu.memory_space<hbm>>) dst(%arg14 : memref<80xi32, #tpu.memory_space<vmem>>)
      tpu.yield
    }) : () -> ()
    %add3A_580 = arith.constant 9840 : i32
    %add3A_581 = arith.addi %mul3A_521, %add3A_580 : i32
    "tpu.region"() ({
      %run_scoped3A = tpu.sem_alloc : memref<!tpu.dma_semaphore, #tpu.memory_space<semaphore_mem>>
      %dma_start3A_859 = tpu.memref_slice %arg4[%add3A_581] : memref<320000xi32, #tpu.memory_space<hbm>> -> memref<80xi32, #tpu.memory_space<hbm>>
      %dma_start3A_860 = tpu.memref_slice %arg4[%add3A_581] : memref<320000xi32, #tpu.memory_space<hbm>> -> memref<80xi32, #tpu.memory_space<hbm>>
      tpu.enqueue_dma source(%dma_start3A_860 : memref<80xi32, #tpu.memory_space<hbm>>) target(%arg17 : memref<80xi32, #tpu.memory_space<vmem>>) target_semaphore(%run_scoped3A : memref<!tpu.dma_semaphore, #tpu.memory_space<semaphore_mem>>)
      %dma_wait3A_861 = tpu.memref_slice %arg4[%add3A_581] : memref<320000xi32, #tpu.memory_space<hbm>> -> memref<80xi32, #tpu.memory_space<hbm>>
      %dma_wait3A_862 = tpu.memref_slice %arg4[%add3A_581] : memref<320000xi32, #tpu.memory_space<hbm>> -> memref<80xi32, #tpu.memory_space<hbm>>
      tpu.wait_dma2 semaphore(%run_scoped3A : memref<!tpu.dma_semaphore, #tpu.memory_space<semaphore_mem>>) src(%dma_wait3A_862 : memref<80xi32, #tpu.memory_space<hbm>>) dst(%arg17 : memref<80xi32, #tpu.memory_space<vmem>>)
      tpu.yield
    }) : () -> ()
    "tpu.region"() ({
      %run_scoped3A = tpu.sem_alloc : memref<!tpu.dma_semaphore, #tpu.memory_space<semaphore_mem>>
      %dma_start3A_859 = arith.constant 0 : i32
      %dma_start3A_860 = tpu.memref_slice %arg14[%dma_start3A_859] : memref<80xi32, #tpu.memory_space<vmem>> -> memref<80xi32, #tpu.memory_space<vmem>>
      %dma_start3A_861 = arith.constant 0 : i32
      %dma_start3A_862 = arith.constant 0 : i32
      %dma_start3A_863 = tpu.memref_slice %arg2[%dma_start3A_861, %dma_start3A_862] : memref<10000x128xf32, #tpu.memory_space<hbm>> -> memref<10000x128xf32, #tpu.memory_space<hbm>>
      tpu.enqueue_indirect_dma source(%dma_start3A_863 : memref<10000x128xf32, #tpu.memory_space<hbm>>) target(%arg11 : memref<80x128xf32, #tpu.memory_space<vmem>>) offsets(%dma_start3A_860 : memref<80xi32, #tpu.memory_space<vmem>>) semaphore(%run_scoped3A : memref<!tpu.dma_semaphore, #tpu.memory_space<semaphore_mem>>)
      %dma_wait3A_864 = arith.constant 0 : i32
      %dma_wait3A_865 = tpu.memref_slice %arg14[%dma_wait3A_864] : memref<80xi32, #tpu.memory_space<vmem>> -> memref<80xi32, #tpu.memory_space<vmem>>
      %dma_wait3A_866 = arith.constant 0 : i32
      %dma_wait3A_867 = arith.constant 0 : i32
      %dma_wait3A_868 = tpu.memref_slice %arg2[%dma_wait3A_866, %dma_wait3A_867] : memref<10000x128xf32, #tpu.memory_space<hbm>> -> memref<10000x128xf32, #tpu.memory_space<hbm>>
      tpu.wait_indirect_dma semaphore(%run_scoped3A : memref<!tpu.dma_semaphore, #tpu.memory_space<semaphore_mem>>) src(%dma_wait3A_868 : memref<10000x128xf32, #tpu.memory_space<hbm>>) dst(%arg11 : memref<80x128xf32, #tpu.memory_space<vmem>>)
      tpu.yield
    }) : () -> ()
    "tpu.region"() ({
      %run_scoped3A = tpu.sem_alloc : memref<!tpu.dma_semaphore, #tpu.memory_space<semaphore_mem>>
      %dma_start3A_859 = arith.constant 0 : i32
      %dma_start3A_860 = tpu.memref_slice %arg17[%dma_start3A_859] : memref<80xi32, #tpu.memory_space<vmem>> -> memref<80xi32, #tpu.memory_space<vmem>>
      %dma_start3A_861 = arith.constant 0 : i32
      %dma_start3A_862 = arith.constant 0 : i32
      %dma_start3A_863 = tpu.memref_slice %arg9[%dma_start3A_861, %dma_start3A_862] : memref<10112x128xf32, #tpu.memory_space<vmem_shared>> -> memref<10112x128xf32, #tpu.memory_space<vmem_shared>>
      tpu.enqueue_indirect_dma source(%arg11 : memref<80x128xf32, #tpu.memory_space<vmem>>) target(%dma_start3A_863 : memref<10112x128xf32, #tpu.memory_space<vmem_shared>>) offsets(%dma_start3A_860 : memref<80xi32, #tpu.memory_space<vmem>>) semaphore(%run_scoped3A : memref<!tpu.dma_semaphore, #tpu.memory_space<semaphore_mem>>) {add = true}
      %dma_wait3A_864 = arith.constant 0 : i32
      %dma_wait3A_865 = tpu.memref_slice %arg17[%dma_wait3A_864] : memref<80xi32, #tpu.memory_space<vmem>> -> memref<80xi32, #tpu.memory_space<vmem>>
      %dma_wait3A_866 = arith.constant 0 : i32
      %dma_wait3A_867 = arith.constant 0 : i32
      %dma_wait3A_868 = tpu.memref_slice %arg9[%dma_wait3A_866, %dma_wait3A_867] : memref<10112x128xf32, #tpu.memory_space<vmem_shared>> -> memref<10112x128xf32, #tpu.memory_space<vmem_shared>>
      tpu.wait_indirect_dma semaphore(%run_scoped3A : memref<!tpu.dma_semaphore, #tpu.memory_space<semaphore_mem>>) src(%arg11 : memref<80x128xf32, #tpu.memory_space<vmem>>) dst(%dma_wait3A_868 : memref<10112x128xf32, #tpu.memory_space<vmem_shared>>)
      tpu.yield
    }) : () -> ()
    %get3A = arith.constant 0 : index
    %get3A_582 = tpu.vector_load %arg17[%get3A] {strides = array<i32>} : memref<80xi32, #tpu.memory_space<vmem>>, vector<16xi32>,
    %shift_right_logical3A = arith.constant 4 : i32
    %shift_right_logical3A_583 = vector.broadcast %shift_right_logical3A : i32 to vector<16xi32>
    %shift_right_logical3A_584 = arith.shrui %get3A_582, %shift_right_logical3A_583 : vector<16xi32>
    %and3A = arith.constant 15 : i32
    %and3A_585 = vector.broadcast %and3A : i32 to vector<16xi32>
    %and3A_586 = arith.andi %get3A_582, %and3A_585 : vector<16xi32>
    %broadcast_in_dim3A = arith.constant 1.000000e+00 : f32
    %broadcast_in_dim3A_587 = vector.broadcast %broadcast_in_dim3A : f32 to vector<16xf32>
    tpu.vector_store_idx %arg7[%shift_right_logical3A_584, %and3A_586], %broadcast_in_dim3A_587 {add = true} : memref<640x16xf32, #tpu.memory_space<vmem>>[vector<16xi32>, vector<16xi32>], vector<16xf32>,
    %get3A_588 = arith.constant 16 : index
    %get3A_589 = tpu.vector_load %arg17[%get3A_588] {strides = array<i32>} : memref<80xi32, #tpu.memory_space<vmem>>, vector<16xi32>,
    %shift_right_logical3A_590 = arith.constant 4 : i32
    %shift_right_logical3A_591 = vector.broadcast %shift_right_logical3A_590 : i32 to vector<16xi32>
    %shift_right_logical3A_592 = arith.shrui %get3A_589, %shift_right_logical3A_591 : vector<16xi32>
    %and3A_593 = arith.constant 15 : i32
    %and3A_594 = vector.broadcast %and3A_593 : i32 to vector<16xi32>
    %and3A_595 = arith.andi %get3A_589, %and3A_594 : vector<16xi32>
    %broadcast_in_dim3A_596 = arith.constant 1.000000e+00 : f32
    %broadcast_in_dim3A_597 = vector.broadcast %broadcast_in_dim3A_596 : f32 to vector<16xf32>
    tpu.vector_store_idx %arg7[%shift_right_logical3A_592, %and3A_595], %broadcast_in_dim3A_597 {add = true} : memref<640x16xf32, #tpu.memory_space<vmem>>[vector<16xi32>, vector<16xi32>], vector<16xf32>,
    %get3A_598 = arith.constant 32 : index
    %get3A_599 = tpu.vector_load %arg17[%get3A_598] {strides = array<i32>} : memref<80xi32, #tpu.memory_space<vmem>>, vector<16xi32>,
    %shift_right_logical3A_600 = arith.constant 4 : i32
    %shift_right_logical3A_601 = vector.broadcast %shift_right_logical3A_600 : i32 to vector<16xi32>
    %shift_right_logical3A_602 = arith.shrui %get3A_599, %shift_right_logical3A_601 : vector<16xi32>
    %and3A_603 = arith.constant 15 : i32
    %and3A_604 = vector.broadcast %and3A_603 : i32 to vector<16xi32>
    %and3A_605 = arith.andi %get3A_599, %and3A_604 : vector<16xi32>
    %broadcast_in_dim3A_606 = arith.constant 1.000000e+00 : f32
    %broadcast_in_dim3A_607 = vector.broadcast %broadcast_in_dim3A_606 : f32 to vector<16xf32>
    tpu.vector_store_idx %arg7[%shift_right_logical3A_602, %and3A_605], %broadcast_in_dim3A_607 {add = true} : memref<640x16xf32, #tpu.memory_space<vmem>>[vector<16xi32>, vector<16xi32>], vector<16xf32>,
    %get3A_608 = arith.constant 48 : index
    %get3A_609 = tpu.vector_load %arg17[%get3A_608] {strides = array<i32>} : memref<80xi32, #tpu.memory_space<vmem>>, vector<16xi32>,
    %shift_right_logical3A_610 = arith.constant 4 : i32
    %shift_right_logical3A_611 = vector.broadcast %shift_right_logical3A_610 : i32 to vector<16xi32>
    %shift_right_logical3A_612 = arith.shrui %get3A_609, %shift_right_logical3A_611 : vector<16xi32>
    %and3A_613 = arith.constant 15 : i32
    %and3A_614 = vector.broadcast %and3A_613 : i32 to vector<16xi32>
    %and3A_615 = arith.andi %get3A_609, %and3A_614 : vector<16xi32>
    %broadcast_in_dim3A_616 = arith.constant 1.000000e+00 : f32
    %broadcast_in_dim3A_617 = vector.broadcast %broadcast_in_dim3A_616 : f32 to vector<16xf32>
    tpu.vector_store_idx %arg7[%shift_right_logical3A_612, %and3A_615], %broadcast_in_dim3A_617 {add = true} : memref<640x16xf32, #tpu.memory_space<vmem>>[vector<16xi32>, vector<16xi32>], vector<16xf32>,
    %get3A_618 = arith.constant 64 : index
    %get3A_619 = tpu.vector_load %arg17[%get3A_618] {strides = array<i32>} : memref<80xi32, #tpu.memory_space<vmem>>, vector<16xi32>,
    %shift_right_logical3A_620 = arith.constant 4 : i32
    %shift_right_logical3A_621 = vector.broadcast %shift_right_logical3A_620 : i32 to vector<16xi32>
    %shift_right_logical3A_622 = arith.shrui %get3A_619, %shift_right_logical3A_621 : vector<16xi32>
    %and3A_623 = arith.constant 15 : i32
    %and3A_624 = vector.broadcast %and3A_623 : i32 to vector<16xi32>
    %and3A_625 = arith.andi %get3A_619, %and3A_624 : vector<16xi32>
    %broadcast_in_dim3A_626 = arith.constant 1.000000e+00 : f32
    %broadcast_in_dim3A_627 = vector.broadcast %broadcast_in_dim3A_626 : f32 to vector<16xf32>
    tpu.vector_store_idx %arg7[%shift_right_logical3A_622, %and3A_625], %broadcast_in_dim3A_627 {add = true} : memref<640x16xf32, #tpu.memory_space<vmem>>[vector<16xi32>, vector<16xi32>], vector<16xf32>,
    %add3A_628 = arith.constant 9920 : i32
    %add3A_629 = arith.addi %mul3A_521, %add3A_628 : i32
    "tpu.region"() ({
      %run_scoped3A = tpu.sem_alloc : memref<!tpu.dma_semaphore, #tpu.memory_space<semaphore_mem>>
      %dma_start3A_859 = tpu.memref_slice %arg3[%add3A_629] : memref<320000xi32, #tpu.memory_space<hbm>> -> memref<80xi32, #tpu.memory_space<hbm>>
      %dma_start3A_860 = tpu.memref_slice %arg3[%add3A_629] : memref<320000xi32, #tpu.memory_space<hbm>> -> memref<80xi32, #tpu.memory_space<hbm>>
      tpu.enqueue_dma source(%dma_start3A_860 : memref<80xi32, #tpu.memory_space<hbm>>) target(%arg14 : memref<80xi32, #tpu.memory_space<vmem>>) target_semaphore(%run_scoped3A : memref<!tpu.dma_semaphore, #tpu.memory_space<semaphore_mem>>)
      %dma_wait3A_861 = tpu.memref_slice %arg3[%add3A_629] : memref<320000xi32, #tpu.memory_space<hbm>> -> memref<80xi32, #tpu.memory_space<hbm>>
      %dma_wait3A_862 = tpu.memref_slice %arg3[%add3A_629] : memref<320000xi32, #tpu.memory_space<hbm>> -> memref<80xi32, #tpu.memory_space<hbm>>
      tpu.wait_dma2 semaphore(%run_scoped3A : memref<!tpu.dma_semaphore, #tpu.memory_space<semaphore_mem>>) src(%dma_wait3A_862 : memref<80xi32, #tpu.memory_space<hbm>>) dst(%arg14 : memref<80xi32, #tpu.memory_space<vmem>>)
      tpu.yield
    }) : () -> ()
    %add3A_630 = arith.constant 9920 : i32
    %add3A_631 = arith.addi %mul3A_521, %add3A_630 : i32
    "tpu.region"() ({
      %run_scoped3A = tpu.sem_alloc : memref<!tpu.dma_semaphore, #tpu.memory_space<semaphore_mem>>
      %dma_start3A_859 = tpu.memref_slice %arg4[%add3A_631] : memref<320000xi32, #tpu.memory_space<hbm>> -> memref<80xi32, #tpu.memory_space<hbm>>
      %dma_start3A_860 = tpu.memref_slice %arg4[%add3A_631] : memref<320000xi32, #tpu.memory_space<hbm>> -> memref<80xi32, #tpu.memory_space<hbm>>
      tpu.enqueue_dma source(%dma_start3A_860 : memref<80xi32, #tpu.memory_space<hbm>>) target(%arg17 : memref<80xi32, #tpu.memory_space<vmem>>) target_semaphore(%run_scoped3A : memref<!tpu.dma_semaphore, #tpu.memory_space<semaphore_mem>>)
      %dma_wait3A_861 = tpu.memref_slice %arg4[%add3A_631] : memref<320000xi32, #tpu.memory_space<hbm>> -> memref<80xi32, #tpu.memory_space<hbm>>
      %dma_wait3A_862 = tpu.memref_slice %arg4[%add3A_631] : memref<320000xi32, #tpu.memory_space<hbm>> -> memref<80xi32, #tpu.memory_space<hbm>>
      tpu.wait_dma2 semaphore(%run_scoped3A : memref<!tpu.dma_semaphore, #tpu.memory_space<semaphore_mem>>) src(%dma_wait3A_862 : memref<80xi32, #tpu.memory_space<hbm>>) dst(%arg17 : memref<80xi32, #tpu.memory_space<vmem>>)
      tpu.yield
    }) : () -> ()
    "tpu.region"() ({
      %run_scoped3A = tpu.sem_alloc : memref<!tpu.dma_semaphore, #tpu.memory_space<semaphore_mem>>
      %dma_start3A_859 = arith.constant 0 : i32
      %dma_start3A_860 = tpu.memref_slice %arg14[%dma_start3A_859] : memref<80xi32, #tpu.memory_space<vmem>> -> memref<80xi32, #tpu.memory_space<vmem>>
      %dma_start3A_861 = arith.constant 0 : i32
      %dma_start3A_862 = arith.constant 0 : i32
      %dma_start3A_863 = tpu.memref_slice %arg2[%dma_start3A_861, %dma_start3A_862] : memref<10000x128xf32, #tpu.memory_space<hbm>> -> memref<10000x128xf32, #tpu.memory_space<hbm>>
      tpu.enqueue_indirect_dma source(%dma_start3A_863 : memref<10000x128xf32, #tpu.memory_space<hbm>>) target(%arg11 : memref<80x128xf32, #tpu.memory_space<vmem>>) offsets(%dma_start3A_860 : memref<80xi32, #tpu.memory_space<vmem>>) semaphore(%run_scoped3A : memref<!tpu.dma_semaphore, #tpu.memory_space<semaphore_mem>>)
      %dma_wait3A_864 = arith.constant 0 : i32
      %dma_wait3A_865 = tpu.memref_slice %arg14[%dma_wait3A_864] : memref<80xi32, #tpu.memory_space<vmem>> -> memref<80xi32, #tpu.memory_space<vmem>>
      %dma_wait3A_866 = arith.constant 0 : i32
      %dma_wait3A_867 = arith.constant 0 : i32
      %dma_wait3A_868 = tpu.memref_slice %arg2[%dma_wait3A_866, %dma_wait3A_867] : memref<10000x128xf32, #tpu.memory_space<hbm>> -> memref<10000x128xf32, #tpu.memory_space<hbm>>
      tpu.wait_indirect_dma semaphore(%run_scoped3A : memref<!tpu.dma_semaphore, #tpu.memory_space<semaphore_mem>>) src(%dma_wait3A_868 : memref<10000x128xf32, #tpu.memory_space<hbm>>) dst(%arg11 : memref<80x128xf32, #tpu.memory_space<vmem>>)
      tpu.yield
    }) : () -> ()
    "tpu.region"() ({
      %run_scoped3A = tpu.sem_alloc : memref<!tpu.dma_semaphore, #tpu.memory_space<semaphore_mem>>
      %dma_start3A_859 = arith.constant 0 : i32
      %dma_start3A_860 = tpu.memref_slice %arg17[%dma_start3A_859] : memref<80xi32, #tpu.memory_space<vmem>> -> memref<80xi32, #tpu.memory_space<vmem>>
      %dma_start3A_861 = arith.constant 0 : i32
      %dma_start3A_862 = arith.constant 0 : i32
      %dma_start3A_863 = tpu.memref_slice %arg9[%dma_start3A_861, %dma_start3A_862] : memref<10112x128xf32, #tpu.memory_space<vmem_shared>> -> memref<10112x128xf32, #tpu.memory_space<vmem_shared>>
      tpu.enqueue_indirect_dma source(%arg11 : memref<80x128xf32, #tpu.memory_space<vmem>>) target(%dma_start3A_863 : memref<10112x128xf32, #tpu.memory_space<vmem_shared>>) offsets(%dma_start3A_860 : memref<80xi32, #tpu.memory_space<vmem>>) semaphore(%run_scoped3A : memref<!tpu.dma_semaphore, #tpu.memory_space<semaphore_mem>>) {add = true}
      %dma_wait3A_864 = arith.constant 0 : i32
      %dma_wait3A_865 = tpu.memref_slice %arg17[%dma_wait3A_864] : memref<80xi32, #tpu.memory_space<vmem>> -> memref<80xi32, #tpu.memory_space<vmem>>
      %dma_wait3A_866 = arith.constant 0 : i32
      %dma_wait3A_867 = arith.constant 0 : i32
      %dma_wait3A_868 = tpu.memref_slice %arg9[%dma_wait3A_866, %dma_wait3A_867] : memref<10112x128xf32, #tpu.memory_space<vmem_shared>> -> memref<10112x128xf32, #tpu.memory_space<vmem_shared>>
      tpu.wait_indirect_dma semaphore(%run_scoped3A : memref<!tpu.dma_semaphore, #tpu.memory_space<semaphore_mem>>) src(%arg11 : memref<80x128xf32, #tpu.memory_space<vmem>>) dst(%dma_wait3A_868 : memref<10112x128xf32, #tpu.memory_space<vmem_shared>>)
      tpu.yield
    }) : () -> ()
    %get3A_632 = arith.constant 0 : index
    %get3A_633 = tpu.vector_load %arg17[%get3A_632] {strides = array<i32>} : memref<80xi32, #tpu.memory_space<vmem>>, vector<16xi32>,
    %shift_right_logical3A_634 = arith.constant 4 : i32
    %shift_right_logical3A_635 = vector.broadcast %shift_right_logical3A_634 : i32 to vector<16xi32>
    %shift_right_logical3A_636 = arith.shrui %get3A_633, %shift_right_logical3A_635 : vector<16xi32>
    %and3A_637 = arith.constant 15 : i32
    %and3A_638 = vector.broadcast %and3A_637 : i32 to vector<16xi32>
    %and3A_639 = arith.andi %get3A_633, %and3A_638 : vector<16xi32>
    %broadcast_in_dim3A_640 = arith.constant 1.000000e+00 : f32
    %broadcast_in_dim3A_641 = vector.broadcast %broadcast_in_dim3A_640 : f32 to vector<16xf32>
    tpu.vector_store_idx %arg7[%shift_right_logical3A_636, %and3A_639], %broadcast_in_dim3A_641 {add = true} : memref<640x16xf32, #tpu.memory_space<vmem>>[vector<16xi32>, vector<16xi32>], vector<16xf32>,
    %get3A_642 = arith.constant 16 : index
    %get3A_643 = tpu.vector_load %arg17[%get3A_642] {strides = array<i32>} : memref<80xi32, #tpu.memory_space<vmem>>, vector<16xi32>,
    %shift_right_logical3A_644 = arith.constant 4 : i32
    %shift_right_logical3A_645 = vector.broadcast %shift_right_logical3A_644 : i32 to vector<16xi32>
    %shift_right_logical3A_646 = arith.shrui %get3A_643, %shift_right_logical3A_645 : vector<16xi32>
    %and3A_647 = arith.constant 15 : i32
    %and3A_648 = vector.broadcast %and3A_647 : i32 to vector<16xi32>
    %and3A_649 = arith.andi %get3A_643, %and3A_648 : vector<16xi32>
    %broadcast_in_dim3A_650 = arith.constant 1.000000e+00 : f32
    %broadcast_in_dim3A_651 = vector.broadcast %broadcast_in_dim3A_650 : f32 to vector<16xf32>
    tpu.vector_store_idx %arg7[%shift_right_logical3A_646, %and3A_649], %broadcast_in_dim3A_651 {add = true} : memref<640x16xf32, #tpu.memory_space<vmem>>[vector<16xi32>, vector<16xi32>], vector<16xf32>,
    %get3A_652 = arith.constant 32 : index
    %get3A_653 = tpu.vector_load %arg17[%get3A_652] {strides = array<i32>} : memref<80xi32, #tpu.memory_space<vmem>>, vector<16xi32>,
    %shift_right_logical3A_654 = arith.constant 4 : i32
    %shift_right_logical3A_655 = vector.broadcast %shift_right_logical3A_654 : i32 to vector<16xi32>
    %shift_right_logical3A_656 = arith.shrui %get3A_653, %shift_right_logical3A_655 : vector<16xi32>
    %and3A_657 = arith.constant 15 : i32
    %and3A_658 = vector.broadcast %and3A_657 : i32 to vector<16xi32>
    %and3A_659 = arith.andi %get3A_653, %and3A_658 : vector<16xi32>
    %broadcast_in_dim3A_660 = arith.constant 1.000000e+00 : f32
    %broadcast_in_dim3A_661 = vector.broadcast %broadcast_in_dim3A_660 : f32 to vector<16xf32>
    tpu.vector_store_idx %arg7[%shift_right_logical3A_656, %and3A_659], %broadcast_in_dim3A_661 {add = true} : memref<640x16xf32, #tpu.memory_space<vmem>>[vector<16xi32>, vector<16xi32>], vector<16xf32>,
    %get3A_662 = arith.constant 48 : index
    %get3A_663 = tpu.vector_load %arg17[%get3A_662] {strides = array<i32>} : memref<80xi32, #tpu.memory_space<vmem>>, vector<16xi32>,
    %shift_right_logical3A_664 = arith.constant 4 : i32
    %shift_right_logical3A_665 = vector.broadcast %shift_right_logical3A_664 : i32 to vector<16xi32>
    %shift_right_logical3A_666 = arith.shrui %get3A_663, %shift_right_logical3A_665 : vector<16xi32>
    %and3A_667 = arith.constant 15 : i32
    %and3A_668 = vector.broadcast %and3A_667 : i32 to vector<16xi32>
    %and3A_669 = arith.andi %get3A_663, %and3A_668 : vector<16xi32>
    %broadcast_in_dim3A_670 = arith.constant 1.000000e+00 : f32
    %broadcast_in_dim3A_671 = vector.broadcast %broadcast_in_dim3A_670 : f32 to vector<16xf32>
    tpu.vector_store_idx %arg7[%shift_right_logical3A_666, %and3A_669], %broadcast_in_dim3A_671 {add = true} : memref<640x16xf32, #tpu.memory_space<vmem>>[vector<16xi32>, vector<16xi32>], vector<16xf32>,
    %get3A_672 = arith.constant 64 : index
    %get3A_673 = tpu.vector_load %arg17[%get3A_672] {strides = array<i32>} : memref<80xi32, #tpu.memory_space<vmem>>, vector<16xi32>,
    %shift_right_logical3A_674 = arith.constant 4 : i32
    %shift_right_logical3A_675 = vector.broadcast %shift_right_logical3A_674 : i32 to vector<16xi32>
    %shift_right_logical3A_676 = arith.shrui %get3A_673, %shift_right_logical3A_675 : vector<16xi32>
    %and3A_677 = arith.constant 15 : i32
    %and3A_678 = vector.broadcast %and3A_677 : i32 to vector<16xi32>
    %and3A_679 = arith.andi %get3A_673, %and3A_678 : vector<16xi32>
    %broadcast_in_dim3A_680 = arith.constant 1.000000e+00 : f32
    %broadcast_in_dim3A_681 = vector.broadcast %broadcast_in_dim3A_680 : f32 to vector<16xf32>
    tpu.vector_store_idx %arg7[%shift_right_logical3A_676, %and3A_679], %broadcast_in_dim3A_681 {add = true} : memref<640x16xf32, #tpu.memory_space<vmem>>[vector<16xi32>, vector<16xi32>], vector<16xf32>,
    %barrier3A_682 = arith.constant 0 : index
    tpu.barrier barrier_id(%barrier3A_682)
    %dma_start3A_683 = arith.constant 0 : i32
    %dma_start3A_684 = arith.constant 0 : i32
    %dma_start3A_685 = arith.constant 0 : i32
    %dma_start3A_686 = tpu.memref_slice %arg7[%dma_start3A_684, %dma_start3A_685] : memref<640x16xf32, #tpu.memory_space<vmem>> -> memref<128x16xf32, #tpu.memory_space<vmem>>
    %dma_start3A_687 = arith.constant 0 : i32
    %dma_start3A_688 = tpu.memref_slice %arg8[%dma_start3A_683, %dma_start3A_687] : memref<5x128xi32, #tpu.memory_space<vmem>> -> memref<1x128xi32, #tpu.memory_space<vmem>>
    %dma_start3A_689 = tpu.memref_squeeze %dma_start3A_688 : memref<1x128xi32, #tpu.memory_space<vmem>> -> memref<128xi32, #tpu.memory_space<vmem>>
    %dma_start3A_690 = arith.constant 0 : i32
    %dma_start3A_691 = arith.constant 0 : i32
    %dma_start3A_692 = tpu.memref_slice %arg10[%dma_start3A_690, %dma_start3A_691] : memref<640x16xf32, #tpu.memory_space<vmem_shared>> -> memref<640x16xf32, #tpu.memory_space<vmem_shared>>
    tpu.enqueue_indirect_dma source(%dma_start3A_686 : memref<128x16xf32, #tpu.memory_space<vmem>>) target(%dma_start3A_692 : memref<640x16xf32, #tpu.memory_space<vmem_shared>>) offsets(%dma_start3A_689 : memref<128xi32, #tpu.memory_space<vmem>>) semaphore(%arg20 : memref<!tpu.dma_semaphore, #tpu.memory_space<semaphore_mem>>) {add = true}
    %dma_start3A_693 = arith.constant 1 : i32
    %dma_start3A_694 = arith.constant 128 : i32
    %dma_start3A_695 = arith.constant 0 : i32
    %dma_start3A_696 = tpu.memref_slice %arg7[%dma_start3A_694, %dma_start3A_695] : memref<640x16xf32, #tpu.memory_space<vmem>> -> memref<128x16xf32, #tpu.memory_space<vmem>>
    %dma_start3A_697 = arith.constant 0 : i32
    %dma_start3A_698 = tpu.memref_slice %arg8[%dma_start3A_693, %dma_start3A_697] : memref<5x128xi32, #tpu.memory_space<vmem>> -> memref<1x128xi32, #tpu.memory_space<vmem>>
    %dma_start3A_699 = tpu.memref_squeeze %dma_start3A_698 : memref<1x128xi32, #tpu.memory_space<vmem>> -> memref<128xi32, #tpu.memory_space<vmem>>
    %dma_start3A_700 = arith.constant 0 : i32
    %dma_start3A_701 = arith.constant 0 : i32
    %dma_start3A_702 = tpu.memref_slice %arg10[%dma_start3A_700, %dma_start3A_701] : memref<640x16xf32, #tpu.memory_space<vmem_shared>> -> memref<640x16xf32, #tpu.memory_space<vmem_shared>>
    tpu.enqueue_indirect_dma source(%dma_start3A_696 : memref<128x16xf32, #tpu.memory_space<vmem>>) target(%dma_start3A_702 : memref<640x16xf32, #tpu.memory_space<vmem_shared>>) offsets(%dma_start3A_699 : memref<128xi32, #tpu.memory_space<vmem>>) semaphore(%arg21 : memref<!tpu.dma_semaphore, #tpu.memory_space<semaphore_mem>>) {add = true}
    %dma_start3A_703 = arith.constant 2 : i32
    %dma_start3A_704 = arith.constant 256 : i32
    %dma_start3A_705 = arith.constant 0 : i32
    %dma_start3A_706 = tpu.memref_slice %arg7[%dma_start3A_704, %dma_start3A_705] : memref<640x16xf32, #tpu.memory_space<vmem>> -> memref<128x16xf32, #tpu.memory_space<vmem>>
    %dma_start3A_707 = arith.constant 0 : i32
    %dma_start3A_708 = tpu.memref_slice %arg8[%dma_start3A_703, %dma_start3A_707] : memref<5x128xi32, #tpu.memory_space<vmem>> -> memref<1x128xi32, #tpu.memory_space<vmem>>
    %dma_start3A_709 = tpu.memref_squeeze %dma_start3A_708 : memref<1x128xi32, #tpu.memory_space<vmem>> -> memref<128xi32, #tpu.memory_space<vmem>>
    %dma_start3A_710 = arith.constant 0 : i32
    %dma_start3A_711 = arith.constant 0 : i32
    %dma_start3A_712 = tpu.memref_slice %arg10[%dma_start3A_710, %dma_start3A_711] : memref<640x16xf32, #tpu.memory_space<vmem_shared>> -> memref<640x16xf32, #tpu.memory_space<vmem_shared>>
    tpu.enqueue_indirect_dma source(%dma_start3A_706 : memref<128x16xf32, #tpu.memory_space<vmem>>) target(%dma_start3A_712 : memref<640x16xf32, #tpu.memory_space<vmem_shared>>) offsets(%dma_start3A_709 : memref<128xi32, #tpu.memory_space<vmem>>) semaphore(%arg22 : memref<!tpu.dma_semaphore, #tpu.memory_space<semaphore_mem>>) {add = true}
    %dma_start3A_713 = arith.constant 3 : i32
    %dma_start3A_714 = arith.constant 384 : i32
    %dma_start3A_715 = arith.constant 0 : i32
    %dma_start3A_716 = tpu.memref_slice %arg7[%dma_start3A_714, %dma_start3A_715] : memref<640x16xf32, #tpu.memory_space<vmem>> -> memref<128x16xf32, #tpu.memory_space<vmem>>
    %dma_start3A_717 = arith.constant 0 : i32
    %dma_start3A_718 = tpu.memref_slice %arg8[%dma_start3A_713, %dma_start3A_717] : memref<5x128xi32, #tpu.memory_space<vmem>> -> memref<1x128xi32, #tpu.memory_space<vmem>>
    %dma_start3A_719 = tpu.memref_squeeze %dma_start3A_718 : memref<1x128xi32, #tpu.memory_space<vmem>> -> memref<128xi32, #tpu.memory_space<vmem>>
    %dma_start3A_720 = arith.constant 0 : i32
    %dma_start3A_721 = arith.constant 0 : i32
    %dma_start3A_722 = tpu.memref_slice %arg10[%dma_start3A_720, %dma_start3A_721] : memref<640x16xf32, #tpu.memory_space<vmem_shared>> -> memref<640x16xf32, #tpu.memory_space<vmem_shared>>
    tpu.enqueue_indirect_dma source(%dma_start3A_716 : memref<128x16xf32, #tpu.memory_space<vmem>>) target(%dma_start3A_722 : memref<640x16xf32, #tpu.memory_space<vmem_shared>>) offsets(%dma_start3A_719 : memref<128xi32, #tpu.memory_space<vmem>>) semaphore(%arg23 : memref<!tpu.dma_semaphore, #tpu.memory_space<semaphore_mem>>) {add = true}
    %dma_start3A_723 = arith.constant 4 : i32
    %dma_start3A_724 = arith.constant 512 : i32
    %dma_start3A_725 = arith.constant 0 : i32
    %dma_start3A_726 = tpu.memref_slice %arg7[%dma_start3A_724, %dma_start3A_725] : memref<640x16xf32, #tpu.memory_space<vmem>> -> memref<128x16xf32, #tpu.memory_space<vmem>>
    %dma_start3A_727 = arith.constant 0 : i32
    %dma_start3A_728 = tpu.memref_slice %arg8[%dma_start3A_723, %dma_start3A_727] : memref<5x128xi32, #tpu.memory_space<vmem>> -> memref<1x128xi32, #tpu.memory_space<vmem>>
    %dma_start3A_729 = tpu.memref_squeeze %dma_start3A_728 : memref<1x128xi32, #tpu.memory_space<vmem>> -> memref<128xi32, #tpu.memory_space<vmem>>
    %dma_start3A_730 = arith.constant 0 : i32
    %dma_start3A_731 = arith.constant 0 : i32
    %dma_start3A_732 = tpu.memref_slice %arg10[%dma_start3A_730, %dma_start3A_731] : memref<640x16xf32, #tpu.memory_space<vmem_shared>> -> memref<640x16xf32, #tpu.memory_space<vmem_shared>>
    tpu.enqueue_indirect_dma source(%dma_start3A_726 : memref<128x16xf32, #tpu.memory_space<vmem>>) target(%dma_start3A_732 : memref<640x16xf32, #tpu.memory_space<vmem_shared>>) offsets(%dma_start3A_729 : memref<128xi32, #tpu.memory_space<vmem>>) semaphore(%arg24 : memref<!tpu.dma_semaphore, #tpu.memory_space<semaphore_mem>>) {add = true}
    %dma_wait3A_733 = arith.constant 0 : i32
    %dma_wait3A_734 = arith.constant 0 : i32
    %dma_wait3A_735 = arith.constant 0 : i32
    %dma_wait3A_736 = tpu.memref_slice %arg7[%dma_wait3A_734, %dma_wait3A_735] : memref<640x16xf32, #tpu.memory_space<vmem>> -> memref<128x16xf32, #tpu.memory_space<vmem>>
    %dma_wait3A_737 = arith.constant 0 : i32
    %dma_wait3A_738 = tpu.memref_slice %arg8[%dma_wait3A_733, %dma_wait3A_737] : memref<5x128xi32, #tpu.memory_space<vmem>> -> memref<1x128xi32, #tpu.memory_space<vmem>>
    %dma_wait3A_739 = tpu.memref_squeeze %dma_wait3A_738 : memref<1x128xi32, #tpu.memory_space<vmem>> -> memref<128xi32, #tpu.memory_space<vmem>>
    %dma_wait3A_740 = arith.constant 0 : i32
    %dma_wait3A_741 = arith.constant 0 : i32
    %dma_wait3A_742 = tpu.memref_slice %arg10[%dma_wait3A_740, %dma_wait3A_741] : memref<640x16xf32, #tpu.memory_space<vmem_shared>> -> memref<640x16xf32, #tpu.memory_space<vmem_shared>>
    tpu.wait_indirect_dma semaphore(%arg20 : memref<!tpu.dma_semaphore, #tpu.memory_space<semaphore_mem>>) src(%dma_wait3A_736 : memref<128x16xf32, #tpu.memory_space<vmem>>) dst(%dma_wait3A_742 : memref<640x16xf32, #tpu.memory_space<vmem_shared>>)
    %dma_wait3A_743 = arith.constant 1 : i32
    %dma_wait3A_744 = arith.constant 128 : i32
    %dma_wait3A_745 = arith.constant 0 : i32
    %dma_wait3A_746 = tpu.memref_slice %arg7[%dma_wait3A_744, %dma_wait3A_745] : memref<640x16xf32, #tpu.memory_space<vmem>> -> memref<128x16xf32, #tpu.memory_space<vmem>>
    %dma_wait3A_747 = arith.constant 0 : i32
    %dma_wait3A_748 = tpu.memref_slice %arg8[%dma_wait3A_743, %dma_wait3A_747] : memref<5x128xi32, #tpu.memory_space<vmem>> -> memref<1x128xi32, #tpu.memory_space<vmem>>
    %dma_wait3A_749 = tpu.memref_squeeze %dma_wait3A_748 : memref<1x128xi32, #tpu.memory_space<vmem>> -> memref<128xi32, #tpu.memory_space<vmem>>
    %dma_wait3A_750 = arith.constant 0 : i32
    %dma_wait3A_751 = arith.constant 0 : i32
    %dma_wait3A_752 = tpu.memref_slice %arg10[%dma_wait3A_750, %dma_wait3A_751] : memref<640x16xf32, #tpu.memory_space<vmem_shared>> -> memref<640x16xf32, #tpu.memory_space<vmem_shared>>
    tpu.wait_indirect_dma semaphore(%arg21 : memref<!tpu.dma_semaphore, #tpu.memory_space<semaphore_mem>>) src(%dma_wait3A_746 : memref<128x16xf32, #tpu.memory_space<vmem>>) dst(%dma_wait3A_752 : memref<640x16xf32, #tpu.memory_space<vmem_shared>>)
    %dma_wait3A_753 = arith.constant 2 : i32
    %dma_wait3A_754 = arith.constant 256 : i32
    %dma_wait3A_755 = arith.constant 0 : i32
    %dma_wait3A_756 = tpu.memref_slice %arg7[%dma_wait3A_754, %dma_wait3A_755] : memref<640x16xf32, #tpu.memory_space<vmem>> -> memref<128x16xf32, #tpu.memory_space<vmem>>
    %dma_wait3A_757 = arith.constant 0 : i32
    %dma_wait3A_758 = tpu.memref_slice %arg8[%dma_wait3A_753, %dma_wait3A_757] : memref<5x128xi32, #tpu.memory_space<vmem>> -> memref<1x128xi32, #tpu.memory_space<vmem>>
    %dma_wait3A_759 = tpu.memref_squeeze %dma_wait3A_758 : memref<1x128xi32, #tpu.memory_space<vmem>> -> memref<128xi32, #tpu.memory_space<vmem>>
    %dma_wait3A_760 = arith.constant 0 : i32
    %dma_wait3A_761 = arith.constant 0 : i32
    %dma_wait3A_762 = tpu.memref_slice %arg10[%dma_wait3A_760, %dma_wait3A_761] : memref<640x16xf32, #tpu.memory_space<vmem_shared>> -> memref<640x16xf32, #tpu.memory_space<vmem_shared>>
    tpu.wait_indirect_dma semaphore(%arg22 : memref<!tpu.dma_semaphore, #tpu.memory_space<semaphore_mem>>) src(%dma_wait3A_756 : memref<128x16xf32, #tpu.memory_space<vmem>>) dst(%dma_wait3A_762 : memref<640x16xf32, #tpu.memory_space<vmem_shared>>)
    %dma_wait3A_763 = arith.constant 3 : i32
    %dma_wait3A_764 = arith.constant 384 : i32
    %dma_wait3A_765 = arith.constant 0 : i32
    %dma_wait3A_766 = tpu.memref_slice %arg7[%dma_wait3A_764, %dma_wait3A_765] : memref<640x16xf32, #tpu.memory_space<vmem>> -> memref<128x16xf32, #tpu.memory_space<vmem>>
    %dma_wait3A_767 = arith.constant 0 : i32
    %dma_wait3A_768 = tpu.memref_slice %arg8[%dma_wait3A_763, %dma_wait3A_767] : memref<5x128xi32, #tpu.memory_space<vmem>> -> memref<1x128xi32, #tpu.memory_space<vmem>>
    %dma_wait3A_769 = tpu.memref_squeeze %dma_wait3A_768 : memref<1x128xi32, #tpu.memory_space<vmem>> -> memref<128xi32, #tpu.memory_space<vmem>>
    %dma_wait3A_770 = arith.constant 0 : i32
    %dma_wait3A_771 = arith.constant 0 : i32
    %dma_wait3A_772 = tpu.memref_slice %arg10[%dma_wait3A_770, %dma_wait3A_771] : memref<640x16xf32, #tpu.memory_space<vmem_shared>> -> memref<640x16xf32, #tpu.memory_space<vmem_shared>>
    tpu.wait_indirect_dma semaphore(%arg23 : memref<!tpu.dma_semaphore, #tpu.memory_space<semaphore_mem>>) src(%dma_wait3A_766 : memref<128x16xf32, #tpu.memory_space<vmem>>) dst(%dma_wait3A_772 : memref<640x16xf32, #tpu.memory_space<vmem_shared>>)
    %dma_wait3A_773 = arith.constant 4 : i32
    %dma_wait3A_774 = arith.constant 512 : i32
    %dma_wait3A_775 = arith.constant 0 : i32
    %dma_wait3A_776 = tpu.memref_slice %arg7[%dma_wait3A_774, %dma_wait3A_775] : memref<640x16xf32, #tpu.memory_space<vmem>> -> memref<128x16xf32, #tpu.memory_space<vmem>>
    %dma_wait3A_777 = arith.constant 0 : i32
    %dma_wait3A_778 = tpu.memref_slice %arg8[%dma_wait3A_773, %dma_wait3A_777] : memref<5x128xi32, #tpu.memory_space<vmem>> -> memref<1x128xi32, #tpu.memory_space<vmem>>
    %dma_wait3A_779 = tpu.memref_squeeze %dma_wait3A_778 : memref<1x128xi32, #tpu.memory_space<vmem>> -> memref<128xi32, #tpu.memory_space<vmem>>
    %dma_wait3A_780 = arith.constant 0 : i32
    %dma_wait3A_781 = arith.constant 0 : i32
    %dma_wait3A_782 = tpu.memref_slice %arg10[%dma_wait3A_780, %dma_wait3A_781] : memref<640x16xf32, #tpu.memory_space<vmem_shared>> -> memref<640x16xf32, #tpu.memory_space<vmem_shared>>
    tpu.wait_indirect_dma semaphore(%arg24 : memref<!tpu.dma_semaphore, #tpu.memory_space<semaphore_mem>>) src(%dma_wait3A_776 : memref<128x16xf32, #tpu.memory_space<vmem>>) dst(%dma_wait3A_782 : memref<640x16xf32, #tpu.memory_space<vmem_shared>>)
    %barrier3A_783 = arith.constant 0 : index
    tpu.barrier barrier_id(%barrier3A_783)
    %mul3A_784 = arith.constant 632 : i32
    %mul3A_785 = arith.muli %arg1, %mul3A_784 : i32
    %add3A_786 = arith.constant 0 : i32
    %add3A_787 = arith.addi %mul3A_785, %add3A_786 : i32
    %dma_start3A_788 = arith.constant 0 : i32
    %dma_start3A_789 = tpu.memref_slice %arg5[%arg0, %add3A_787, %dma_start3A_788] : memref<2x10112x128xf32, #tpu.memory_space<hbm>> -> memref<1x128x128xf32, #tpu.memory_space<hbm>>
    %dma_start3A_790 = tpu.memref_squeeze %dma_start3A_789 : memref<1x128x128xf32, #tpu.memory_space<hbm>> -> memref<128x128xf32, #tpu.memory_space<hbm>>
    %dma_start3A_791 = arith.constant 0 : i32
    %dma_start3A_792 = tpu.memref_slice %arg9[%add3A_787, %dma_start3A_791] : memref<10112x128xf32, #tpu.memory_space<vmem_shared>> -> memref<128x128xf32, #tpu.memory_space<vmem_shared>>
    tpu.enqueue_dma source(%dma_start3A_792 : memref<128x128xf32, #tpu.memory_space<vmem_shared>>) target(%dma_start3A_790 : memref<128x128xf32, #tpu.memory_space<hbm>>) target_semaphore(%arg20 : memref<!tpu.dma_semaphore, #tpu.memory_space<semaphore_mem>>)
    %mul3A_793 = arith.constant 632 : i32
    %mul3A_794 = arith.muli %arg1, %mul3A_793 : i32
    %add3A_795 = arith.constant 128 : i32
    %add3A_796 = arith.addi %mul3A_794, %add3A_795 : i32
    %dma_start3A_797 = arith.constant 0 : i32
    %dma_start3A_798 = tpu.memref_slice %arg5[%arg0, %add3A_796, %dma_start3A_797] : memref<2x10112x128xf32, #tpu.memory_space<hbm>> -> memref<1x128x128xf32, #tpu.memory_space<hbm>>
    %dma_start3A_799 = tpu.memref_squeeze %dma_start3A_798 : memref<1x128x128xf32, #tpu.memory_space<hbm>> -> memref<128x128xf32, #tpu.memory_space<hbm>>
    %dma_start3A_800 = arith.constant 0 : i32
    %dma_start3A_801 = tpu.memref_slice %arg9[%add3A_796, %dma_start3A_800] : memref<10112x128xf32, #tpu.memory_space<vmem_shared>> -> memref<128x128xf32, #tpu.memory_space<vmem_shared>>
    tpu.enqueue_dma source(%dma_start3A_801 : memref<128x128xf32, #tpu.memory_space<vmem_shared>>) target(%dma_start3A_799 : memref<128x128xf32, #tpu.memory_space<hbm>>) target_semaphore(%arg21 : memref<!tpu.dma_semaphore, #tpu.memory_space<semaphore_mem>>)
    %mul3A_802 = arith.constant 632 : i32
    %mul3A_803 = arith.muli %arg1, %mul3A_802 : i32
    %add3A_804 = arith.constant 256 : i32
    %add3A_805 = arith.addi %mul3A_803, %add3A_804 : i32
    %dma_start3A_806 = arith.constant 0 : i32
    %dma_start3A_807 = tpu.memref_slice %arg5[%arg0, %add3A_805, %dma_start3A_806] : memref<2x10112x128xf32, #tpu.memory_space<hbm>> -> memref<1x128x128xf32, #tpu.memory_space<hbm>>
    %dma_start3A_808 = tpu.memref_squeeze %dma_start3A_807 : memref<1x128x128xf32, #tpu.memory_space<hbm>> -> memref<128x128xf32, #tpu.memory_space<hbm>>
    %dma_start3A_809 = arith.constant 0 : i32
    %dma_start3A_810 = tpu.memref_slice %arg9[%add3A_805, %dma_start3A_809] : memref<10112x128xf32, #tpu.memory_space<vmem_shared>> -> memref<128x128xf32, #tpu.memory_space<vmem_shared>>
    tpu.enqueue_dma source(%dma_start3A_810 : memref<128x128xf32, #tpu.memory_space<vmem_shared>>) target(%dma_start3A_808 : memref<128x128xf32, #tpu.memory_space<hbm>>) target_semaphore(%arg22 : memref<!tpu.dma_semaphore, #tpu.memory_space<semaphore_mem>>)
    %mul3A_811 = arith.constant 632 : i32
    %mul3A_812 = arith.muli %arg1, %mul3A_811 : i32
    %add3A_813 = arith.constant 384 : i32
    %add3A_814 = arith.addi %mul3A_812, %add3A_813 : i32
    %dma_start3A_815 = arith.constant 0 : i32
    %dma_start3A_816 = tpu.memref_slice %arg5[%arg0, %add3A_814, %dma_start3A_815] : memref<2x10112x128xf32, #tpu.memory_space<hbm>> -> memref<1x128x128xf32, #tpu.memory_space<hbm>>
    %dma_start3A_817 = tpu.memref_squeeze %dma_start3A_816 : memref<1x128x128xf32, #tpu.memory_space<hbm>> -> memref<128x128xf32, #tpu.memory_space<hbm>>
    %dma_start3A_818 = arith.constant 0 : i32
    %dma_start3A_819 = tpu.memref_slice %arg9[%add3A_814, %dma_start3A_818] : memref<10112x128xf32, #tpu.memory_space<vmem_shared>> -> memref<128x128xf32, #tpu.memory_space<vmem_shared>>
    tpu.enqueue_dma source(%dma_start3A_819 : memref<128x128xf32, #tpu.memory_space<vmem_shared>>) target(%dma_start3A_817 : memref<128x128xf32, #tpu.memory_space<hbm>>) target_semaphore(%arg23 : memref<!tpu.dma_semaphore, #tpu.memory_space<semaphore_mem>>)
    %mul3A_820 = arith.constant 632 : i32
    %mul3A_821 = arith.muli %arg1, %mul3A_820 : i32
    %add3A_822 = arith.constant 512 : i32
    %add3A_823 = arith.addi %mul3A_821, %add3A_822 : i32
    %dma_start3A_824 = arith.constant 0 : i32
    %dma_start3A_825 = tpu.memref_slice %arg5[%arg0, %add3A_823, %dma_start3A_824] : memref<2x10112x128xf32, #tpu.memory_space<hbm>> -> memref<1x120x128xf32, #tpu.memory_space<hbm>>
    %dma_start3A_826 = tpu.memref_squeeze %dma_start3A_825 : memref<1x120x128xf32, #tpu.memory_space<hbm>> -> memref<120x128xf32, #tpu.memory_space<hbm>>
    %dma_start3A_827 = arith.constant 0 : i32
    %dma_start3A_828 = tpu.memref_slice %arg9[%add3A_823, %dma_start3A_827] : memref<10112x128xf32, #tpu.memory_space<vmem_shared>> -> memref<120x128xf32, #tpu.memory_space<vmem_shared>>
    tpu.enqueue_dma source(%dma_start3A_828 : memref<120x128xf32, #tpu.memory_space<vmem_shared>>) target(%dma_start3A_826 : memref<120x128xf32, #tpu.memory_space<hbm>>) target_semaphore(%arg24 : memref<!tpu.dma_semaphore, #tpu.memory_space<semaphore_mem>>)
    %eq3A_829 = arith.constant 0 : i32
    %eq3A_830 = arith.cmpi eq, %arg1, %eq3A_829 : i32
    %convert_element_type3A_831 = arith.extui %eq3A_830 : i1 to i32
    %cond3A_832 = arith.constant 0 : i32
    %cond3A_833 = arith.cmpi ne, %convert_element_type3A_831, %cond3A_832 : i32
    scf.if %cond3A_833 {
      %dma_start3A_859 = arith.constant 0 : i32
      %dma_start3A_860 = arith.constant 0 : i32
      %dma_start3A_861 = tpu.memref_slice %arg6[%arg0, %dma_start3A_859, %dma_start3A_860] : memref<2x640x16xf32, #tpu.memory_space<hbm>> -> memref<1x640x16xf32, #tpu.memory_space<hbm>>
      %dma_start3A_862 = tpu.memref_squeeze %dma_start3A_861 : memref<1x640x16xf32, #tpu.memory_space<hbm>> -> memref<640x16xf32, #tpu.memory_space<hbm>>
      tpu.enqueue_dma source(%arg10 : memref<640x16xf32, #tpu.memory_space<vmem_shared>>) target(%dma_start3A_862 : memref<640x16xf32, #tpu.memory_space<hbm>>) target_semaphore(%arg25 : memref<!tpu.dma_semaphore, #tpu.memory_space<semaphore_mem>>)
      %dma_wait3A_863 = arith.constant 0 : i32
      %dma_wait3A_864 = arith.constant 0 : i32
      %dma_wait3A_865 = tpu.memref_slice %arg6[%arg0, %dma_wait3A_863, %dma_wait3A_864] : memref<2x640x16xf32, #tpu.memory_space<hbm>> -> memref<1x640x16xf32, #tpu.memory_space<hbm>>
      %dma_wait3A_866 = tpu.memref_squeeze %dma_wait3A_865 : memref<1x640x16xf32, #tpu.memory_space<hbm>> -> memref<640x16xf32, #tpu.memory_space<hbm>>
      tpu.wait_dma2 semaphore(%arg25 : memref<!tpu.dma_semaphore, #tpu.memory_space<semaphore_mem>>) src(%arg10 : memref<640x16xf32, #tpu.memory_space<vmem_shared>>) dst(%dma_wait3A_866 : memref<640x16xf32, #tpu.memory_space<hbm>>)
    } else {
    }
    %dma_wait3A_834 = arith.constant 0 : i32
    %dma_wait3A_835 = tpu.memref_slice %arg5[%arg0, %add3A_787, %dma_wait3A_834] : memref<2x10112x128xf32, #tpu.memory_space<hbm>> -> memref<1x128x128xf32, #tpu.memory_space<hbm>>
    %dma_wait3A_836 = tpu.memref_squeeze %dma_wait3A_835 : memref<1x128x128xf32, #tpu.memory_space<hbm>> -> memref<128x128xf32, #tpu.memory_space<hbm>>
    %dma_wait3A_837 = arith.constant 0 : i32
    %dma_wait3A_838 = tpu.memref_slice %arg9[%add3A_787, %dma_wait3A_837] : memref<10112x128xf32, #tpu.memory_space<vmem_shared>> -> memref<128x128xf32, #tpu.memory_space<vmem_shared>>
    tpu.wait_dma2 semaphore(%arg20 : memref<!tpu.dma_semaphore, #tpu.memory_space<semaphore_mem>>) src(%dma_wait3A_838 : memref<128x128xf32, #tpu.memory_space<vmem_shared>>) dst(%dma_wait3A_836 : memref<128x128xf32, #tpu.memory_space<hbm>>)
    %dma_wait3A_839 = arith.constant 0 : i32
    %dma_wait3A_840 = tpu.memref_slice %arg5[%arg0, %add3A_796, %dma_wait3A_839] : memref<2x10112x128xf32, #tpu.memory_space<hbm>> -> memref<1x128x128xf32, #tpu.memory_space<hbm>>
    %dma_wait3A_841 = tpu.memref_squeeze %dma_wait3A_840 : memref<1x128x128xf32, #tpu.memory_space<hbm>> -> memref<128x128xf32, #tpu.memory_space<hbm>>
    %dma_wait3A_842 = arith.constant 0 : i32
    %dma_wait3A_843 = tpu.memref_slice %arg9[%add3A_796, %dma_wait3A_842] : memref<10112x128xf32, #tpu.memory_space<vmem_shared>> -> memref<128x128xf32, #tpu.memory_space<vmem_shared>>
    tpu.wait_dma2 semaphore(%arg21 : memref<!tpu.dma_semaphore, #tpu.memory_space<semaphore_mem>>) src(%dma_wait3A_843 : memref<128x128xf32, #tpu.memory_space<vmem_shared>>) dst(%dma_wait3A_841 : memref<128x128xf32, #tpu.memory_space<hbm>>)
    %dma_wait3A_844 = arith.constant 0 : i32
    %dma_wait3A_845 = tpu.memref_slice %arg5[%arg0, %add3A_805, %dma_wait3A_844] : memref<2x10112x128xf32, #tpu.memory_space<hbm>> -> memref<1x128x128xf32, #tpu.memory_space<hbm>>
    %dma_wait3A_846 = tpu.memref_squeeze %dma_wait3A_845 : memref<1x128x128xf32, #tpu.memory_space<hbm>> -> memref<128x128xf32, #tpu.memory_space<hbm>>
    %dma_wait3A_847 = arith.constant 0 : i32
    %dma_wait3A_848 = tpu.memref_slice %arg9[%add3A_805, %dma_wait3A_847] : memref<10112x128xf32, #tpu.memory_space<vmem_shared>> -> memref<128x128xf32, #tpu.memory_space<vmem_shared>>
    tpu.wait_dma2 semaphore(%arg22 : memref<!tpu.dma_semaphore, #tpu.memory_space<semaphore_mem>>) src(%dma_wait3A_848 : memref<128x128xf32, #tpu.memory_space<vmem_shared>>) dst(%dma_wait3A_846 : memref<128x128xf32, #tpu.memory_space<hbm>>)
    %dma_wait3A_849 = arith.constant 0 : i32
    %dma_wait3A_850 = tpu.memref_slice %arg5[%arg0, %add3A_814, %dma_wait3A_849] : memref<2x10112x128xf32, #tpu.memory_space<hbm>> -> memref<1x128x128xf32, #tpu.memory_space<hbm>>
    %dma_wait3A_851 = tpu.memref_squeeze %dma_wait3A_850 : memref<1x128x128xf32, #tpu.memory_space<hbm>> -> memref<128x128xf32, #tpu.memory_space<hbm>>
    %dma_wait3A_852 = arith.constant 0 : i32
    %dma_wait3A_853 = tpu.memref_slice %arg9[%add3A_814, %dma_wait3A_852] : memref<10112x128xf32, #tpu.memory_space<vmem_shared>> -> memref<128x128xf32, #tpu.memory_space<vmem_shared>>
    tpu.wait_dma2 semaphore(%arg23 : memref<!tpu.dma_semaphore, #tpu.memory_space<semaphore_mem>>) src(%dma_wait3A_853 : memref<128x128xf32, #tpu.memory_space<vmem_shared>>) dst(%dma_wait3A_851 : memref<128x128xf32, #tpu.memory_space<hbm>>)
    %dma_wait3A_854 = arith.constant 0 : i32
    %dma_wait3A_855 = tpu.memref_slice %arg5[%arg0, %add3A_823, %dma_wait3A_854] : memref<2x10112x128xf32, #tpu.memory_space<hbm>> -> memref<1x120x128xf32, #tpu.memory_space<hbm>>
    %dma_wait3A_856 = tpu.memref_squeeze %dma_wait3A_855 : memref<1x120x128xf32, #tpu.memory_space<hbm>> -> memref<120x128xf32, #tpu.memory_space<hbm>>
    %dma_wait3A_857 = arith.constant 0 : i32
    %dma_wait3A_858 = tpu.memref_slice %arg9[%add3A_823, %dma_wait3A_857] : memref<10112x128xf32, #tpu.memory_space<vmem_shared>> -> memref<120x128xf32, #tpu.memory_space<vmem_shared>>
    tpu.wait_dma2 semaphore(%arg24 : memref<!tpu.dma_semaphore, #tpu.memory_space<semaphore_mem>>) src(%dma_wait3A_858 : memref<120x128xf32, #tpu.memory_space<vmem_shared>>) dst(%dma_wait3A_856 : memref<120x128xf32, #tpu.memory_space<hbm>>)
    return
  }
}

module attributes {stable_mosaic.version = 14 : i64} {
  func.func @_ln_relu_body(%arg0: i32, %arg1: memref<1000x128xf32, #tpu.memory_space<vmem>>, %arg2: memref<1x128xf32, #tpu.memory_space<vmem>>, %arg3: memref<1x128xf32, #tpu.memory_space<vmem>>, %arg4: memref<1000x128xf32, #tpu.memory_space<vmem>>) attributes {dimension_semantics = [#tpu.dimension_semantics<arbitrary>], iteration_bounds = array<i64: 10>, scalar_prefetch = 0 : i64, scratch_operands = 0 : i64, tpu.core_type = #tpu.core_type<tc>, window_params = [{transform_indices = @transform_0, window_bounds = array<i64: 1000, 128>}, {pipeline_mode = #tpu.pipeline_mode<synchronous>, transform_indices = @transform_1, window_bounds = array<i64: 1, 128>}, {pipeline_mode = #tpu.pipeline_mode<synchronous>, transform_indices = @transform_2, window_bounds = array<i64: 1, 128>}, {transform_indices = @transform_3, window_bounds = array<i64: 1000, 128>}]} {
    %get3A = arith.constant 0 : index
    %get3A_0 = arith.constant 0 : index
    %get3A_1 = vector.load %arg1[%get3A, %get3A_0] : memref<1000x128xf32, #tpu.memory_space<vmem>>, vector<1000x128xf32>
    %reduce_sum3A = arith.constant dense<0.000000e+00> : vector<1000xf32>
    %reduce_sum3A_2 = vector.multi_reduction <add>, %get3A_1, %reduce_sum3A [1] : vector<1000x128xf32> to vector<1000xf32>
    %broadcast_in_dim3A = vector.shape_cast %reduce_sum3A_2 : vector<1000xf32> to vector<1000x1xf32>
    %div3A = arith.constant 1.280000e+02 : f32
    %div3A_3 = vector.broadcast %div3A : f32 to vector<1000x1xf32>
    %div3A_4 = arith.divf %broadcast_in_dim3A, %div3A_3 : vector<1000x1xf32>
    %sub3A = vector.broadcast %div3A_4 : vector<1000x1xf32> to vector<1000x128xf32>
    %sub3A_5 = arith.subf %get3A_1, %sub3A : vector<1000x128xf32>
    %mul3A = arith.mulf %sub3A_5, %sub3A_5 : vector<1000x128xf32>
    %reduce_sum3A_6 = arith.constant dense<0.000000e+00> : vector<1000xf32>
    %reduce_sum3A_7 = vector.multi_reduction <add>, %mul3A, %reduce_sum3A_6 [1] : vector<1000x128xf32> to vector<1000xf32>
    %broadcast_in_dim3A_8 = vector.shape_cast %reduce_sum3A_7 : vector<1000xf32> to vector<1000x1xf32>
    %div3A_9 = arith.constant 1.280000e+02 : f32
    %div3A_10 = vector.broadcast %div3A_9 : f32 to vector<1000x1xf32>
    %div3A_11 = arith.divf %broadcast_in_dim3A_8, %div3A_10 : vector<1000x1xf32>
    %add3A = arith.constant 9.99999974E-6 : f32
    %add3A_12 = vector.broadcast %add3A : f32 to vector<1000x1xf32>
    %add3A_13 = arith.addf %div3A_11, %add3A_12 : vector<1000x1xf32>
    %rsqrt3A = math.rsqrt %add3A_13 : vector<1000x1xf32>
    %mul3A_14 = vector.broadcast %rsqrt3A : vector<1000x1xf32> to vector<1000x128xf32>
    %mul3A_15 = arith.mulf %sub3A_5, %mul3A_14 : vector<1000x128xf32>
    %get3A_16 = arith.constant 0 : index
    %get3A_17 = arith.constant 0 : index
    %get3A_18 = vector.load %arg2[%get3A_16, %get3A_17] : memref<1x128xf32, #tpu.memory_space<vmem>>, vector<1x128xf32>
    %mul3A_19 = vector.broadcast %get3A_18 : vector<1x128xf32> to vector<1000x128xf32>
    %mul3A_20 = arith.mulf %mul3A_15, %mul3A_19 : vector<1000x128xf32>
    %get3A_21 = arith.constant 0 : index
    %get3A_22 = arith.constant 0 : index
    %get3A_23 = vector.load %arg3[%get3A_21, %get3A_22] : memref<1x128xf32, #tpu.memory_space<vmem>>, vector<1x128xf32>
    %add3A_24 = vector.broadcast %get3A_23 : vector<1x128xf32> to vector<1000x128xf32>
    %add3A_25 = arith.addf %mul3A_20, %add3A_24 : vector<1000x128xf32>
    %max3A = arith.constant 0.000000e+00 : f32
    %max3A_26 = vector.broadcast %max3A : f32 to vector<1000x128xf32>
    %max3A_27 = arith.maximumf %add3A_25, %max3A_26 : vector<1000x128xf32>
    %swap3A = arith.constant 0 : index
    %swap3A_28 = arith.constant 0 : index
    %swap3A_29 = vector.load %arg4[%swap3A, %swap3A_28] : memref<1000x128xf32, #tpu.memory_space<vmem>>, vector<1000x128xf32>
    tpu.vector_store %arg4[%swap3A, %swap3A_28], %max3A_27 {strides = array<i32>} : memref<1000x128xf32, #tpu.memory_space<vmem>>, vector<1000x128xf32>,
    return
  }
  func.func @transform_0(%arg0: i32) -> (i32, i32) {
    %c0_i32 = arith.constant 0 : i32
    %c0_i32_0 = arith.constant 0 : i32
    return %arg0, %c0_i32 : i32, i32
  }
  func.func @transform_1(%arg0: i32) -> (i32, i32) {
    %c0_i32 = arith.constant 0 : i32
    %c0_i32_0 = arith.constant 0 : i32
    %c0_i32_1 = arith.constant 0 : i32
    return %c0_i32, %c0_i32_0 : i32, i32
  }
  func.func @transform_2(%arg0: i32) -> (i32, i32) {
    %c0_i32 = arith.constant 0 : i32
    %c0_i32_0 = arith.constant 0 : i32
    %c0_i32_1 = arith.constant 0 : i32
    return %c0_i32, %c0_i32_0 : i32, i32
  }
  func.func @transform_3(%arg0: i32) -> (i32, i32) {
    %c0_i32 = arith.constant 0 : i32
    %c0_i32_0 = arith.constant 0 : i32
    return %arg0, %c0_i32 : i32, i32
  }
}

module attributes {stable_mosaic.version = 14 : i64} {
  func.func @_combine_body(%arg0: i32, %arg1: memref<1000x128xf32, #tpu.memory_space<vmem>>, %arg2: memref<1000x128xf32, #tpu.memory_space<vmem>>, %arg3: memref<1000x1xf32, #tpu.memory_space<vmem>>, %arg4: memref<1000x1xf32, #tpu.memory_space<vmem>>, %arg5: memref<1000x128xf32, #tpu.memory_space<vmem>>, %arg6: memref<128x128xf32, #tpu.memory_space<vmem>>, %arg7: memref<1x128xf32, #tpu.memory_space<vmem>>, %arg8: memref<128x128xf32, #tpu.memory_space<vmem>>, %arg9: memref<1000x128xf32, #tpu.memory_space<vmem>>) attributes {dimension_semantics = [#tpu.dimension_semantics<arbitrary>], iteration_bounds = array<i64: 10>, scalar_prefetch = 0 : i64, scratch_operands = 0 : i64, tpu.core_type = #tpu.core_type<tc>, window_params = [{transform_indices = @transform_0, window_bounds = array<i64: 1000, 128>}, {transform_indices = @transform_1, window_bounds = array<i64: 1000, 128>}, {transform_indices = @transform_2, window_bounds = array<i64: 1000, 1>}, {transform_indices = @transform_3, window_bounds = array<i64: 1000, 1>}, {transform_indices = @transform_4, window_bounds = array<i64: 1000, 128>}, {pipeline_mode = #tpu.pipeline_mode<synchronous>, transform_indices = @transform_5, window_bounds = array<i64: 128, 128>}, {pipeline_mode = #tpu.pipeline_mode<synchronous>, transform_indices = @transform_6, window_bounds = array<i64: 1, 128>}, {pipeline_mode = #tpu.pipeline_mode<synchronous>, transform_indices = @transform_7, window_bounds = array<i64: 128, 128>}, {transform_indices = @transform_8, window_bounds = array<i64: 1000, 128>}]} {
    %get3A = arith.constant 0 : index
    %get3A_0 = arith.constant 0 : index
    %get3A_1 = vector.load %arg1[%get3A, %get3A_0] : memref<1000x128xf32, #tpu.memory_space<vmem>>, vector<1000x128xf32>
    %get3A_2 = arith.constant 0 : index
    %get3A_3 = arith.constant 0 : index
    %get3A_4 = vector.load %arg2[%get3A_2, %get3A_3] : memref<1000x128xf32, #tpu.memory_space<vmem>>, vector<1000x128xf32>
    %add3A = arith.addf %get3A_1, %get3A_4 : vector<1000x128xf32>
    %get3A_5 = arith.constant 0 : index
    %get3A_6 = arith.constant 0 : index
    %get3A_7 = vector.load %arg3[%get3A_5, %get3A_6] : memref<1000x1xf32, #tpu.memory_space<vmem>>, vector<1000x1xf32>
    %get3A_8 = arith.constant 0 : index
    %get3A_9 = arith.constant 0 : index
    %get3A_10 = vector.load %arg4[%get3A_8, %get3A_9] : memref<1000x1xf32, #tpu.memory_space<vmem>>, vector<1000x1xf32>
    %add3A_11 = arith.addf %get3A_7, %get3A_10 : vector<1000x1xf32>
    %max3A = arith.constant 1.000000e+00 : f32
    %max3A_12 = vector.broadcast %max3A : f32 to vector<1000x1xf32>
    %max3A_13 = arith.maximumf %add3A_11, %max3A_12 : vector<1000x1xf32>
    %div3A = vector.broadcast %max3A_13 : vector<1000x1xf32> to vector<1000x128xf32>
    %div3A_14 = arith.divf %add3A, %div3A : vector<1000x128xf32>
    %get3A_15 = arith.constant 0 : index
    %get3A_16 = arith.constant 0 : index
    %get3A_17 = vector.load %arg6[%get3A_15, %get3A_16] : memref<128x128xf32, #tpu.memory_space<vmem>>, vector<128x128xf32>
    %dot_general3A = arith.constant dense<0.000000e+00> : vector<1000x128xf32>
    %dot_general3A_18 = tpu.matmul %div3A_14, %get3A_17, %dot_general3A {dimension_numbers = #tpu.dot_dimension_numbers<[1], [1], [0], [0], [0, 0, 1, 0], [], []>, transpose_lhs_hint = false} : vector<1000x128xf32>, vector<128x128xf32>, vector<1000x128xf32> -> vector<1000x128xf32>
    %get3A_19 = arith.constant 0 : index
    %get3A_20 = arith.constant 0 : index
    %get3A_21 = vector.load %arg7[%get3A_19, %get3A_20] : memref<1x128xf32, #tpu.memory_space<vmem>>, vector<1x128xf32>
    %add3A_22 = vector.broadcast %get3A_21 : vector<1x128xf32> to vector<1000x128xf32>
    %add3A_23 = arith.addf %dot_general3A_18, %add3A_22 : vector<1000x128xf32>
    %get3A_24 = arith.constant 0 : index
    %get3A_25 = arith.constant 0 : index
    %get3A_26 = vector.load %arg5[%get3A_24, %get3A_25] : memref<1000x128xf32, #tpu.memory_space<vmem>>, vector<1000x128xf32>
    %get3A_27 = arith.constant 0 : index
    %get3A_28 = arith.constant 0 : index
    %get3A_29 = vector.load %arg8[%get3A_27, %get3A_28] : memref<128x128xf32, #tpu.memory_space<vmem>>, vector<128x128xf32>
    %dot_general3A_30 = arith.constant dense<0.000000e+00> : vector<1000x128xf32>
    %dot_general3A_31 = tpu.matmul %get3A_26, %get3A_29, %dot_general3A_30 {dimension_numbers = #tpu.dot_dimension_numbers<[1], [1], [0], [0], [0, 0, 1, 0], [], []>, transpose_lhs_hint = false} : vector<1000x128xf32>, vector<128x128xf32>, vector<1000x128xf32> -> vector<1000x128xf32>
    %add3A_32 = arith.addf %add3A_23, %dot_general3A_31 : vector<1000x128xf32>
    %swap3A = arith.constant 0 : index
    %swap3A_33 = arith.constant 0 : index
    %swap3A_34 = vector.load %arg9[%swap3A, %swap3A_33] : memref<1000x128xf32, #tpu.memory_space<vmem>>, vector<1000x128xf32>
    tpu.vector_store %arg9[%swap3A, %swap3A_33], %add3A_32 {strides = array<i32>} : memref<1000x128xf32, #tpu.memory_space<vmem>>, vector<1000x128xf32>,
    return
  }
  func.func @transform_0(%arg0: i32) -> (i32, i32) {
    %c0_i32 = arith.constant 0 : i32
    %c0_i32_0 = arith.constant 0 : i32
    return %arg0, %c0_i32 : i32, i32
  }
  func.func @transform_1(%arg0: i32) -> (i32, i32) {
    %c0_i32 = arith.constant 0 : i32
    %c0_i32_0 = arith.constant 0 : i32
    return %arg0, %c0_i32 : i32, i32
  }
  func.func @transform_2(%arg0: i32) -> (i32, i32) {
    %c0_i32 = arith.constant 0 : i32
    %c0_i32_0 = arith.constant 0 : i32
    return %arg0, %c0_i32 : i32, i32
  }
  func.func @transform_3(%arg0: i32) -> (i32, i32) {
    %c0_i32 = arith.constant 0 : i32
    %c0_i32_0 = arith.constant 0 : i32
    return %arg0, %c0_i32 : i32, i32
  }
  func.func @transform_4(%arg0: i32) -> (i32, i32) {
    %c0_i32 = arith.constant 0 : i32
    %c0_i32_0 = arith.constant 0 : i32
    return %arg0, %c0_i32 : i32, i32
  }
  func.func @transform_5(%arg0: i32) -> (i32, i32) {
    %c0_i32 = arith.constant 0 : i32
    %c0_i32_0 = arith.constant 0 : i32
    %c0_i32_1 = arith.constant 0 : i32
    return %c0_i32, %c0_i32_0 : i32, i32
  }
  func.func @transform_6(%arg0: i32) -> (i32, i32) {
    %c0_i32 = arith.constant 0 : i32
    %c0_i32_0 = arith.constant 0 : i32
    %c0_i32_1 = arith.constant 0 : i32
    return %c0_i32, %c0_i32_0 : i32, i32
  }
  func.func @transform_7(%arg0: i32) -> (i32, i32) {
    %c0_i32 = arith.constant 0 : i32
    %c0_i32_0 = arith.constant 0 : i32
    %c0_i32_1 = arith.constant 0 : i32
    return %c0_i32, %c0_i32_0 : i32, i32
  }
  func.func @transform_8(%arg0: i32) -> (i32, i32) {
    %c0_i32 = arith.constant 0 : i32
    %c0_i32_0 = arith.constant 0 : i32
    return %arg0, %c0_i32 : i32, i32
  }
}

</mosaic_0001>

<sc_bundles>
// kernel: kernel.5.cloned.1.call-start
scs
__scs_entry_jumppad:
0x0: {  	(pc) =	sbr.rel $0x88, $3  }
0x1: {  	(tag) =	ssettag $0x0;
	lr =	simm.s32 $0x1  }
0x2: {  	[smem:$0x3F9A] =	sst lr;
	_ =	strace $0xD0000000  }
0x3: {  	_ = 	snop  }
0x4: {  	_ = 	snop  }
0x5: {  	_ = 	snop  }
0x6: {  	_ = 	snop  }
0x7: {  	_ = 	snop  }
__scs_overlays_trampoline_lowered:
0x8: {  	[smem:$0x3FA9] =	sst s0  }
0x9: {  	[smem:$0x3FAA] =	sst s1  }
0xa: {  	[smem:$0x3FAB] =	sst s2  }
0xb: {  	[smem:$0x3FAC] =	sst s3  }
0xc: {  	[smem:$0x3FAD] =	sst s4  }
0xd: {  	[smem:$0x3FAE] =	sst s5  }
0xe: {  	[smem:$0x3FAF] =	sst s6  }
0xf: {  	[smem:$0x3FB0] =	sst s7  }
0x10: {  	[smem:$0x3FB1] =	sst s8  }
0x11: {  	[smem:$0x3FB2] =	sst s9;
	s0 =	simm.s32 @!p0 $0x0  }
0x12: {  	s1 =	sld [smem:$0x3F98];
	s0 =	simm.s32 @p0 $0x1  }
0x13: {  	[smem:$0x3FB3] =	sst s0;
	s0 =	simm.s32 @!p1 $0x0  }
0x14: {  	s2 =	sld [smem:$0x3F97];
	s0 =	simm.s32 @p1 $0x1  }
0x15: {  	[smem:$0x3FB4] =	sst s0;
	s0 =	simm.s32 @!p2 $0x0  }
0x16: {  	s3 =	sld [smem:$0x3FDB];
	s0 =	simm.s32 @p2 $0x1  }
0x17: {  	s4 =	simm.s32 $0x1BF5;
	[smem:$0x3FB6] =	sst s0  }
0x18: {  	s0 =	sld [smem:$0x3F99];
	_ =	swait.ge [sflag:s4], $0x0  }
0x19: {  	s7 =	sld [smem:$0x3F9A]  }
0x1a: {  	s8 =	sadd.s32 $0xFFFFE003, lr  }
0x1b: {  	s9 =	sadd.s32 $0xFFFFFEF7, lr;
	s5 =	simm.s32 $0xFFFFFFFF;
	p2 =	slt.u32 s8, $0xFFFFF086  }
0x1c: {  	p1 =	slt.u32 s9, $0xF7A;
	s5 =	simm.s32 @!p2 $0x0  }
0x1d: {  	s5 =	simm.s32 @p1 $0x1;
	p0 =	seq.s32 s7, s2  }
0x1e: {  	s7 =	smul.u32 @!p0 $0xF7A, s2;
	p2 =	seq.s32 @!p0 s5, $0x0  }
0x1f: {  	s9 =	smul.u32 $0xF7A, s1;
	s8 =	simm.s32 @!p0 $0x1BF5;
	p2 =	por !p2, p0  }
0x20: {  	[sflag:s8] =	ssyncset.s32 @!p0 $0xFFFFF086;
	s6 =	sadd.s32 @!p0 s3, s7;
	s7 =	simm.s32 @!p0 $0x108  }
0x21: {  	s3 =	sadd.s32 s3, s9;
	s6 =	sadd.s32 @!p0 $0x88, s6;
	s7 =	simm.s32 @p2 $0x1082  }
0x22: {  	[simem:s7], [sflag:s8] =	dma.local @!p0 [hbm:s6], $0xF7A  }
0x23: {  	s9 =	sor.u32 $0xD0000000, s2;
	s6 =	simm.s32 $0x108;
	_ =	swait.ge @!p0 [sflag:s8], $0x0  }
0x24: {  	s3 =	sadd.s32 $0x88, s3;
	s6 =	simm.s32 @!p1 $0x1082;
	[sflag:s4] =	ssyncset.s32 $0xFFFFF086  }
0x25: {  	[simem:s6], [sflag:s4] =	dma.local [hbm:s3], $0xF7A  }
0x26: {  	[smem:$0x3F9A] =	sst s1;
	(tag) =	ssettag s2;
	_ =	strace s9  }
0x27: {  	s1 =	sld [smem:$0x3FAA]  }
0x28: {  	s2 =	sld [smem:$0x3FAB]  }
0x29: {  	s4 =	sld [smem:$0x3FAD]  }
0x2a: {  	p0 =	seq.s32 s5, $0x0;
	s5 =	sld [smem:$0x3FAE]  }
0x2b: {  	s6 =	sld [smem:$0x3FAF]  }
0x2c: {  	s7 =	sld [smem:$0x3FB0]  }
0x2d: {  	s3 =	simm.s32 $0x108;
	s8 =	sld [smem:$0x3FB1]  }
0x2e: {  	s3 =	simm.s32 @!p0 $0x1082;
	s9 =	sld [smem:$0x3FB2]  }
0x2f: {  	lr =	sadd.s32 s0, s3;
	s0 =	sld [smem:$0x3FA9]  }
0x30: {  	s3 =	sld [smem:$0x3FAC]  }
0x31: {  	[smem:$0x3FB5] =	sst s10  }
0x32: {  	s10 =	sld [smem:$0x3FB3];
	_ =	sdelay $0x3  }
0x33: {  	p0 =	seq.s32 s10, $0x1;
	s10 =	sld [smem:$0x3FB5];
	_ =	sdelay $0x3  }
0x34: {  	[smem:$0x3FB5] =	sst s10  }
0x35: {  	s10 =	sld [smem:$0x3FB4];
	_ =	sdelay $0x3  }
0x36: {  	p1 =	seq.s32 s10, $0x1;
	s10 =	sld [smem:$0x3FB5];
	_ =	sdelay $0x3  }
0x37: {  	[smem:$0x3FB5] =	sst s10  }
0x38: {  	s10 =	sld [smem:$0x3FB6]  }
0x39: {  	_ = 	snop;
	(pc) =	sbr.ind lr, $3  }
0x3a: {  	_ = 	snop  }
0x3b: {  	_ = 	snop  }
0x3c: {  	p2 =	seq.s32 s10, $0x1;
	s10 =	sld [smem:$0x3FB5]  }
0x3d: {  	_ =	shalt  }
0x3e: {  	_ =	shalt  }
0x3f: {  	_ =	shalt  }
0x40: {  	_ =	shalt  }
0x41: {  	_ =	shalt  }
0x42: {  	_ =	shalt  }
0x43: {  	_ =	shalt  }
0x44: {  	_ =	shalt  }
0x45: {  	_ =	shalt  }
0x46: {  	_ =	shalt  }
0x47: {  	_ =	shalt  }
0x48: {  	_ =	shalt  }
0x49: {  	_ =	shalt  }
0x4a: {  	_ =	shalt  }
0x4b: {  	_ =	shalt  }
0x4c: {  	_ =	shalt  }
0x4d: {  	_ =	shalt  }
0x4e: {  	_ =	shalt  }
0x4f: {  	_ =	shalt  }
0x50: {  	_ =	shalt  }
0x51: {  	_ =	shalt  }
0x52: {  	_ =	shalt  }
0x53: {  	_ =	shalt  }
0x54: {  	_ =	shalt  }
0x55: {  	_ =	shalt  }
0x56: {  	_ =	shalt  }
0x57: {  	_ =	shalt  }
0x58: {  	_ =	shalt  }
0x59: {  	_ =	shalt  }
0x5a: {  	_ =	shalt  }
0x5b: {  	_ =	shalt  }
0x5c: {  	_ =	shalt  }
0x5d: {  	_ =	shalt  }
0x5e: {  	_ =	shalt  }
0x5f: {  	_ =	shalt  }
0x60: {  	_ =	shalt  }
0x61: {  	_ =	shalt  }
0x62: {  	_ =	shalt  }
0x63: {  	_ =	shalt  }
0x64: {  	_ =	shalt  }
0x65: {  	_ =	shalt  }
0x66: {  	_ =	shalt  }
0x67: {  	_ =	shalt  }
0x68: {  	_ =	shalt  }
0x69: {  	_ =	shalt  }
0x6a: {  	_ =	shalt  }
0x6b: {  	_ =	shalt  }
0x6c: {  	_ =	shalt  }
0x6d: {  	_ =	shalt  }
0x6e: {  	_ =	shalt  }
0x6f: {  	_ =	shalt  }
0x70: {  	_ =	shalt  }
0x71: {  	_ =	shalt  }
0x72: {  	_ =	shalt  }
0x73: {  	_ =	shalt  }
0x74: {  	_ =	shalt  }
0x75: {  	_ =	shalt  }
0x76: {  	_ =	shalt  }
0x77: {  	_ =	shalt  }
0x78: {  	_ =	shalt  }
0x79: {  	_ =	shalt  }
0x7a: {  	_ =	shalt  }
0x7b: {  	_ =	shalt  }
0x7c: {  	_ =	shalt  }
0x7d: {  	_ =	shalt  }
0x7e: {  	_ =	shalt  }
0x7f: {  	_ =	shalt  }
0x80: {  	_ =	shalt  }
0x81: {  	_ =	shalt  }
0x82: {  	_ =	shalt  }
0x83: {  	_ =	shalt  }
0x84: {  	_ =	shalt  }
0x85: {  	_ =	shalt  }
0x86: {  	_ =	shalt  }
0x87: {  	_ =	shalt  }
.Lfunc_end0:
.L_simem_size_0:
called_computation_lowered:
.L_overlay_start_0:
0x88: {  	s2 =	sld [smem:$0x3FD9]  }
0x89: {  	s3 =	sld [smem:$0x3FFE];
	_ =	sdelay $0x1  }
0x8a: {  	s1 =	srdreg.scid  }
0x8b: {  	s0 =	sand.u32 $0x1, s1  }
0x8c: {  	s17 =	sshll.u32 s0, $0xA;
	s2 =	sadd.s32 s3, s2  }
0x8d: {  	s2 =	sadd.s32 s2, s17  }
0x8e: {  	[smem:$0x3FC1] =	sst s2  }
0x8f: {  	_ = 	snop  }
0x90: {  	s2 =	sld [smem:$0x3FD0];
	(tm) =	ssettm $0x1  }
0x91: {  	s18 =	sld [smem:$0x3FFB];
	_ =	sdelay $0x3  }
0x92: {  	_ =	strace s18  }
0x93: {  	s3 =	sld [smem:$0x3FFC];
	_ =	sdelay $0x3  }
0x94: {  	_ =	strace s3  }
0x95: {  	s3 =	sld [smem:$0x3FFD];
	_ =	sdelay $0x3  }
0x96: {  	_ =	strace s3  }
0x97: {  	_ =	strace $0x8FFFFFFF  }
0x98: {  	s19 =	sld [smem:$0x3FDB];
	_ =	sdelay $0x1  }
0x99: {  	s4 =	simm.s32 $_scs_section_size  }
0x9a: {  	s5 =	simm.s32 $_size__tile_overlayer_lowered;
	s6 =	simm.s32 $_tile_overlayer_lowered  }
0x9b: {  	s22 =	simm.s32 $0x1BFF;
	s21 =	sshll.u32 s6, $0x1;
	s3 =	sadd.s32 s4, s19  }
0x9c: {  	s7 =	simm.s32 $0x0;
	s20 =	sshll.u32 s5, $0x1;
	s5 =	sadd.s32 s21, s3  }
0x9d: {  	[timem:s7], [sflag:s22] =	dma.local [hbm:s5], s20  }
0x9e: {  	_ =	swait.ge [sflag:s22], s20  }
0x9f: {  	s4 =	ssub.s32 $0x0, s20;
	[sflag:s22] =	ssyncset.done $0x0  }
0xa0: {  	[sflag:s22] =	ssyncadd.s32 s4;
	_ =	sdelay $0x1  }
0xa1: {  	s23 =	simm.s32 $0x1B8B  }
0xa2: {  	_ =	swait.ge [sflag:s23], $0x1  }
0xa3: {  	[sflag:s23] =	ssyncset.done $0x0  }
0xa4: {  	s25 =	simm.s32 $0x1B8E;
	s24 =	sld [smem:$0x3FFE];
	[sflag:s23] =	ssyncadd.s32 $0xFFFFFFFF  }
0xa5: {  	s26 =	simm.s32 $execute0_lowered;
	[smem:$0x3FD2] =	sst s25  }
0xa6: {  	s5 =	sshll.u32 s26, $0x1;
	_ =	strace $0x80000046;
	[dreg:$0x1] =	wrdreg $0xFFFFFFFF  }
0xa7: {  	s28 =	simm.s32 $_size_execute0_lowered;
	s3 =	sadd.s32 s3, s5;
	[dreg:$0x0] =	wrdreg $0x0  }
0xa8: {  	s5 =	sshll.u32 s28, $0x1;
	[dreg:$0x2] =	wrdreg s3  }
0xa9: {  	[dreg:$0x3] =	wrdreg s5  }
0xaa: {  	[dreg:$0x4] =	wrdreg $0xC0  }
0xab: {  	_ =	task [dreg:s7], $0x5FFFF  }
0xac: {  	[dreg:$0x1] =	wrdreg $0xFFFFFFFF  }
0xad: {  	[dreg:$0x0] =	wrdreg $0x60  }
0xae: {  	[dreg:$0x2] =	wrdreg s24  }
0xaf: {  	[dreg:$0x3] =	wrdreg s2  }
0xb0: {  	[dreg:$0x4] =	wrdreg $0x2A800  }
0xb1: {  	[dreg:$0x5] =	wrdreg $0x166800  }
0xb2: {  	[dreg:$0x6] =	wrdreg $0x9  }
0xb3: {  	_ =	task.clear_ibuf [dreg:s7], $0x7FFFF;
	_ =	strace $0x90000046  }
0xb4: {  	s29 =	simm.s32 $0x9;
	_ =	strace $0x80000048  }
0xb5: {  	_ =	swait.ge [sflag:s29], $0x1  }
0xb6: {  	[sflag:s29] =	ssyncadd.s32 $0xFFFFFFFF  }
0xb7: {  	_ =	strace $0x90000048  }
0xb8: {  	_ =	sfence  }
0xb9: {  	s30 =	sld [smem:$0x0];
	_ =	sdelay $0x2  }
0xba: {  	s31 =	sshll.u32 s1, $0xD;
	s1 =	sshrl.u32 s1, $0x2  }
0xbb: {  	s3 =	sand.u32 $0x4000, s31;
	s1 =	sadd.s32 s1, s30  }
0xbc: {  	s0 =	sor.u32 s3, s0;
	s1 =	sshll.u32 s1, $0x11  }
0xbd: {  	s0 =	sor.u32 s1, s0  }
0xbe: {  	s0 =	sadd.s32 $0x8F2B, s0  }
0xbf: {  	[sflag:s0] =	ssyncadd.remote.s32 $0x1  }
0xc0: {  	_ =	sfence.sel $0xFFFF  }
0xc1: {  	[dreg:$0x0] =	wrdreg $0xFFFFFFFF;
	(pc) =	sbr.abs _section_cstart, $3  }
0xc2: {  	[dreg:$0x1] =	wrdreg $0xFFFFFFFF  }
0xc3: {  	_ =	task.clear_ibuf [dreg:s7], $0x2FFFF;
	_ =	strace $0x9FFFFFFF  }
0xc4: {  	(tm) =	ssettm $0x7FFFFFFF  }
0xc5: {  	_ =	shalt  }
tec
execute0_lowered:
.L_overlay_start_1:
0x0: {  	(tag) =	ssettag $0x1  }
0x1: {  	s0 =	rddreg [dreg:$0x0]  }
0x2: {  	s7 =	rddreg [dreg:$0x1]  }
0x3: {  	s2 =	rddreg [dreg:$0x2]  }
0x4: {  	s18 =	rddreg [dreg:$0x3];
	s4 =	simm.s32 $0x0  }
0x5: {  	s1 =	srdreg.scid;
	s19 =	stileid.u32;
	s28 =	simm.s32 $0x5  }
0x6: {  	s29 =	simm.s32 $0x6;
	s30 =	simm.s32 $0x7;
	s31 =	simm.s32 $0x8  }
0x7: {  	[smem:$0x7FF] =	sst s4;
	s1 =	sand.u32 $0x1, s1;
	s8 =	smul.u32 $0x4F000, s19  }
0x8: {  	s5 =	sadd.s32 $0xB200, s0;
	s20 =	sadd.s32 $0x1400, s0;
	s17 =	smul.u32 $0x13C00, s19  }
0x9: {  	s9 =	sadd.s32 $0x32400, s0;
	p0 =	sne.s32 s19, $0x0;
	s3 =	smul.u32 $0x500, s1  }
0xa: {  	_ =	strace $0x80000047;
	s6 =	ssub.s32 $0x2, s1;
	s11 =	smul.u32 $0x13C000, s1  }
0xb: {  	s10 =	sshll.u32 s1, $0x4;
	s1 =	smul.u32 $0x27100, s1;
	s16 =	sshrl.u32 s6, $0x1  }
0xc: {  	s8 =	sshrl.u32 s8, $0x2;
	s12 =	sadd.s32 s17, s2;
	s10 =	sor.u32 s19, s10  }
0xd: {  	s13 =	sadd.s32 $0x4000, s17;
	s15 =	sadd.s32 $0x8000, s17;
	s0 =	sadd.s32 s3, s0  }
0xe: {  	s3 =	ssub.s32 s6, s16;
	s8 =	sadd.s32 s8, s2;
	[dreg:$0x5] =	wrdreg s12  }
0xf: {  	s10 =	smul.u32 $0x2710, s10;
	s22 =	sadd.s32 s17, s11;
	s14 =	sadd.s32 s11, s13  }
0x10: {  	s24 =	sadd.s32 s11, s15;
	s6 =	sadd.s32 $0x10000, s17;
	s21 =	sadd.s32 $0x2800, s8  }
0x11: {  	s12 =	sshrl.u32 s22, $0x3;
	s22 =	sadd.s32 $0xA000, s8;
	[dreg:$0x6] =	wrdreg s21  }
0x12: {  	s25 =	sshrl.u32 s24, $0x3;
	s24 =	sadd.s32 $0xF000, s8;
	[dreg:$0xe] =	wrdreg s22  }
0x13: {  	s23 =	sshrl.u32 s14, $0x3;
	s0 =	sadd.s32 $0x81400, s0;
	[dreg:$0x10] =	wrdreg s24  }
0x14: {  	s14 =	sadd.s32 $0xC000, s17;
	s3 =	smax.u32 s3, $0x1;
	[dreg:$0x1c] =	wrdreg s0  }
0x15: {  	s17 =	smul.u32 $0x2710, s19;
	s12 =	sadd.s32 s9, s12;
	[dreg:$0x1d] =	wrdreg s3  }
0x16: {  	s16 =	sadd.s32 s11, s14;
	s21 =	sadd.s32 $0x7800, s8;
	[dreg:$0x7] =	wrdreg s12  }
0x17: {  	s11 =	sadd.s32 s11, s6;
	s12 =	sadd.s32 s9, s23;
	[dreg:$0xd] =	wrdreg s21  }
0x18: {  	s14 =	sadd.s32 s14, s2;
	s23 =	sadd.s32 $0xC800, s8;
	[dreg:$0x8] =	wrdreg s12  }
0x19: {  	s16 =	sshrl.u32 s16, $0x3;
	s12 =	sadd.s32 s9, s25;
	[dreg:$0xf] =	wrdreg s23  }
0x1a: {  	s11 =	sshrl.u32 s11, $0x3;
	s26 =	sadd.s32 s9, s16;
	[dreg:$0x9] =	wrdreg s12  }
0x1b: {  	s6 =	sadd.s32 s6, s2;
	s9 =	sadd.s32 s9, s11;
	[dreg:$0xa] =	wrdreg s26  }
0x1c: {  	s3 =	simm.s32 $0xC;
	s16 =	sadd.s32 $0x5000, s8;
	[dreg:$0xb] =	wrdreg s9  }
0x1d: {  	s8 =	sadd.s32 $0x11800, s8;
	[dreg:$0xc] =	wrdreg s16;
	s9 =	sshrl.u32 s10, $0x3  }
0x1e: {  	s1 =	sadd.s32 s17, s1;
	[dreg:$0x11] =	wrdreg s8;
	s22 =	sadd.s32 s20, s9  }
0x1f: {  	s25 =	sadd.s32 $0xA, s9;
	s23 =	sadd.s32 s7, s9;
	[dreg:$0x18] =	wrdreg s22  }
0x20: {  	s11 =	sadd.s32 $0x14, s9;
	s26 =	sadd.s32 s20, s25;
	[dreg:$0x19] =	wrdreg s23  }
0x21: {  	s16 =	sadd.s32 $0x4CE, s9;
	s10 =	sadd.s32 s7, s25;
	[dreg:$0x12] =	wrdreg s26  }
0x22: {  	s24 =	sadd.s32 $0x4D8, s9;
	s12 =	sadd.s32 s20, s11;
	[dreg:$0x13] =	wrdreg s10  }
0x23: {  	s8 =	sadd.s32 s7, s11;
	s17 =	sadd.s32 s20, s16;
	[dreg:$0x14] =	wrdreg s12  }
0x24: {  	s21 =	sadd.s32 s7, s16;
	s9 =	sadd.s32 s20, s24;
	[dreg:$0x15] =	wrdreg s8  }
0x25: {  	s25 =	sadd.s32 s13, s2;
	s11 =	sadd.s32 $0x190, s1;
	[dreg:$0x16] =	wrdreg s17  }
0x26: {  	s22 =	sshrl.u32 s6, $0x3;
	s23 =	sadd.s32 $0x800, s18;
	[dreg:$0x17] =	wrdreg s21  }
0x27: {  	s6 =	simm.s32 $0x1E1F0;
	[dreg:$0x1a] =	wrdreg s9;
	s8 =	sadd.s32 s7, s24  }
0x28: {  	s26 =	sadd.s32 s15, s2;
	s12 =	sadd.s32 $0x140, s1;
	[smem:$0x7F9] =	sst s22  }
0x29: {  	s0 =	sshrl.u32 s11, $0x3;
	s1 =	sadd.s32 $0xF0, s1;
	[smem:$0x7FA] =	sst s23  }
0x2a: {  	v0 =	vlaneseq.u32;
	v1 =	vimm.f32 $0.0e+00;
	v41 =	vimm.f32 $1.000000000e+00;
	s10 =	smov.u32 s20;
	s19 =	sshrl.u32 s25, $0x3;
	[dreg:$0x1b] =	wrdreg s8  }
0x2b: {  	v2 =	vor.u32 $0x10, v0;
	v3 =	vor.u32 $0x20, v0;
	v4 =	vor.u32 $0x30, v0;
	s21 =	sshrl.u32 s14, $0x3;
	s24 =	sadd.s32 $0x1000, s18;
	[dreg:$0x1e] =	wrdreg s1  }
0x2c: {  	v5 =	vor.u32 $0x40, v0;
	v6 =	vor.u32 $0x50, v0;
	v7 =	vor.u32 $0x60, v0;
	s25 =	sadd.s32 $0x1800, s18;
	s22 =	simm.s32 $0x16900;
	[smem:$0x7F6] =	sst s19  }
0x2d: {  	v8 =	vor.u32 $0x70, v0;
	v9 =	vor.u32 $0x80, v0;
	v10 =	vor.u32 $0x90, v0;
	s23 =	simm.s32 $0x1;
	s14 =	simm.s32 $0x1E240;
	[smem:$0x7F8] =	sst s21  }
0x2e: {  	v11 =	vor.u32 $0xA0, v0;
	v12 =	vor.u32 $0xB0, v0;
	v13 =	vor.u32 $0xC0, v0;
	s11 =	simm.s32 $0x1E150;
	s13 =	sshrl.u32 s12, $0x3;
	[smem:$0x7FB] =	sst s24  }
0x2f: {  	v14 =	vor.u32 $0xD0, v0;
	v15 =	vor.u32 $0xE0, v0;
	v16 =	vor.u32 $0xF0, v0;
	s15 =	sadd.s32 s0, s7;
	s0 =	sadd.s32 s0, s20;
	[smem:$0x7FC] =	sst s25  }
0x30: {  	v17 =	vor.u32 $0x100, v0;
	v18 =	vor.u32 $0x110, v0;
	v19 =	vor.u32 $0x120, v0;
	s24 =	simm.s32 $0x2;
	s25 =	simm.s32 $0x3;
	s19 =	simm.s32 $0x9  }
0x31: {  	v20 =	vor.u32 $0x130, v0;
	v21 =	vor.u32 $0x140, v0;
	v22 =	vor.u32 $0x150, v0;
	s21 =	simm.s32 $0xA;
	s8 =	simm.s32 $0xB;
	[dreg:$0x1f] =	wrdreg s15  }
0x32: {  	v23 =	vor.u32 $0x160, v0;
	v24 =	vor.u32 $0x170, v0;
	v25 =	vor.u32 $0x180, v0;
	s1 =	simm.s32 $0x0;
	[smem:$0x7F3] =	sst s0;
	s16 =	sadd.s32 s13, s7  }
.Ltmp0:
0x33: {  	v26 =	vor.u32 $0x190, v0;
	v27 =	vor.u32 $0x1A0, v0;
	v28 =	vor.u32 $0x1B0, v0;
	s17 =	sadd.s32 s13, s20;
	[smem:$0x7F4] =	sst s16;
	(pc) =	sbr.rel .LBB2_1-.Ltmp0, $4  }
0x34: {  	v29 =	vor.u32 $0x1C0, v0;
	v30 =	vor.u32 $0x1D0, v0;
	v31 =	vor.u32 $0x1E0, v0;
	s12 =	simm.s32 $0x1E100;
	s20 =	sshrl.u32 s26, $0x3;
	[smem:$0x7F5] =	sst s17  }
0x35: {  	v32 =	vor.u32 $0x1F0, v0;
	v33 =	vor.u32 $0x200, v0;
	v34 =	vor.u32 $0x210, v0;
	s26 =	sadd.s32 $0x2000, s18;
	s18 =	simm.s32 $0x19100;
	[smem:$0x7F7] =	sst s20  }
0x36: {  	v35 =	vor.u32 $0x220, v0;
	v36 =	vor.u32 $0x230, v0;
	v37 =	vor.u32 $0x240, v0;
	s13 =	simm.s32 $0x1E1A0;
	[smem:$0x7FD] =	sst s26;
	s26 =	simm.s32 $0x4  }
0x37: {  	v38 =	vor.u32 $0x250, v0;
	v39 =	vor.u32 $0x260, v0;
	v40 =	vor.u32 $0x270, v0;
	s16 =	simm.s32 $0x1E290;
	s17 =	simm.s32 $0x50;
	s20 =	simm.s32 $0x1B900  }
.LBB2_8:
0x38: {  	_ =	swait.ge [sflag:s28], $0x2800  }
0x39: {  	[sflag:s28] =	ssyncset.done $0x0  }
0x3a: {  	[sflag:s28] =	ssyncadd.s32 $0xFFFFD800  }
0x3b: {  	_ =	swait.ge [sflag:s29], $0x2800  }
0x3c: {  	s1 =	simm.s32 $0x1E100;
	[sflag:s29] =	ssyncset.done $0x0  }
0x3d: {  	s7 =	simm.s32 $0xD;
	s0 =	rddreg [dreg:$0x16];
	[sflag:s29] =	ssyncadd.s32 $0xFFFFD800  }
0x3e: {  	[tilespmem:s1], [sflag:$0xD] =	stream.linear.gather [hbm4b:s0+s4], $0x50, $0x38;
	[tilespmem:$0x1E2E0] =	vst v63  }
0x3f: {  	_ =	swait.ge [sflag:s7], $0x50  }
0x40: {  	[sflag:s7] =	ssyncset.done $0x0  }
0x41: {  	s9 =	rddreg [dreg:$0x17];
	[sflag:s7] =	ssyncadd.s32 $0xFFFFFFB0  }
0x42: {  	[tilespmem:s6], [sflag:$0xD] =	stream.linear.gather [hbm4b:s9+s4], $0x50, $0x38;
	[tilespmem:$0x1E2E0] =	vst v63  }
0x43: {  	_ =	swait.ge [sflag:s7], $0x50  }
0x44: {  	[sflag:s7] =	ssyncset.done $0x0  }
0x45: {  	[sflag:s7] =	ssyncadd.s32 $0xFFFFFFB0  }
0x46: {  	[tilespmem:s22], [sflag:$0xD] =	stream.indirect.gather [hbm4b:s5+s17], $0x80, s1, s17, $0xb8;
	[tilespmem:$0x1E2E0] =	vst v63  }
0x47: {  	_ =	swait.ge [sflag:s7], $0x2800  }
0x48: {  	[sflag:s7] =	ssyncset.done $0x0  }
0x49: {  	[sflag:s7] =	ssyncadd.s32 $0xFFFFD800  }
0x4a: {  	[spmem:s2] =	stream.indirect.scatter.add.f32 [tilespmem:s22], [sflag:$0xD], $0x80, s6, s17, $0xb8;
	[tilespmem:$0x1E2E0] =	vst v63  }
0x4b: {  	_ =	swait.ge [sflag:s7], $0x2800  }
0x4c: {  	[sflag:s7] =	ssyncset.done $0x0  }
0x4d: {  	[sflag:s7] =	ssyncadd.s32 $0xFFFFD800  }
0x4e: {  	v42 =	vld [tilespmem:$0x1E1F0];
	_ =	sdelay $0x7  }
0x4f: {  	[tilespmem:v42+s4+$0x0] =	vst.idx.add.f32.msk $0xffff, v41  }
0x50: {  	v42 =	vld [tilespmem:$0x1E200];
	_ =	sdelay $0x7  }
0x51: {  	[tilespmem:v42+s4+$0x0] =	vst.idx.add.f32.msk $0xffff, v41  }
0x52: {  	v42 =	vld [tilespmem:$0x1E210];
	_ =	sdelay $0x7  }
0x53: {  	[tilespmem:v42+s4+$0x0] =	vst.idx.add.f32.msk $0xffff, v41  }
0x54: {  	v42 =	vld [tilespmem:$0x1E220];
	_ =	sdelay $0x7  }
0x55: {  	[tilespmem:v42+s4+$0x0] =	vst.idx.add.f32.msk $0xffff, v41  }
0x56: {  	v42 =	vld [tilespmem:$0x1E230];
	_ =	sdelay $0x7  }
0x57: {  	s15 =	rddreg [dreg:$0x1a];
	[tilespmem:v42+s4+$0x0] =	vst.idx.add.f32.msk $0xffff, v41  }
0x58: {  	[tilespmem:s1], [sflag:$0xD] =	stream.linear.gather [hbm4b:s15+s4], $0x50, $0x38;
	[tilespmem:$0x1E2E0] =	vst v63  }
0x59: {  	_ =	swait.ge [sflag:s7], $0x50  }
0x5a: {  	[sflag:s7] =	ssyncset.done $0x0  }
0x5b: {  	s9 =	rddreg [dreg:$0x1b];
	[sflag:s7] =	ssyncadd.s32 $0xFFFFFFB0  }
0x5c: {  	[tilespmem:s6], [sflag:$0xD] =	stream.linear.gather [hbm4b:s9+s4], $0x50, $0x38;
	[tilespmem:$0x1E2E0] =	vst v63  }
0x5d: {  	_ =	swait.ge [sflag:s7], $0x50  }
0x5e: {  	[sflag:s7] =	ssyncset.done $0x0  }
0x5f: {  	[sflag:s7] =	ssyncadd.s32 $0xFFFFFFB0  }
0x60: {  	[tilespmem:s22], [sflag:$0xD] =	stream.indirect.gather [hbm4b:s5+s17], $0x80, s1, s17, $0xb8;
	[tilespmem:$0x1E2E0] =	vst v63  }
0x61: {  	_ =	swait.ge [sflag:s7], $0x2800  }
0x62: {  	[sflag:s7] =	ssyncset.done $0x0  }
0x63: {  	[sflag:s7] =	ssyncadd.s32 $0xFFFFD800  }
0x64: {  	[spmem:s2] =	stream.indirect.scatter.add.f32 [tilespmem:s22], [sflag:$0xD], $0x80, s6, s17, $0xb8;
	[tilespmem:$0x1E2E0] =	vst v63  }
0x65: {  	_ =	swait.ge [sflag:s7], $0x2800  }
0x66: {  	[sflag:s7] =	ssyncset.done $0x0  }
0x67: {  	[sflag:s7] =	ssyncadd.s32 $0xFFFFD800  }
0x68: {  	v63 =	vld [tilespmem:$0x1E1F0];
	_ =	sdelay $0x7  }
0x69: {  	[tilespmem:v63+s4+$0x0] =	vst.idx.add.f32.msk $0xffff, v41  }
0x6a: {  	v42 =	vld [tilespmem:$0x1E200];
	_ =	sdelay $0x7  }
0x6b: {  	[tilespmem:v42+s4+$0x0] =	vst.idx.add.f32.msk $0xffff, v41  }
0x6c: {  	v42 =	vld [tilespmem:$0x1E210];
	_ =	sdelay $0x7  }
0x6d: {  	[tilespmem:v42+s4+$0x0] =	vst.idx.add.f32.msk $0xffff, v41  }
0x6e: {  	v42 =	vld [tilespmem:$0x1E220];
	_ =	sdelay $0x7  }
0x6f: {  	[tilespmem:v42+s4+$0x0] =	vst.idx.add.f32.msk $0xffff, v41  }
0x70: {  	v42 =	vld [tilespmem:$0x1E230];
	_ =	sdelay $0x7  }
0x71: {  	[tilespmem:v42+s4+$0x0] =	vst.idx.add.f32.msk $0xffff, v41  }
0x72: {  	[bflag:$0x0] =	sbarrier.arrive $0xFFFF  }
0x73: {  	s0 =	simm.s32 $0x80;
	s15 =	simm.s32 $0x2800;
	s9 =	rddreg [dreg:$0x3]  }
0x74: {  	[spmem:s9] =	stream.indirect.scatter.add.f32 [tilespmem:s4], [sflag:$0x1], $0x10, s15, s0, $0xb8;
	[tilespmem:$0x1E2E0] =	vst v63  }
0x75: {  	s7 =	simm.s32 $0x2880;
	s15 =	simm.s32 $0x800  }
0x76: {  	[spmem:s9] =	stream.indirect.scatter.add.f32 [tilespmem:s15], [sflag:$0x2], $0x10, s7, s0, $0xb8;
	[tilespmem:$0x1E2E0] =	vst v63  }
0x77: {  	s7 =	simm.s32 $0x2900;
	s15 =	simm.s32 $0x1000  }
0x78: {  	[spmem:s9] =	stream.indirect.scatter.add.f32 [tilespmem:s15], [sflag:$0x3], $0x10, s7, s0, $0xb8;
	[tilespmem:$0x1E2E0] =	vst v63  }
0x79: {  	s7 =	simm.s32 $0x2980;
	s15 =	simm.s32 $0x1800  }
0x7a: {  	[spmem:s9] =	stream.indirect.scatter.add.f32 [tilespmem:s15], [sflag:$0x4], $0x10, s7, s0, $0xb8;
	[tilespmem:$0x1E2E0] =	vst v63  }
0x7b: {  	s7 =	simm.s32 $0x2A00;
	s15 =	simm.s32 $0x2000  }
0x7c: {  	[spmem:s9] =	stream.indirect.scatter.add.f32 [tilespmem:s15], [sflag:$0x5], $0x10, s7, s0, $0xb8;
	[tilespmem:$0x1E2E0] =	vst v63  }
0x7d: {  	_ =	swait.ge [sflag:s23], $0x800  }
0x7e: {  	[sflag:s23] =	ssyncset.done $0x0  }
0x7f: {  	[sflag:s23] =	ssyncadd.s32 $0xFFFFF800  }
0x80: {  	_ =	swait.ge [sflag:s24], $0x800  }
0x81: {  	[sflag:s24] =	ssyncset.done $0x0  }
0x82: {  	[sflag:s24] =	ssyncadd.s32 $0xFFFFF800  }
0x83: {  	_ =	swait.ge [sflag:s25], $0x800  }
0x84: {  	[sflag:s25] =	ssyncset.done $0x0  }
0x85: {  	[sflag:s25] =	ssyncadd.s32 $0xFFFFF800  }
0x86: {  	_ =	swait.ge [sflag:s26], $0x800  }
0x87: {  	[sflag:s26] =	ssyncset.done $0x0  }
0x88: {  	[sflag:s26] =	ssyncadd.s32 $0xFFFFF800  }
0x89: {  	_ =	swait.ge [sflag:s28], $0x800  }
0x8a: {  	[sflag:s28] =	ssyncset.done $0x0  }
0x8b: {  	[sflag:s28] =	ssyncadd.s32 $0xFFFFF800  }
0x8c: {  	s7 =	stileid.u32;
	[bflag:$0x0] =	sbarrier.arrive $0xFFFF  }
0x8d: {  	s0 =	sshll.u32 s7, $0x6;
	s15 =	rddreg [dreg:$0x5]  }
0x8e: {  	s1 =	sor.u32 $0x1C01, s0;
	s7 =	sshrl.u32 s15, $0x3;
	s15 =	rddreg [dreg:$0x7]  }
0x8f: {  	[hbm:s15], [sflag:s1] =	dma.local [spmem:s7], $0x800  }
0x90: {  	s15 =	sld [smem:$0x7F6];
	_ =	sdelay $0x1  }
0x91: {  	s1 =	sor.u32 $0x1C02, s0;
	s7 =	rddreg [dreg:$0x8]  }
0x92: {  	[hbm:s7], [sflag:s1] =	dma.local [spmem:s15], $0x800  }
0x93: {  	s15 =	sld [smem:$0x7F7];
	_ =	sdelay $0x1  }
0x94: {  	s1 =	sor.u32 $0x1C03, s0;
	s7 =	rddreg [dreg:$0x9]  }
0x95: {  	[hbm:s7], [sflag:s1] =	dma.local [spmem:s15], $0x800  }
0x96: {  	s15 =	sld [smem:$0x7F8];
	_ =	sdelay $0x1  }
0x97: {  	s1 =	sor.u32 $0x1C04, s0;
	s7 =	rddreg [dreg:$0xa]  }
0x98: {  	[hbm:s7], [sflag:s1] =	dma.local [spmem:s15], $0x800  }
0x99: {  	s7 =	sld [smem:$0x7F9];
	_ =	sdelay $0x1  }
0x9a: {  	s0 =	sor.u32 $0x1C05, s0;
	s1 =	rddreg [dreg:$0xb]  }
0x9b: {  	[hbm:s1], [sflag:s0] =	dma.local [spmem:s7], $0x780  }
0x9c: {  	s0 =	sshrl.u32 @!p0 s9, $0x3;
	s1 =	simm.s32 @!p0 $0x1C06;
	s7 =	rddreg [dreg:$0x1c]  }
0x9d: {  	[hbm:s7], [sflag:s1] =	dma.local @!p0 [spmem:s0], $0x500  }
0x9e: {  	s0 =	simm.s32 @!p0 $0x6  }
0x9f: {  	_ =	swait.ge @!p0 [sflag:s0], $0x500  }
0xa0: {  	[sflag:s0] =	ssyncset.done @!p0 $0x0  }
0xa1: {  	[sflag:s0] =	ssyncadd.s32 @!p0 $0xFFFFFB00  }
0xa2: {  	_ =	swait.ge [sflag:s23], $0x800  }
0xa3: {  	[sflag:s23] =	ssyncset.done $0x0  }
0xa4: {  	[sflag:s23] =	ssyncadd.s32 $0xFFFFF800  }
0xa5: {  	_ =	swait.ge [sflag:s24], $0x800  }
0xa6: {  	[sflag:s24] =	ssyncset.done $0x0  }
0xa7: {  	[sflag:s24] =	ssyncadd.s32 $0xFFFFF800  }
0xa8: {  	_ =	swait.ge [sflag:s25], $0x800  }
0xa9: {  	[sflag:s25] =	ssyncset.done $0x0  }
0xaa: {  	[sflag:s25] =	ssyncadd.s32 $0xFFFFF800  }
0xab: {  	_ =	swait.ge [sflag:s26], $0x800  }
0xac: {  	[sflag:s26] =	ssyncset.done $0x0  }
0xad: {  	[sflag:s26] =	ssyncadd.s32 $0xFFFFF800  }
0xae: {  	_ =	swait.ge [sflag:s28], $0x780  }
0xaf: {  	s9 =	sld [smem:$0x7F2];
	_ =	sdelay $0x2  }
0xb0: {  	s15 =	rddreg [dreg:$0x1d];
	s1 =	sadd.s32 $0x1, s9  }
0xb1: {  	p1 =	sne.s32 s1, s15  }
.Ltmp1:
0xb2: {  	_ = 	snop;
	(pc) =	sbr.rel @!p1 .LBB2_9-.Ltmp1, $3  }
0xb3: {  	_ =	sdelay $0x1  }
0xb4: {  	[sflag:s28] =	ssyncset.done $0x0  }
0xb5: {  	[sflag:s28] =	ssyncadd.s32 $0xFFFFF880  }
.LBB2_1:
0xb6: {  	[smem:$0x7F2] =	sst s1;
	s1 =	simm.s32 $0x70;
	s9 =	simm.s32 $0x3C0  }
.LBB2_2:
0xb7: {  	p1 =	sne.s32 s9, $0x9FC0;
	[tilespmem:s1+$0x16900] =	vst v1  }
0xb8: {  	[tilespmem:s1+$0x16890] =	vst v1  }
0xb9: {  	[tilespmem:s1+$0x168A0] =	vst v1  }
.Ltmp2:
0xba: {  	[tilespmem:s1+$0x168B0] =	vst v1;
	(pc) =	sbr.rel @p1 .LBB2_2-.Ltmp2, $4  }
0xbb: {  	[tilespmem:s1+$0x168C0] =	vst v1  }
0xbc: {  	[tilespmem:s1+$0x168D0] =	vst v1  }
0xbd: {  	[tilespmem:s1+$0x168E0] =	vst v1  }
0xbe: {  	[tilespmem:s1+$0x168F0] =	vst v1;
	s1 =	sshra.s32 s9, $0x2;
	s9 =	sadd.s32 $0x200, s9  }
0xbf: {  	[tilespmem:s1+$0x16900] =	vst v1  }
0xc0: {  	[tilespmem:s1+$0x16890] =	vst v1  }
0xc1: {  	[tilespmem:s1+$0x168A0] =	vst v1  }
0xc2: {  	[tilespmem:s1+$0x168B0] =	vst v1  }
0xc3: {  	[tilespmem:s1+$0x168C0] =	vst v1  }
0xc4: {  	[tilespmem:s1+$0x168D0] =	vst v1  }
0xc5: {  	[tilespmem:s1+$0x168E0] =	vst v1  }
0xc6: {  	[tilespmem:s1+$0x168F0] =	vst v1;
	s1 =	simm.s32 $0x40;
	s9 =	simm.s32 $0x0  }
.LBB2_4:
0xc7: {  	p1 =	sne.s32 s1, $0x9FC0;
	[tilespmem:s9+$0x0] =	vst v1;
	s9 =	smov.u32 s1;
	s1 =	sadd.s32 $0x40, s1  }
.Ltmp3:
0xc8: {  	(pc) =	sbr.rel @p1 .LBB2_4-.Ltmp3, $2  }
0xc9: {  	_ =	sdelay $0x2  }
0xca: {  	s9 =	sshra.s32 s9, $0x2  }
0xcb: {  	[tilespmem:s9+$0x0] =	vst v1  }
0xcc: {  	[tilespmem:$0x2800] =	vst v0  }
0xcd: {  	[tilespmem:$0x2810] =	vst v2  }
0xce: {  	[tilespmem:$0x2820] =	vst v3  }
0xcf: {  	[tilespmem:$0x2830] =	vst v4  }
0xd0: {  	[tilespmem:$0x2840] =	vst v5  }
0xd1: {  	[tilespmem:$0x2850] =	vst v6  }
0xd2: {  	[tilespmem:$0x2860] =	vst v7  }
0xd3: {  	[tilespmem:$0x2870] =	vst v8  }
0xd4: {  	[tilespmem:$0x2880] =	vst v9  }
0xd5: {  	[tilespmem:$0x2890] =	vst v10  }
0xd6: {  	[tilespmem:$0x28A0] =	vst v11  }
0xd7: {  	[tilespmem:$0x28B0] =	vst v12  }
0xd8: {  	[tilespmem:$0x28C0] =	vst v13  }
0xd9: {  	[tilespmem:$0x28D0] =	vst v14  }
0xda: {  	[tilespmem:$0x28E0] =	vst v15  }
0xdb: {  	[tilespmem:$0x28F0] =	vst v16  }
0xdc: {  	[tilespmem:$0x2900] =	vst v17  }
0xdd: {  	[tilespmem:$0x2910] =	vst v18  }
0xde: {  	[tilespmem:$0x2920] =	vst v19  }
0xdf: {  	[tilespmem:$0x2930] =	vst v20  }
0xe0: {  	[tilespmem:$0x2940] =	vst v21  }
0xe1: {  	[tilespmem:$0x2950] =	vst v22  }
0xe2: {  	[tilespmem:$0x2960] =	vst v23  }
0xe3: {  	[tilespmem:$0x2970] =	vst v24  }
0xe4: {  	[tilespmem:$0x2980] =	vst v25  }
0xe5: {  	[tilespmem:$0x2990] =	vst v26  }
0xe6: {  	[tilespmem:$0x29A0] =	vst v27  }
0xe7: {  	[tilespmem:$0x29B0] =	vst v28  }
0xe8: {  	[tilespmem:$0x29C0] =	vst v29  }
0xe9: {  	[tilespmem:$0x29D0] =	vst v30  }
0xea: {  	[tilespmem:$0x29E0] =	vst v31  }
0xeb: {  	[tilespmem:$0x29F0] =	vst v32  }
0xec: {  	[tilespmem:$0x2A00] =	vst v33  }
0xed: {  	[tilespmem:$0x2A10] =	vst v34  }
0xee: {  	[tilespmem:$0x2A20] =	vst v35  }
0xef: {  	[tilespmem:$0x2A30] =	vst v36  }
0xf0: {  	[tilespmem:$0x2A40] =	vst v37  }
0xf1: {  	[tilespmem:$0x2A50] =	vst v38  }
0xf2: {  	[tilespmem:$0x2A60] =	vst v39  }
0xf3: {  	s0 =	rddreg [dreg:$0x5];
	[tilespmem:$0x2A70] =	vst v40  }
0xf4: {  	[spmem:s0] =	stream.linear.scatter [tilespmem:s22], [sflag:$0x1], $0x2800, $0x38;
	[tilespmem:$0x1E2E0] =	vst v63  }
0xf5: {  	s1 =	rddreg [dreg:$0x6]  }
0xf6: {  	[spmem:s1] =	stream.linear.scatter [tilespmem:s22], [sflag:$0x2], $0x2800, $0x38;
	[tilespmem:$0x1E2E0] =	vst v63  }
0xf7: {  	s7 =	rddreg [dreg:$0xc]  }
0xf8: {  	[spmem:s7] =	stream.linear.scatter [tilespmem:s22], [sflag:$0x3], $0x2800, $0x38;
	[tilespmem:$0x1E2E0] =	vst v63  }
0xf9: {  	s9 =	rddreg [dreg:$0xd]  }
0xfa: {  	[spmem:s9] =	stream.linear.scatter [tilespmem:s22], [sflag:$0x4], $0x2800, $0x38;
	[tilespmem:$0x1E2E0] =	vst v63  }
0xfb: {  	s15 =	rddreg [dreg:$0xe]  }
0xfc: {  	[spmem:s15] =	stream.linear.scatter [tilespmem:s22], [sflag:$0x5], $0x2800, $0x38;
	[tilespmem:$0x1E2E0] =	vst v63  }
0xfd: {  	s1 =	rddreg [dreg:$0xf]  }
0xfe: {  	[spmem:s1] =	stream.linear.scatter [tilespmem:s22], [sflag:$0x6], $0x2800, $0x38;
	[tilespmem:$0x1E2E0] =	vst v63  }
0xff: {  	s7 =	rddreg [dreg:$0x10]  }
0x100: {  	[spmem:s7] =	stream.linear.scatter [tilespmem:s22], [sflag:$0x7], $0x2800, $0x38;
	[tilespmem:$0x1E2E0] =	vst v63  }
0x101: {  	s9 =	rddreg [dreg:$0x11]  }
0x102: {  	[spmem:s9] =	stream.linear.scatter [tilespmem:s22], [sflag:$0x8], $0x2400, $0x38;
	[tilespmem:$0x1E2E0] =	vst v63  }
0x103: {  	_ =	swait.ge [sflag:s23], $0x2800  }
0x104: {  	[sflag:s23] =	ssyncset.done $0x0  }
0x105: {  	[sflag:s23] =	ssyncadd.s32 $0xFFFFD800  }
0x106: {  	_ =	swait.ge [sflag:s24], $0x2800  }
0x107: {  	[sflag:s24] =	ssyncset.done $0x0  }
0x108: {  	[sflag:s24] =	ssyncadd.s32 $0xFFFFD800  }
0x109: {  	_ =	swait.ge [sflag:s25], $0x2800  }
0x10a: {  	[sflag:s25] =	ssyncset.done $0x0  }
0x10b: {  	[sflag:s25] =	ssyncadd.s32 $0xFFFFD800  }
0x10c: {  	_ =	swait.ge [sflag:s26], $0x2800  }
0x10d: {  	[sflag:s26] =	ssyncset.done $0x0  }
0x10e: {  	[sflag:s26] =	ssyncadd.s32 $0xFFFFD800  }
0x10f: {  	_ =	swait.ge [sflag:s28], $0x2800  }
0x110: {  	[sflag:s28] =	ssyncset.done $0x0  }
0x111: {  	[sflag:s28] =	ssyncadd.s32 $0xFFFFD800  }
0x112: {  	_ =	swait.ge [sflag:s29], $0x2800  }
0x113: {  	[sflag:s29] =	ssyncset.done $0x0  }
0x114: {  	[sflag:s29] =	ssyncadd.s32 $0xFFFFD800  }
0x115: {  	_ =	swait.ge [sflag:s30], $0x2800  }
0x116: {  	[sflag:s30] =	ssyncset.done $0x0  }
0x117: {  	[sflag:s30] =	ssyncadd.s32 $0xFFFFD800  }
0x118: {  	_ =	swait.ge [sflag:s31], $0x2400  }
0x119: {  	[sflag:s31] =	ssyncset.done $0x0  }
0x11a: {  	[sflag:s31] =	ssyncadd.s32 $0xFFFFDC00  }
0x11b: {  	s1 =	simm.s32 @!p0 $0x0;
	s0 =	rddreg [dreg:$0x3]  }
0x11c: {  	[spmem:s0] =	stream.linear.scatter @!p0 [tilespmem:s1], [sflag:$0x1], $0x800, $0x38;
	[tilespmem:$0x1E2E0] =	vst v63  }
0x11d: {  	s0 =	sld [smem:$0x7FA];
	_ =	sdelay $0x1  }
0x11e: {  	s1 =	simm.s32 @!p0 $0x800  }
0x11f: {  	[spmem:s0] =	stream.linear.scatter @!p0 [tilespmem:s1], [sflag:$0x2], $0x800, $0x38;
	[tilespmem:$0x1E2E0] =	vst v63  }
0x120: {  	s0 =	sld [smem:$0x7FB];
	_ =	sdelay $0x1  }
0x121: {  	s1 =	simm.s32 @!p0 $0x1000  }
0x122: {  	[spmem:s0] =	stream.linear.scatter @!p0 [tilespmem:s1], [sflag:$0x3], $0x800, $0x38;
	[tilespmem:$0x1E2E0] =	vst v63  }
0x123: {  	s0 =	sld [smem:$0x7FC];
	_ =	sdelay $0x1  }
0x124: {  	s1 =	simm.s32 @!p0 $0x1800  }
0x125: {  	[spmem:s0] =	stream.linear.scatter @!p0 [tilespmem:s1], [sflag:$0x4], $0x800, $0x38;
	[tilespmem:$0x1E2E0] =	vst v63  }
0x126: {  	s0 =	sld [smem:$0x7FD];
	_ =	sdelay $0x1  }
0x127: {  	s1 =	simm.s32 @!p0 $0x2000  }
0x128: {  	[spmem:s0] =	stream.linear.scatter @!p0 [tilespmem:s1], [sflag:$0x5], $0x800, $0x38;
	[tilespmem:$0x1E2E0] =	vst v63  }
0x129: {  	s1 =	simm.s32 @!p0 $0x1  }
0x12a: {  	_ =	swait.ge @!p0 [sflag:s1], $0x800  }
0x12b: {  	[sflag:s1] =	ssyncset.done @!p0 $0x0  }
0x12c: {  	[sflag:s1] =	ssyncadd.s32 @!p0 $0xFFFFF800;
	s1 =	simm.s32 @!p0 $0x2  }
0x12d: {  	_ =	swait.ge @!p0 [sflag:s1], $0x800  }
0x12e: {  	[sflag:s1] =	ssyncset.done @!p0 $0x0  }
0x12f: {  	[sflag:s1] =	ssyncadd.s32 @!p0 $0xFFFFF800;
	s1 =	simm.s32 @!p0 $0x3  }
0x130: {  	_ =	swait.ge @!p0 [sflag:s1], $0x800  }
0x131: {  	[sflag:s1] =	ssyncset.done @!p0 $0x0  }
0x132: {  	[sflag:s1] =	ssyncadd.s32 @!p0 $0xFFFFF800;
	s1 =	simm.s32 @!p0 $0x4  }
0x133: {  	_ =	swait.ge @!p0 [sflag:s1], $0x800  }
0x134: {  	[sflag:s1] =	ssyncset.done @!p0 $0x0  }
0x135: {  	[sflag:s1] =	ssyncadd.s32 @!p0 $0xFFFFF800;
	s1 =	simm.s32 @!p0 $0x5  }
0x136: {  	_ =	swait.ge @!p0 [sflag:s1], $0x800  }
0x137: {  	[sflag:s1] =	ssyncset.done @!p0 $0x0  }
0x138: {  	[sflag:s1] =	ssyncadd.s32 @!p0 $0xFFFFF800  }
0x139: {  	[bflag:$0x0] =	sbarrier.arrive $0xFFFF  }
0x13a: {  	s7 =	simm.s32 $0x1E100;
	s1 =	simm.s32 $0x0;
	s15 =	rddreg [dreg:$0x18]  }
0x13b: {  	[tilespmem:s7], [sflag:$0x7] =	stream.linear.gather [hbm4b:s15+s1], $0x50, $0x38;
	[tilespmem:$0x1E2E0] =	vst v63  }
0x13c: {  	s9 =	rddreg [dreg:$0x19]  }
0x13d: {  	[tilespmem:s6], [sflag:$0xA] =	stream.linear.gather [hbm4b:s9+s1], $0x50, $0x38;
	[tilespmem:$0x1E2E0] =	vst v63  }
0x13e: {  	s15 =	rddreg [dreg:$0x12];
	s9 =	simm.s32 $0x1E150  }
0x13f: {  	[tilespmem:s9], [sflag:$0x8] =	stream.linear.gather [hbm4b:s15+s1], $0x50, $0x38;
	[tilespmem:$0x1E2E0] =	vst v63  }
0x140: {  	s15 =	rddreg [dreg:$0x13]  }
0x141: {  	[tilespmem:s14], [sflag:$0xB] =	stream.linear.gather [hbm4b:s15+s1], $0x50, $0x38;
	[tilespmem:$0x1E2E0] =	vst v63  }
0x142: {  	s0 =	rddreg [dreg:$0x14];
	s15 =	simm.s32 $0x1E1A0  }
0x143: {  	[tilespmem:s15], [sflag:$0x9] =	stream.linear.gather [hbm4b:s0+s1], $0x50, $0x38;
	[tilespmem:$0x1E2E0] =	vst v63  }
0x144: {  	s0 =	rddreg [dreg:$0x15]  }
0x145: {  	[tilespmem:s16], [sflag:$0xC] =	stream.linear.gather [hbm4b:s0+s1], $0x50, $0x38;
	[tilespmem:$0x1E2E0] =	vst v63  }
0x146: {  	_ =	swait.ge [sflag:s30], $0x50  }
0x147: {  	[sflag:s30] =	ssyncset.done $0x0  }
0x148: {  	[sflag:s30] =	ssyncadd.s32 $0xFFFFFFB0  }
0x149: {  	[tilespmem:s22], [sflag:$0x1] =	stream.indirect.gather [hbm4b:s5+s17], $0x80, s7, s17, $0xb8;
	[tilespmem:$0x1E2E0] =	vst v63  }
0x14a: {  	_ =	swait.ge [sflag:s31], $0x50  }
0x14b: {  	[sflag:s31] =	ssyncset.done $0x0  }
0x14c: {  	[sflag:s31] =	ssyncadd.s32 $0xFFFFFFB0  }
0x14d: {  	[tilespmem:s18], [sflag:$0x2] =	stream.indirect.gather [hbm4b:s5+s17], $0x80, s9, s17, $0xb8;
	[tilespmem:$0x1E2E0] =	vst v63  }
0x14e: {  	_ =	swait.ge [sflag:s19], $0x50  }
0x14f: {  	[sflag:s19] =	ssyncset.done $0x0  }
0x150: {  	s9 =	rddreg [dreg:$0x1e];
	[sflag:s19] =	ssyncadd.s32 $0xFFFFFFB0  }
0x151: {  	[tilespmem:s20], [sflag:$0x3] =	stream.indirect.gather [hbm4b:s5+s17], $0x80, s15, s17, $0xb8;
	[tilespmem:$0x1E2E0] =	vst v63  }
.LBB2_6:
0x152: {  	_ =	swait.ge [sflag:s23], $0x2800;
	p1 =	seq.s32 s1, $0x4B0  }
0x153: {  	[sflag:s23] =	ssyncset.done $0x0;
	s15 =	sshrl.u32 @!p1 s9, $0x3;
	s0 =	simm.s32 @!p1 $0x0  }
0x154: {  	s7 =	simm.s32 @!p1 $0x1E100;
	[sflag:s23] =	ssyncadd.s32 $0xFFFFD800;
	s15 =	sadd.s32 @!p1 s10, s15  }
0x155: {  	[tilespmem:s7], [sflag:$0x7] =	stream.linear.gather @!p1 [hbm4b:s15+s0], $0x50, $0x38;
	[tilespmem:$0x1E2E0] =	vst v63  }
0x156: {  	_ =	swait.ge [sflag:s21], $0x50  }
0x157: {  	[sflag:s21] =	ssyncset.done $0x0  }
0x158: {  	[sflag:s21] =	ssyncadd.s32 $0xFFFFFFB0  }
0x159: {  	[spmem:s2] =	stream.indirect.scatter.add.f32 [tilespmem:s22], [sflag:$0x4], $0x80, s6, s17, $0xb8;
	[tilespmem:$0x1E2E0] =	vst v63  }
0x15a: {  	v42 =	vld [tilespmem:$0x1E1F0];
	_ =	sdelay $0x7  }
0x15b: {  	[tilespmem:v42+s4+$0x0] =	vst.idx.add.f32.msk $0xffff, v41  }
0x15c: {  	v42 =	vld [tilespmem:$0x1E200];
	_ =	sdelay $0x7  }
0x15d: {  	[tilespmem:v42+s4+$0x0] =	vst.idx.add.f32.msk $0xffff, v41  }
0x15e: {  	v42 =	vld [tilespmem:$0x1E210];
	_ =	sdelay $0x7  }
0x15f: {  	[tilespmem:v42+s4+$0x0] =	vst.idx.add.f32.msk $0xffff, v41  }
0x160: {  	v42 =	vld [tilespmem:$0x1E220];
	_ =	sdelay $0x7  }
0x161: {  	[tilespmem:v42+s4+$0x0] =	vst.idx.add.f32.msk $0xffff, v41  }
0x162: {  	v42 =	vld [tilespmem:$0x1E230];
	_ =	sdelay $0x7  }
0x163: {  	[tilespmem:v42+s4+$0x0] =	vst.idx.add.f32.msk $0xffff, v41  }
0x164: {  	_ =	swait.ge [sflag:s24], $0x2800  }
0x165: {  	s7 =	sld [smem:$0x7F5];
	_ =	sdelay $0x1  }
0x166: {  	[sflag:s24] =	ssyncset.done $0x0  }
0x167: {  	s15 =	simm.s32 @!p1 $0x1E150;
	[sflag:s24] =	ssyncadd.s32 $0xFFFFD800;
	s7 =	sadd.s32 @!p1 s1, s7  }
0x168: {  	[tilespmem:s15], [sflag:$0x8] =	stream.linear.gather @!p1 [hbm4b:s7+s0], $0x50, $0x38;
	[tilespmem:$0x1E2E0] =	vst v63  }
0x169: {  	_ =	swait.ge [sflag:s8], $0x50  }
0x16a: {  	[sflag:s8] =	ssyncset.done $0x0  }
0x16b: {  	[sflag:s8] =	ssyncadd.s32 $0xFFFFFFB0  }
0x16c: {  	[spmem:s2] =	stream.indirect.scatter.add.f32 [tilespmem:s18], [sflag:$0x5], $0x80, s14, s17, $0xb8;
	[tilespmem:$0x1E2E0] =	vst v63  }
0x16d: {  	v62 =	vld [tilespmem:$0x1E240];
	_ =	sdelay $0x7  }
0x16e: {  	[tilespmem:v62+s4+$0x0] =	vst.idx.add.f32.msk $0xffff, v41  }
0x16f: {  	v42 =	vld [tilespmem:$0x1E250];
	_ =	sdelay $0x7  }
0x170: {  	[tilespmem:v42+s4+$0x0] =	vst.idx.add.f32.msk $0xffff, v41  }
0x171: {  	v42 =	vld [tilespmem:$0x1E260];
	_ =	sdelay $0x7  }
0x172: {  	[tilespmem:v42+s4+$0x0] =	vst.idx.add.f32.msk $0xffff, v41  }
0x173: {  	v42 =	vld [tilespmem:$0x1E270];
	_ =	sdelay $0x7  }
0x174: {  	[tilespmem:v42+s4+$0x0] =	vst.idx.add.f32.msk $0xffff, v41  }
0x175: {  	v42 =	vld [tilespmem:$0x1E280];
	_ =	sdelay $0x7  }
0x176: {  	[tilespmem:v42+s4+$0x0] =	vst.idx.add.f32.msk $0xffff, v41  }
0x177: {  	_ =	swait.ge [sflag:s25], $0x2800  }
0x178: {  	s7 =	sld [smem:$0x7F3];
	_ =	sdelay $0x1  }
0x179: {  	[sflag:s25] =	ssyncset.done $0x0  }
0x17a: {  	s15 =	simm.s32 @!p1 $0x1E1A0;
	[sflag:s25] =	ssyncadd.s32 $0xFFFFD800;
	s7 =	sadd.s32 @!p1 s1, s7  }
0x17b: {  	[tilespmem:s15], [sflag:$0x9] =	stream.linear.gather @!p1 [hbm4b:s7+s0], $0x50, $0x38;
	[tilespmem:$0x1E2E0] =	vst v63  }
0x17c: {  	_ =	swait.ge [sflag:s3], $0x50  }
0x17d: {  	[sflag:s3] =	ssyncset.done $0x0  }
0x17e: {  	[sflag:s3] =	ssyncadd.s32 $0xFFFFFFB0  }
0x17f: {  	[spmem:s2] =	stream.indirect.scatter.add.f32 [tilespmem:s20], [sflag:$0x6], $0x80, s16, s17, $0xb8;
	[tilespmem:$0x1E2E0] =	vst v63  }
0x180: {  	v63 =	vld [tilespmem:$0x1E290];
	_ =	sdelay $0x7  }
0x181: {  	[tilespmem:v63+s4+$0x0] =	vst.idx.add.f32.msk $0xffff, v41  }
0x182: {  	v42 =	vld [tilespmem:$0x1E2A0];
	_ =	sdelay $0x7  }
0x183: {  	[tilespmem:v42+s4+$0x0] =	vst.idx.add.f32.msk $0xffff, v41  }
0x184: {  	v42 =	vld [tilespmem:$0x1E2B0];
	_ =	sdelay $0x7  }
0x185: {  	[tilespmem:v42+s4+$0x0] =	vst.idx.add.f32.msk $0xffff, v41  }
0x186: {  	v42 =	vld [tilespmem:$0x1E2C0];
	_ =	sdelay $0x7  }
0x187: {  	[tilespmem:v42+s4+$0x0] =	vst.idx.add.f32.msk $0xffff, v41  }
0x188: {  	v42 =	vld [tilespmem:$0x1E2D0];
	_ =	sdelay $0x6  }
.Ltmp4:
0x189: {  	_ = 	snop;
	(pc) =	sbr.rel @p1 .LBB2_8-.Ltmp4, $4  }
0x18a: {  	[tilespmem:v42+s4+$0x0] =	vst.idx.add.f32.msk $0xffff, v41  }
0x18b: {  	_ =	swait.ge [sflag:s26], $0x2800  }
0x18c: {  	[sflag:s26] =	ssyncset.done $0x0  }
0x18d: {  	[sflag:s26] =	ssyncadd.s32 $0xFFFFD800  }
0x18e: {  	s0 =	sshrl.u32 s9, $0x3;
	s7 =	rddreg [dreg:$0x1]  }
0x18f: {  	s0 =	sadd.s32 s7, s0  }
0x190: {  	[tilespmem:s6], [sflag:$0xA] =	stream.linear.gather [hbm4b:s0+s4], $0x50, $0x38;
	[tilespmem:$0x1E2E0] =	vst v63  }
0x191: {  	_ =	swait.ge [sflag:s30], $0x50  }
0x192: {  	[sflag:s30] =	ssyncset.done $0x0  }
0x193: {  	[sflag:s30] =	ssyncadd.s32 $0xFFFFFFB0  }
0x194: {  	[tilespmem:s22], [sflag:$0x1] =	stream.indirect.gather [hbm4b:s5+s17], $0x80, s12, s17, $0xb8;
	[tilespmem:$0x1E2E0] =	vst v63  }
0x195: {  	_ =	swait.ge [sflag:s28], $0x2800  }
0x196: {  	s7 =	sld [smem:$0x7F4];
	_ =	sdelay $0x1  }
0x197: {  	[sflag:s28] =	ssyncset.done $0x0  }
0x198: {  	[sflag:s28] =	ssyncadd.s32 $0xFFFFD800;
	s0 =	sadd.s32 s1, s7  }
0x199: {  	[tilespmem:s14], [sflag:$0xB] =	stream.linear.gather [hbm4b:s0+s4], $0x50, $0x38;
	[tilespmem:$0x1E2E0] =	vst v63  }
0x19a: {  	_ =	swait.ge [sflag:s31], $0x50  }
0x19b: {  	[sflag:s31] =	ssyncset.done $0x0  }
0x19c: {  	[sflag:s31] =	ssyncadd.s32 $0xFFFFFFB0  }
0x19d: {  	[tilespmem:s18], [sflag:$0x2] =	stream.indirect.gather [hbm4b:s5+s17], $0x80, s11, s17, $0xb8;
	[tilespmem:$0x1E2E0] =	vst v63  }
0x19e: {  	_ =	swait.ge [sflag:s29], $0x2800  }
0x19f: {  	[sflag:s29] =	ssyncset.done $0x0;
	s15 =	rddreg [dreg:$0x1f]  }
0x1a0: {  	[sflag:s29] =	ssyncadd.s32 $0xFFFFD800;
	s0 =	sadd.s32 s1, s15  }
0x1a1: {  	[tilespmem:s16], [sflag:$0xC] =	stream.linear.gather [hbm4b:s0+s4], $0x50, $0x38;
	[tilespmem:$0x1E2E0] =	vst v63  }
.Ltmp5:
0x1a2: {  	_ = 	snop;
	(pc) =	sbr.rel .LBB2_6-.Ltmp5, $4  }
0x1a3: {  	_ =	swait.ge [sflag:s19], $0x50  }
0x1a4: {  	[sflag:s19] =	ssyncset.done $0x0  }
0x1a5: {  	s9 =	sadd.s32 $0xF0, s9;
	s1 =	sadd.s32 $0x1E, s1;
	[sflag:s19] =	ssyncadd.s32 $0xFFFFFFB0  }
0x1a6: {  	[tilespmem:s20], [sflag:$0x3] =	stream.indirect.gather [hbm4b:s5+s17], $0x80, s13, s17, $0xb8;
	[tilespmem:$0x1E2E0] =	vst v63  }
.LBB2_9:
0x1a7: {  	_ =	sfence.sel $0x180000  }
0x1a8: {  	[bflag:$0x0] =	sbarrier.arrive $0xFFFF  }
0x1a9: {  	_ =	strace $0x90000047  }
0x1aa: {  	[bflag:$0x2] =	sbarrier.arrive $0xFFFF  }
0x1ab: {  	s0 =	rddreg [dreg:$0x4]  }
0x1ac: {  	s0 =	sadd.s32 @!p0 $0x100000, s0  }
0x1ad: {  	[sflag:s0] =	ssyncadd.tile.s32 @!p0 $0x1;
	_ =	shalt  }
.Lfunc_end2:
_tile_overlayer_lowered:
.L_overlay_start_2:
0x1ae: {  	(tag) =	ssettag $0x2  }
0x1af: {  	s0 =	rddreg [dreg:$0x0];
	s2 =	stileid.u32  }
0x1b0: {  	s1 =	rddreg [dreg:$0x1];
	p0 =	sne.s32 s2, $0x0  }
0x1b1: {  	s3 =	rddreg [dreg:$0x2];
	[bflag:$0x3] =	sbarrier.arrive $0xFFFF;
	s2 =	simm.s32 @!p0 $0x1C0D  }
0x1b2: {  	[timem:s3], [sflag:s2] =	dma.local @!p0 [hbm:s0], s1  }
0x1b3: {  	s0 =	simm.s32 @!p0 $0xD  }
0x1b4: {  	_ =	swait.ge @!p0 [sflag:s0], s1  }
0x1b5: {  	s1 =	ssub.s32 @!p0 $0x0, s1;
	[sflag:s0] =	ssyncset.done @!p0 $0x0  }
0x1b6: {  	[sflag:s0] =	ssyncadd.s32 @!p0 s1  }
0x1b7: {  	[bflag:$0x3] =	sbarrier.arrive $0xFFFF  }
0x1b8: {  	_ =	shalt  }

</sc_bundles>
